<compile_context>
chip_gen: v7x
topology: tpu7x:2x2x1
jax: 0.10.2.dev20260603
libtpu: 0.0.44.dev20260713+nightly
codegen_flags: <defaults>
</compile_context>

<pallas_src>
import jax
import jax.numpy as jnp
from jax import lax
from jax.experimental import pallas as pl
from jax.experimental.pallas import tpu as pltpu
from jax.experimental.pallas import tpu_sc as plsc

N_NODES = 10000
N_USERS = 4000
N_ITEMS = 6000
D_FEAT = 128
N_EDGES = 320000
N_CONVS = 3

L = 16
F_PER_TILE = 4
C = 1280
NCH = N_EDGES // C


TILE_W = F_PER_TILE * N_NODES


def _sc_body(emb_hbm, sd_hbm, w_hbm, out_hbm,
             tab_a, tab_b, tot, sdbuf, wbuf, sems):
    c = lax.axis_index("c")
    s = lax.axis_index("s")
    tile = c * 16 + s
    rows = pl.ds(tile * TILE_W, TILE_W)

    def issue(b, ch):
        off = pl.ds(ch * C, C)
        pltpu.async_copy(sd_hbm.at[off], sdbuf.at[b], sems.at[b])
        pltpu.async_copy(w_hbm.at[off], wbuf.at[b], sems.at[b])

    def drain(b, ch):
        off = pl.ds(ch * C, C)
        pltpu.make_async_copy(sd_hbm.at[off], sdbuf.at[b], sems.at[b]).wait()
        pltpu.make_async_copy(w_hbm.at[off], wbuf.at[b], sems.at[b]).wait()

    def zero(ref):
        z = jnp.zeros((L,), jnp.float32)

        @plsc.parallel_loop(0, TILE_W // L, unroll=4)
        def _(i):
            ref[pl.ds(i * L, L)] = z

    def acc_tot(ref):
        @plsc.parallel_loop(0, TILE_W // L, unroll=4)
        def _(i):
            sl = pl.ds(i * L, L)
            tot[sl] = tot[sl] + ref[sl]

    def process(b, rd, wr):
        rds = [rd.at[pl.ds(f * N_NODES, N_NODES)] for f in range(F_PER_TILE)]
        wrs = [wr.at[pl.ds(f * N_NODES, N_NODES)] for f in range(F_PER_TILE)]

        @plsc.parallel_loop(0, C // L, unroll=4)
        def _(i):
            sl = pl.ds(i * L, L)
            sd16 = sdbuf[b, sl]
            s16 = jax.lax.shift_right_logical(sd16, 14)
            d16 = jax.lax.bitwise_and(sd16, jnp.int32(16383))
            w16 = wbuf[b, sl]
            for f in range(F_PER_TILE):
                g = plsc.load_gather(rds[f], [s16])
                plsc.addupdate_scatter(wrs[f], [d16], g * w16)

    def edge_pass(rd, wr):
        @pl.loop(0, NCH, step=2)
        def _(g):
            for b in range(2):
                ch = g + b
                drain(b, ch)
                process(b, rd, wr)
                nxt = ch + 2

                @pl.when(nxt < NCH)
                def _():
                    issue(b, nxt)

    def prime():
        issue(0, 0)
        issue(1, 1)

    da = pltpu.async_copy(emb_hbm.at[rows], tab_a, sems.at[2])
    dt = pltpu.async_copy(emb_hbm.at[rows], tot, sems.at[2])
    prime()
    zero(tab_b)
    da.wait()
    dt.wait()

    edge_pass(tab_a, tab_b)
    prime()
    acc_tot(tab_b)
    zero(tab_a)
    edge_pass(tab_b, tab_a)
    prime()
    acc_tot(tab_a)
    zero(tab_b)
    edge_pass(tab_a, tab_b)

    @pl.loop(0, TILE_W // L, unroll=4)
    def _(i):
        sl = pl.ds(i * L, L)
        tab_a[sl] = (tot[sl] + tab_b[sl]) * 0.25
    pltpu.async_copy(tab_a, out_hbm.at[rows], sems.at[2]).wait()


def kernel(all_emb, edge_index, edge_weight):
    sd = (edge_index[0].astype(jnp.int32) << 14) | edge_index[1].astype(jnp.int32)
    w = edge_weight.astype(jnp.float32)
    emb_t = all_emb.T.reshape(-1)

    sc_kernel = pl.kernel(
        _sc_body,
        out_type=jax.ShapeDtypeStruct((D_FEAT * N_NODES,), jnp.float32),
        mesh=plsc.VectorSubcoreMesh(core_axis_name="c", subcore_axis_name="s"),
        compiler_params=pltpu.CompilerParams(needs_layout_passes=False),
        scratch_types=[
            pltpu.VMEM((TILE_W,), jnp.float32),
            pltpu.VMEM((TILE_W,), jnp.float32),
            pltpu.VMEM((TILE_W,), jnp.float32),
            pltpu.VMEM((2, C), jnp.int32),
            pltpu.VMEM((2, C), jnp.float32),
            pltpu.SemaphoreType.DMA((3,)),
        ],
    )
    out_t = sc_kernel(emb_t, sd, w)
    light_out = out_t.reshape(D_FEAT, N_NODES).T
    return (light_out[:N_USERS], light_out[N_USERS:N_USERS + N_ITEMS])

# --- scband reference (transcript-rebuilt; emitter-appended) ---
"""Pipeline reference for scband-graph-conv-32504312496863 (READ-ONLY COPY).

The authoritative reference and input builder live on the scoring server;
editing this copy changes nothing except your own understanding.
"""

import jax, jax.numpy as jnp
import numpy as np

N_NODES = 10000
N_USERS = 4000
N_ITEMS = 6000
CONVS = 3
D_FEAT = 128
N_EDGES = 320000


def setup_inputs(seed: int = 0) -> dict:
    key = jax.random.key(seed)
    k1, k2, k3 = jax.random.split(key, 3)
    all_emb = jax.random.normal(k1, (N_NODES, D_FEAT), dtype=jnp.float32)
    edge_index = jax.random.randint(k2, (2, N_EDGES), 0, N_NODES, dtype=jnp.int64)
    edge_weight = jax.random.uniform(k3, (N_EDGES,), dtype=jnp.float32)
    return {"all_emb": all_emb, "edge_index": edge_index, "edge_weight": edge_weight}


def reference(all_emb, edge_index, edge_weight):
    # torch.sparse.mm(adj, emb) == scatter-add of weighted source features into dst rows
    src = edge_index[0]
    dst = edge_index[1]
    embs = [all_emb]
    temp_emb = all_emb
    for _ in range(CONVS):
        msgs = jnp.take(temp_emb, src, axis=0) * edge_weight[:, None]
        temp_emb = jax.ops.segment_sum(msgs, dst, num_segments=N_NODES)
        embs.append(temp_emb)
    embs = jnp.stack(embs, axis=1)
    light_out = jnp.mean(embs, axis=1)
    user_emb = light_out[:N_USERS]
    item_emb = light_out[N_USERS:N_USERS + N_ITEMS]
    return (user_emb, item_emb)

if __name__ == "__main__":
    import jax
    _d = setup_inputs()
    print(jax.jit(kernel)(*tuple(_d.values())))

</pallas_src>

<mosaic_0001>
#map = affine_map<(d0, d1) -> (0)>
module attributes {stable_mosaic.version = 14 : i64} {
  func.func @_sc_body(%arg0: i32, %arg1: i32, %arg2: memref<1280000xf32, #tpu.memory_space<hbm>>, %arg3: memref<320000xi32, #tpu.memory_space<hbm>>, %arg4: memref<320000xf32, #tpu.memory_space<hbm>>, %arg5: memref<1280000xf32, #tpu.memory_space<hbm>>, %arg6: memref<40000xf32, #tpu.memory_space<vmem>>, %arg7: memref<40000xf32, #tpu.memory_space<vmem>>, %arg8: memref<40000xf32, #tpu.memory_space<vmem>>, %arg9: memref<2x1280xi32, #tpu.memory_space<vmem>>, %arg10: memref<2x1280xf32, #tpu.memory_space<vmem>>, %arg11: memref<3x!tpu.dma_semaphore, #tpu.memory_space<semaphore_mem>>) attributes {dimension_semantics = [#tpu.dimension_semantics<core_parallel>, #tpu.dimension_semantics<subcore_parallel>], iteration_bounds = array<i64: 2, 16>, scalar_prefetch = 0 : i64, scratch_operands = 6 : i64, tpu.core_type = #tpu.core_type<sc_vector_subcore>, window_params = [{transform_indices = #map}, {transform_indices = #map}, {transform_indices = #map}, {transform_indices = #map}]} {
    %mul3A = arith.constant 16 : i32
    %mul3A_0 = arith.muli %arg0, %mul3A : i32
    %add3A = arith.addi %mul3A_0, %arg1 : i32
    %mul3A_1 = arith.constant 40000 : i32
    %mul3A_2 = arith.muli %add3A, %mul3A_1 : i32
    %dma_start3A = arith.constant 2 : i32
    %dma_start3A_3 = tpu.memref_slice %arg2[%mul3A_2] : memref<1280000xf32, #tpu.memory_space<hbm>> -> memref<40000xf32, #tpu.memory_space<hbm>>
    %dma_start3A_4 = tpu.memref_slice %arg11[%dma_start3A] : memref<3x!tpu.dma_semaphore, #tpu.memory_space<semaphore_mem>> -> memref<1x!tpu.dma_semaphore, #tpu.memory_space<semaphore_mem>>
    %dma_start3A_5 = tpu.memref_squeeze %dma_start3A_4 : memref<1x!tpu.dma_semaphore, #tpu.memory_space<semaphore_mem>> -> memref<!tpu.dma_semaphore, #tpu.memory_space<semaphore_mem>>
    %dma_start3A_6 = tpu.memref_slice %arg2[%mul3A_2] : memref<1280000xf32, #tpu.memory_space<hbm>> -> memref<40000xf32, #tpu.memory_space<hbm>>
    tpu.enqueue_dma source(%dma_start3A_6 : memref<40000xf32, #tpu.memory_space<hbm>>) target(%arg6 : memref<40000xf32, #tpu.memory_space<vmem>>) target_semaphore(%dma_start3A_5 : memref<!tpu.dma_semaphore, #tpu.memory_space<semaphore_mem>>)
    %dma_start3A_7 = arith.constant 2 : i32
    %dma_start3A_8 = tpu.memref_slice %arg2[%mul3A_2] : memref<1280000xf32, #tpu.memory_space<hbm>> -> memref<40000xf32, #tpu.memory_space<hbm>>
    %dma_start3A_9 = tpu.memref_slice %arg11[%dma_start3A_7] : memref<3x!tpu.dma_semaphore, #tpu.memory_space<semaphore_mem>> -> memref<1x!tpu.dma_semaphore, #tpu.memory_space<semaphore_mem>>
    %dma_start3A_10 = tpu.memref_squeeze %dma_start3A_9 : memref<1x!tpu.dma_semaphore, #tpu.memory_space<semaphore_mem>> -> memref<!tpu.dma_semaphore, #tpu.memory_space<semaphore_mem>>
    %dma_start3A_11 = tpu.memref_slice %arg2[%mul3A_2] : memref<1280000xf32, #tpu.memory_space<hbm>> -> memref<40000xf32, #tpu.memory_space<hbm>>
    tpu.enqueue_dma source(%dma_start3A_11 : memref<40000xf32, #tpu.memory_space<hbm>>) target(%arg8 : memref<40000xf32, #tpu.memory_space<vmem>>) target_semaphore(%dma_start3A_10 : memref<!tpu.dma_semaphore, #tpu.memory_space<semaphore_mem>>)
    %dma_start3A_12 = arith.constant 0 : i32
    %dma_start3A_13 = arith.constant 0 : i32
    %dma_start3A_14 = arith.constant 0 : i32
    %dma_start3A_15 = tpu.memref_slice %arg9[%dma_start3A_12, %dma_start3A_14] : memref<2x1280xi32, #tpu.memory_space<vmem>> -> memref<1x1280xi32, #tpu.memory_space<vmem>>
    %dma_start3A_16 = tpu.memref_squeeze %dma_start3A_15 : memref<1x1280xi32, #tpu.memory_space<vmem>> -> memref<1280xi32, #tpu.memory_space<vmem>>
    %dma_start3A_17 = arith.constant 0 : i32
    %dma_start3A_18 = tpu.memref_slice %arg3[%dma_start3A_17] : memref<320000xi32, #tpu.memory_space<hbm>> -> memref<1280xi32, #tpu.memory_space<hbm>>
    %dma_start3A_19 = tpu.memref_slice %arg11[%dma_start3A_13] : memref<3x!tpu.dma_semaphore, #tpu.memory_space<semaphore_mem>> -> memref<1x!tpu.dma_semaphore, #tpu.memory_space<semaphore_mem>>
    %dma_start3A_20 = tpu.memref_squeeze %dma_start3A_19 : memref<1x!tpu.dma_semaphore, #tpu.memory_space<semaphore_mem>> -> memref<!tpu.dma_semaphore, #tpu.memory_space<semaphore_mem>>
    %dma_start3A_21 = arith.constant 0 : i32
    %dma_start3A_22 = tpu.memref_slice %arg9[%dma_start3A_12, %dma_start3A_21] : memref<2x1280xi32, #tpu.memory_space<vmem>> -> memref<1x1280xi32, #tpu.memory_space<vmem>>
    %dma_start3A_23 = tpu.memref_squeeze %dma_start3A_22 : memref<1x1280xi32, #tpu.memory_space<vmem>> -> memref<1280xi32, #tpu.memory_space<vmem>>
    %dma_start3A_24 = arith.constant 0 : i32
    %dma_start3A_25 = tpu.memref_slice %arg3[%dma_start3A_24] : memref<320000xi32, #tpu.memory_space<hbm>> -> memref<1280xi32, #tpu.memory_space<hbm>>
    tpu.enqueue_dma source(%dma_start3A_25 : memref<1280xi32, #tpu.memory_space<hbm>>) target(%dma_start3A_23 : memref<1280xi32, #tpu.memory_space<vmem>>) target_semaphore(%dma_start3A_20 : memref<!tpu.dma_semaphore, #tpu.memory_space<semaphore_mem>>)
    %dma_start3A_26 = arith.constant 0 : i32
    %dma_start3A_27 = arith.constant 0 : i32
    %dma_start3A_28 = arith.constant 0 : i32
    %dma_start3A_29 = tpu.memref_slice %arg10[%dma_start3A_26, %dma_start3A_28] : memref<2x1280xf32, #tpu.memory_space<vmem>> -> memref<1x1280xf32, #tpu.memory_space<vmem>>
    %dma_start3A_30 = tpu.memref_squeeze %dma_start3A_29 : memref<1x1280xf32, #tpu.memory_space<vmem>> -> memref<1280xf32, #tpu.memory_space<vmem>>
    %dma_start3A_31 = arith.constant 0 : i32
    %dma_start3A_32 = tpu.memref_slice %arg4[%dma_start3A_31] : memref<320000xf32, #tpu.memory_space<hbm>> -> memref<1280xf32, #tpu.memory_space<hbm>>
    %dma_start3A_33 = tpu.memref_slice %arg11[%dma_start3A_27] : memref<3x!tpu.dma_semaphore, #tpu.memory_space<semaphore_mem>> -> memref<1x!tpu.dma_semaphore, #tpu.memory_space<semaphore_mem>>
    %dma_start3A_34 = tpu.memref_squeeze %dma_start3A_33 : memref<1x!tpu.dma_semaphore, #tpu.memory_space<semaphore_mem>> -> memref<!tpu.dma_semaphore, #tpu.memory_space<semaphore_mem>>
    %dma_start3A_35 = arith.constant 0 : i32
    %dma_start3A_36 = tpu.memref_slice %arg10[%dma_start3A_26, %dma_start3A_35] : memref<2x1280xf32, #tpu.memory_space<vmem>> -> memref<1x1280xf32, #tpu.memory_space<vmem>>
    %dma_start3A_37 = tpu.memref_squeeze %dma_start3A_36 : memref<1x1280xf32, #tpu.memory_space<vmem>> -> memref<1280xf32, #tpu.memory_space<vmem>>
    %dma_start3A_38 = arith.constant 0 : i32
    %dma_start3A_39 = tpu.memref_slice %arg4[%dma_start3A_38] : memref<320000xf32, #tpu.memory_space<hbm>> -> memref<1280xf32, #tpu.memory_space<hbm>>
    tpu.enqueue_dma source(%dma_start3A_39 : memref<1280xf32, #tpu.memory_space<hbm>>) target(%dma_start3A_37 : memref<1280xf32, #tpu.memory_space<vmem>>) target_semaphore(%dma_start3A_34 : memref<!tpu.dma_semaphore, #tpu.memory_space<semaphore_mem>>)
    %dma_start3A_40 = arith.constant 1 : i32
    %dma_start3A_41 = arith.constant 1 : i32
    %dma_start3A_42 = arith.constant 0 : i32
    %dma_start3A_43 = tpu.memref_slice %arg9[%dma_start3A_40, %dma_start3A_42] : memref<2x1280xi32, #tpu.memory_space<vmem>> -> memref<1x1280xi32, #tpu.memory_space<vmem>>
    %dma_start3A_44 = tpu.memref_squeeze %dma_start3A_43 : memref<1x1280xi32, #tpu.memory_space<vmem>> -> memref<1280xi32, #tpu.memory_space<vmem>>
    %dma_start3A_45 = arith.constant 1280 : i32
    %dma_start3A_46 = tpu.memref_slice %arg3[%dma_start3A_45] : memref<320000xi32, #tpu.memory_space<hbm>> -> memref<1280xi32, #tpu.memory_space<hbm>>
    %dma_start3A_47 = tpu.memref_slice %arg11[%dma_start3A_41] : memref<3x!tpu.dma_semaphore, #tpu.memory_space<semaphore_mem>> -> memref<1x!tpu.dma_semaphore, #tpu.memory_space<semaphore_mem>>
    %dma_start3A_48 = tpu.memref_squeeze %dma_start3A_47 : memref<1x!tpu.dma_semaphore, #tpu.memory_space<semaphore_mem>> -> memref<!tpu.dma_semaphore, #tpu.memory_space<semaphore_mem>>
    %dma_start3A_49 = arith.constant 0 : i32
    %dma_start3A_50 = tpu.memref_slice %arg9[%dma_start3A_40, %dma_start3A_49] : memref<2x1280xi32, #tpu.memory_space<vmem>> -> memref<1x1280xi32, #tpu.memory_space<vmem>>
    %dma_start3A_51 = tpu.memref_squeeze %dma_start3A_50 : memref<1x1280xi32, #tpu.memory_space<vmem>> -> memref<1280xi32, #tpu.memory_space<vmem>>
    %dma_start3A_52 = arith.constant 1280 : i32
    %dma_start3A_53 = tpu.memref_slice %arg3[%dma_start3A_52] : memref<320000xi32, #tpu.memory_space<hbm>> -> memref<1280xi32, #tpu.memory_space<hbm>>
    tpu.enqueue_dma source(%dma_start3A_53 : memref<1280xi32, #tpu.memory_space<hbm>>) target(%dma_start3A_51 : memref<1280xi32, #tpu.memory_space<vmem>>) target_semaphore(%dma_start3A_48 : memref<!tpu.dma_semaphore, #tpu.memory_space<semaphore_mem>>)
    %dma_start3A_54 = arith.constant 1 : i32
    %dma_start3A_55 = arith.constant 1 : i32
    %dma_start3A_56 = arith.constant 0 : i32
    %dma_start3A_57 = tpu.memref_slice %arg10[%dma_start3A_54, %dma_start3A_56] : memref<2x1280xf32, #tpu.memory_space<vmem>> -> memref<1x1280xf32, #tpu.memory_space<vmem>>
    %dma_start3A_58 = tpu.memref_squeeze %dma_start3A_57 : memref<1x1280xf32, #tpu.memory_space<vmem>> -> memref<1280xf32, #tpu.memory_space<vmem>>
    %dma_start3A_59 = arith.constant 1280 : i32
    %dma_start3A_60 = tpu.memref_slice %arg4[%dma_start3A_59] : memref<320000xf32, #tpu.memory_space<hbm>> -> memref<1280xf32, #tpu.memory_space<hbm>>
    %dma_start3A_61 = tpu.memref_slice %arg11[%dma_start3A_55] : memref<3x!tpu.dma_semaphore, #tpu.memory_space<semaphore_mem>> -> memref<1x!tpu.dma_semaphore, #tpu.memory_space<semaphore_mem>>
    %dma_start3A_62 = tpu.memref_squeeze %dma_start3A_61 : memref<1x!tpu.dma_semaphore, #tpu.memory_space<semaphore_mem>> -> memref<!tpu.dma_semaphore, #tpu.memory_space<semaphore_mem>>
    %dma_start3A_63 = arith.constant 0 : i32
    %dma_start3A_64 = tpu.memref_slice %arg10[%dma_start3A_54, %dma_start3A_63] : memref<2x1280xf32, #tpu.memory_space<vmem>> -> memref<1x1280xf32, #tpu.memory_space<vmem>>
    %dma_start3A_65 = tpu.memref_squeeze %dma_start3A_64 : memref<1x1280xf32, #tpu.memory_space<vmem>> -> memref<1280xf32, #tpu.memory_space<vmem>>
    %dma_start3A_66 = arith.constant 1280 : i32
    %dma_start3A_67 = tpu.memref_slice %arg4[%dma_start3A_66] : memref<320000xf32, #tpu.memory_space<hbm>> -> memref<1280xf32, #tpu.memory_space<hbm>>
    tpu.enqueue_dma source(%dma_start3A_67 : memref<1280xf32, #tpu.memory_space<hbm>>) target(%dma_start3A_65 : memref<1280xf32, #tpu.memory_space<vmem>>) target_semaphore(%dma_start3A_62 : memref<!tpu.dma_semaphore, #tpu.memory_space<semaphore_mem>>)
    %broadcast_in_dim3A = arith.constant 0.000000e+00 : f32
    %broadcast_in_dim3A_68 = vector.broadcast %broadcast_in_dim3A : f32 to vector<16xf32>
    %parallel_loop3A = arith.constant 0 : i32
    %parallel_loop3A_69 = arith.constant 2500 : i32
    %parallel_loop3A_70 = arith.constant 1 : i32
    scf.for %parallel_loop3A_237 = %parallel_loop3A to %parallel_loop3A_69 step %parallel_loop3A_70  : i32 {
      %parallel_loop3A_238 = arith.constant 16 : i32
      %parallel_loop3A_239 = arith.muli %parallel_loop3A_237, %parallel_loop3A_238 : i32
      %parallel_loop3A_240 = arith.index_cast %parallel_loop3A_239 : i32 to index
      %parallel_loop3A_241 = tpu.vector_load %arg7[%parallel_loop3A_240] {strides = array<i32>} : memref<40000xf32, #tpu.memory_space<vmem>>, vector<16xf32>,
      tpu.vector_store %arg7[%parallel_loop3A_240], %broadcast_in_dim3A_68 {strides = array<i32>} : memref<40000xf32, #tpu.memory_space<vmem>>, vector<16xf32>,
    } {sc.loop_unroll_factor = 4 : i64, sc.parallel_access}
    %dma_wait3A = arith.constant 2 : i32
    %dma_wait3A_71 = tpu.memref_slice %arg2[%mul3A_2] : memref<1280000xf32, #tpu.memory_space<hbm>> -> memref<40000xf32, #tpu.memory_space<hbm>>
    %dma_wait3A_72 = tpu.memref_slice %arg11[%dma_wait3A] : memref<3x!tpu.dma_semaphore, #tpu.memory_space<semaphore_mem>> -> memref<1x!tpu.dma_semaphore, #tpu.memory_space<semaphore_mem>>
    %dma_wait3A_73 = tpu.memref_squeeze %dma_wait3A_72 : memref<1x!tpu.dma_semaphore, #tpu.memory_space<semaphore_mem>> -> memref<!tpu.dma_semaphore, #tpu.memory_space<semaphore_mem>>
    %dma_wait3A_74 = tpu.memref_slice %arg2[%mul3A_2] : memref<1280000xf32, #tpu.memory_space<hbm>> -> memref<40000xf32, #tpu.memory_space<hbm>>
    tpu.wait_dma2 semaphore(%dma_wait3A_73 : memref<!tpu.dma_semaphore, #tpu.memory_space<semaphore_mem>>) src(%dma_wait3A_74 : memref<40000xf32, #tpu.memory_space<hbm>>) dst(%arg6 : memref<40000xf32, #tpu.memory_space<vmem>>)
    %dma_wait3A_75 = arith.constant 2 : i32
    %dma_wait3A_76 = tpu.memref_slice %arg2[%mul3A_2] : memref<1280000xf32, #tpu.memory_space<hbm>> -> memref<40000xf32, #tpu.memory_space<hbm>>
    %dma_wait3A_77 = tpu.memref_slice %arg11[%dma_wait3A_75] : memref<3x!tpu.dma_semaphore, #tpu.memory_space<semaphore_mem>> -> memref<1x!tpu.dma_semaphore, #tpu.memory_space<semaphore_mem>>
    %dma_wait3A_78 = tpu.memref_squeeze %dma_wait3A_77 : memref<1x!tpu.dma_semaphore, #tpu.memory_space<semaphore_mem>> -> memref<!tpu.dma_semaphore, #tpu.memory_space<semaphore_mem>>
    %dma_wait3A_79 = tpu.memref_slice %arg2[%mul3A_2] : memref<1280000xf32, #tpu.memory_space<hbm>> -> memref<40000xf32, #tpu.memory_space<hbm>>
    tpu.wait_dma2 semaphore(%dma_wait3A_78 : memref<!tpu.dma_semaphore, #tpu.memory_space<semaphore_mem>>) src(%dma_wait3A_79 : memref<40000xf32, #tpu.memory_space<hbm>>) dst(%arg8 : memref<40000xf32, #tpu.memory_space<vmem>>)
    %scan3A = arith.constant 0 : i32
    %scan3A_80 = arith.constant 125 : i32
    %scan3A_81 = arith.addi %scan3A, %scan3A_80 : i32
    %scan3A_82 = arith.constant 1 : i32
    scf.for %scan3A_237 = %scan3A to %scan3A_81 step %scan3A_82  : i32 {
      %mul3A_238 = arith.constant 2 : i32
      %mul3A_239 = arith.muli %scan3A_237, %mul3A_238 : i32
      %add3A_240 = arith.constant 0 : i32
      %add3A_241 = arith.addi %add3A_240, %mul3A_239 : i32
      %add3A_242 = arith.constant 0 : i32
      %add3A_243 = arith.addi %add3A_241, %add3A_242 : i32
      %mul3A_244 = arith.constant 1280 : i32
      %mul3A_245 = arith.muli %add3A_243, %mul3A_244 : i32
      %dma_wait3A_246 = arith.constant 0 : i32
      %dma_wait3A_247 = arith.constant 0 : i32
      %dma_wait3A_248 = arith.constant 0 : i32
      %dma_wait3A_249 = tpu.memref_slice %arg9[%dma_wait3A_246, %dma_wait3A_248] : memref<2x1280xi32, #tpu.memory_space<vmem>> -> memref<1x1280xi32, #tpu.memory_space<vmem>>
      %dma_wait3A_250 = tpu.memref_squeeze %dma_wait3A_249 : memref<1x1280xi32, #tpu.memory_space<vmem>> -> memref<1280xi32, #tpu.memory_space<vmem>>
      %dma_wait3A_251 = tpu.memref_slice %arg3[%mul3A_245] : memref<320000xi32, #tpu.memory_space<hbm>> -> memref<1280xi32, #tpu.memory_space<hbm>>
      %dma_wait3A_252 = tpu.memref_slice %arg11[%dma_wait3A_247] : memref<3x!tpu.dma_semaphore, #tpu.memory_space<semaphore_mem>> -> memref<1x!tpu.dma_semaphore, #tpu.memory_space<semaphore_mem>>
      %dma_wait3A_253 = tpu.memref_squeeze %dma_wait3A_252 : memref<1x!tpu.dma_semaphore, #tpu.memory_space<semaphore_mem>> -> memref<!tpu.dma_semaphore, #tpu.memory_space<semaphore_mem>>
      %dma_wait3A_254 = arith.constant 0 : i32
      %dma_wait3A_255 = tpu.memref_slice %arg9[%dma_wait3A_246, %dma_wait3A_254] : memref<2x1280xi32, #tpu.memory_space<vmem>> -> memref<1x1280xi32, #tpu.memory_space<vmem>>
      %dma_wait3A_256 = tpu.memref_squeeze %dma_wait3A_255 : memref<1x1280xi32, #tpu.memory_space<vmem>> -> memref<1280xi32, #tpu.memory_space<vmem>>
      %dma_wait3A_257 = tpu.memref_slice %arg3[%mul3A_245] : memref<320000xi32, #tpu.memory_space<hbm>> -> memref<1280xi32, #tpu.memory_space<hbm>>
      tpu.wait_dma2 semaphore(%dma_wait3A_253 : memref<!tpu.dma_semaphore, #tpu.memory_space<semaphore_mem>>) src(%dma_wait3A_257 : memref<1280xi32, #tpu.memory_space<hbm>>) dst(%dma_wait3A_256 : memref<1280xi32, #tpu.memory_space<vmem>>)
      %dma_wait3A_258 = arith.constant 0 : i32
      %dma_wait3A_259 = arith.constant 0 : i32
      %dma_wait3A_260 = arith.constant 0 : i32
      %dma_wait3A_261 = tpu.memref_slice %arg10[%dma_wait3A_258, %dma_wait3A_260] : memref<2x1280xf32, #tpu.memory_space<vmem>> -> memref<1x1280xf32, #tpu.memory_space<vmem>>
      %dma_wait3A_262 = tpu.memref_squeeze %dma_wait3A_261 : memref<1x1280xf32, #tpu.memory_space<vmem>> -> memref<1280xf32, #tpu.memory_space<vmem>>
      %dma_wait3A_263 = tpu.memref_slice %arg4[%mul3A_245] : memref<320000xf32, #tpu.memory_space<hbm>> -> memref<1280xf32, #tpu.memory_space<hbm>>
      %dma_wait3A_264 = tpu.memref_slice %arg11[%dma_wait3A_259] : memref<3x!tpu.dma_semaphore, #tpu.memory_space<semaphore_mem>> -> memref<1x!tpu.dma_semaphore, #tpu.memory_space<semaphore_mem>>
      %dma_wait3A_265 = tpu.memref_squeeze %dma_wait3A_264 : memref<1x!tpu.dma_semaphore, #tpu.memory_space<semaphore_mem>> -> memref<!tpu.dma_semaphore, #tpu.memory_space<semaphore_mem>>
      %dma_wait3A_266 = arith.constant 0 : i32
      %dma_wait3A_267 = tpu.memref_slice %arg10[%dma_wait3A_258, %dma_wait3A_266] : memref<2x1280xf32, #tpu.memory_space<vmem>> -> memref<1x1280xf32, #tpu.memory_space<vmem>>
      %dma_wait3A_268 = tpu.memref_squeeze %dma_wait3A_267 : memref<1x1280xf32, #tpu.memory_space<vmem>> -> memref<1280xf32, #tpu.memory_space<vmem>>
      %dma_wait3A_269 = tpu.memref_slice %arg4[%mul3A_245] : memref<320000xf32, #tpu.memory_space<hbm>> -> memref<1280xf32, #tpu.memory_space<hbm>>
      tpu.wait_dma2 semaphore(%dma_wait3A_265 : memref<!tpu.dma_semaphore, #tpu.memory_space<semaphore_mem>>) src(%dma_wait3A_269 : memref<1280xf32, #tpu.memory_space<hbm>>) dst(%dma_wait3A_268 : memref<1280xf32, #tpu.memory_space<vmem>>)
      %parallel_loop3A_270 = arith.constant 0 : i32
      %parallel_loop3A_271 = arith.constant 80 : i32
      %parallel_loop3A_272 = arith.constant 1 : i32
      scf.for %parallel_loop3A_315 = %parallel_loop3A_270 to %parallel_loop3A_271 step %parallel_loop3A_272  : i32 {
        %parallel_loop3A_316 = arith.constant 16 : i32
        %parallel_loop3A_317 = arith.muli %parallel_loop3A_315, %parallel_loop3A_316 : i32
        %parallel_loop3A_318 = arith.constant 0 : i32
        %parallel_loop3A_319 = arith.index_cast %parallel_loop3A_318 : i32 to index
        %parallel_loop3A_320 = arith.index_cast %parallel_loop3A_317 : i32 to index
        %parallel_loop3A_321 = tpu.vector_load %arg9[%parallel_loop3A_319, %parallel_loop3A_320] {strides = array<i32>} : memref<2x1280xi32, #tpu.memory_space<vmem>>, vector<16xi32>,
        %parallel_loop3A_322 = arith.constant 14 : i32
        %parallel_loop3A_323 = vector.broadcast %parallel_loop3A_322 : i32 to vector<16xi32>
        %parallel_loop3A_324 = arith.shrui %parallel_loop3A_321, %parallel_loop3A_323 : vector<16xi32>
        %parallel_loop3A_325 = arith.constant 16383 : i32
        %parallel_loop3A_326 = vector.broadcast %parallel_loop3A_325 : i32 to vector<16xi32>
        %parallel_loop3A_327 = arith.andi %parallel_loop3A_321, %parallel_loop3A_326 : vector<16xi32>
        %parallel_loop3A_328 = arith.constant 0 : i32
        %parallel_loop3A_329 = arith.index_cast %parallel_loop3A_328 : i32 to index
        %parallel_loop3A_330 = arith.index_cast %parallel_loop3A_317 : i32 to index
        %parallel_loop3A_331 = tpu.vector_load %arg10[%parallel_loop3A_329, %parallel_loop3A_330] {strides = array<i32>} : memref<2x1280xf32, #tpu.memory_space<vmem>>, vector<16xf32>,
        %parallel_loop3A_332 = arith.constant 0 : i32
        %parallel_loop3A_333 = tpu.memref_slice %arg6[%parallel_loop3A_332] : memref<40000xf32, #tpu.memory_space<vmem>> -> memref<10000xf32, #tpu.memory_space<vmem>>
        %parallel_loop3A_334 = tpu.vector_load_idx %parallel_loop3A_333[%parallel_loop3A_324] : memref<10000xf32, #tpu.memory_space<vmem>>[vector<16xi32>], vector<16xf32>,
        %parallel_loop3A_335 = arith.mulf %parallel_loop3A_334, %parallel_loop3A_331 : vector<16xf32>
        %parallel_loop3A_336 = arith.constant 0 : i32
        %parallel_loop3A_337 = tpu.memref_slice %arg7[%parallel_loop3A_336] : memref<40000xf32, #tpu.memory_space<vmem>> -> memref<10000xf32, #tpu.memory_space<vmem>>
        tpu.vector_store_idx %parallel_loop3A_337[%parallel_loop3A_327], %parallel_loop3A_335 {add = true} : memref<10000xf32, #tpu.memory_space<vmem>>[vector<16xi32>], vector<16xf32>,
        %parallel_loop3A_338 = arith.constant 10000 : i32
        %parallel_loop3A_339 = tpu.memref_slice %arg6[%parallel_loop3A_338] : memref<40000xf32, #tpu.memory_space<vmem>> -> memref<10000xf32, #tpu.memory_space<vmem>>
        %parallel_loop3A_340 = tpu.vector_load_idx %parallel_loop3A_339[%parallel_loop3A_324] : memref<10000xf32, #tpu.memory_space<vmem>>[vector<16xi32>], vector<16xf32>,
        %parallel_loop3A_341 = arith.mulf %parallel_loop3A_340, %parallel_loop3A_331 : vector<16xf32>
        %parallel_loop3A_342 = arith.constant 10000 : i32
        %parallel_loop3A_343 = tpu.memref_slice %arg7[%parallel_loop3A_342] : memref<40000xf32, #tpu.memory_space<vmem>> -> memref<10000xf32, #tpu.memory_space<vmem>>
        tpu.vector_store_idx %parallel_loop3A_343[%parallel_loop3A_327], %parallel_loop3A_341 {add = true} : memref<10000xf32, #tpu.memory_space<vmem>>[vector<16xi32>], vector<16xf32>,
        %parallel_loop3A_344 = arith.constant 20000 : i32
        %parallel_loop3A_345 = tpu.memref_slice %arg6[%parallel_loop3A_344] : memref<40000xf32, #tpu.memory_space<vmem>> -> memref<10000xf32, #tpu.memory_space<vmem>>
        %parallel_loop3A_346 = tpu.vector_load_idx %parallel_loop3A_345[%parallel_loop3A_324] : memref<10000xf32, #tpu.memory_space<vmem>>[vector<16xi32>], vector<16xf32>,
        %parallel_loop3A_347 = arith.mulf %parallel_loop3A_346, %parallel_loop3A_331 : vector<16xf32>
        %parallel_loop3A_348 = arith.constant 20000 : i32
        %parallel_loop3A_349 = tpu.memref_slice %arg7[%parallel_loop3A_348] : memref<40000xf32, #tpu.memory_space<vmem>> -> memref<10000xf32, #tpu.memory_space<vmem>>
        tpu.vector_store_idx %parallel_loop3A_349[%parallel_loop3A_327], %parallel_loop3A_347 {add = true} : memref<10000xf32, #tpu.memory_space<vmem>>[vector<16xi32>], vector<16xf32>,
        %parallel_loop3A_350 = arith.constant 30000 : i32
        %parallel_loop3A_351 = tpu.memref_slice %arg6[%parallel_loop3A_350] : memref<40000xf32, #tpu.memory_space<vmem>> -> memref<10000xf32, #tpu.memory_space<vmem>>
        %parallel_loop3A_352 = tpu.vector_load_idx %parallel_loop3A_351[%parallel_loop3A_324] : memref<10000xf32, #tpu.memory_space<vmem>>[vector<16xi32>], vector<16xf32>,
        %parallel_loop3A_353 = arith.mulf %parallel_loop3A_352, %parallel_loop3A_331 : vector<16xf32>
        %parallel_loop3A_354 = arith.constant 30000 : i32
        %parallel_loop3A_355 = tpu.memref_slice %arg7[%parallel_loop3A_354] : memref<40000xf32, #tpu.memory_space<vmem>> -> memref<10000xf32, #tpu.memory_space<vmem>>
        tpu.vector_store_idx %parallel_loop3A_355[%parallel_loop3A_327], %parallel_loop3A_353 {add = true} : memref<10000xf32, #tpu.memory_space<vmem>>[vector<16xi32>], vector<16xf32>,
      } {sc.loop_unroll_factor = 4 : i64, sc.parallel_access}
      %add3A_273 = arith.constant 2 : i32
      %add3A_274 = arith.addi %add3A_243, %add3A_273 : i32
      %lt3A = arith.constant 250 : i32
      %lt3A_275 = arith.cmpi slt, %add3A_274, %lt3A : i32
      %convert_element_type3A = arith.extui %lt3A_275 : i1 to i32
      %cond3A = arith.constant 0 : i32
      %cond3A_276 = arith.cmpi ne, %convert_element_type3A, %cond3A : i32
      scf.if %cond3A_276 {
        %mul3A_315 = arith.constant 1280 : i32
        %mul3A_316 = arith.muli %add3A_274, %mul3A_315 : i32
        %dma_start3A_317 = arith.constant 0 : i32
        %dma_start3A_318 = arith.constant 0 : i32
        %dma_start3A_319 = arith.constant 0 : i32
        %dma_start3A_320 = tpu.memref_slice %arg9[%dma_start3A_317, %dma_start3A_319] : memref<2x1280xi32, #tpu.memory_space<vmem>> -> memref<1x1280xi32, #tpu.memory_space<vmem>>
        %dma_start3A_321 = tpu.memref_squeeze %dma_start3A_320 : memref<1x1280xi32, #tpu.memory_space<vmem>> -> memref<1280xi32, #tpu.memory_space<vmem>>
        %dma_start3A_322 = tpu.memref_slice %arg3[%mul3A_316] : memref<320000xi32, #tpu.memory_space<hbm>> -> memref<1280xi32, #tpu.memory_space<hbm>>
        %dma_start3A_323 = tpu.memref_slice %arg11[%dma_start3A_318] : memref<3x!tpu.dma_semaphore, #tpu.memory_space<semaphore_mem>> -> memref<1x!tpu.dma_semaphore, #tpu.memory_space<semaphore_mem>>
        %dma_start3A_324 = tpu.memref_squeeze %dma_start3A_323 : memref<1x!tpu.dma_semaphore, #tpu.memory_space<semaphore_mem>> -> memref<!tpu.dma_semaphore, #tpu.memory_space<semaphore_mem>>
        %dma_start3A_325 = arith.constant 0 : i32
        %dma_start3A_326 = tpu.memref_slice %arg9[%dma_start3A_317, %dma_start3A_325] : memref<2x1280xi32, #tpu.memory_space<vmem>> -> memref<1x1280xi32, #tpu.memory_space<vmem>>
        %dma_start3A_327 = tpu.memref_squeeze %dma_start3A_326 : memref<1x1280xi32, #tpu.memory_space<vmem>> -> memref<1280xi32, #tpu.memory_space<vmem>>
        %dma_start3A_328 = tpu.memref_slice %arg3[%mul3A_316] : memref<320000xi32, #tpu.memory_space<hbm>> -> memref<1280xi32, #tpu.memory_space<hbm>>
        tpu.enqueue_dma source(%dma_start3A_328 : memref<1280xi32, #tpu.memory_space<hbm>>) target(%dma_start3A_327 : memref<1280xi32, #tpu.memory_space<vmem>>) target_semaphore(%dma_start3A_324 : memref<!tpu.dma_semaphore, #tpu.memory_space<semaphore_mem>>)
        %dma_start3A_329 = arith.constant 0 : i32
        %dma_start3A_330 = arith.constant 0 : i32
        %dma_start3A_331 = arith.constant 0 : i32
        %dma_start3A_332 = tpu.memref_slice %arg10[%dma_start3A_329, %dma_start3A_331] : memref<2x1280xf32, #tpu.memory_space<vmem>> -> memref<1x1280xf32, #tpu.memory_space<vmem>>
        %dma_start3A_333 = tpu.memref_squeeze %dma_start3A_332 : memref<1x1280xf32, #tpu.memory_space<vmem>> -> memref<1280xf32, #tpu.memory_space<vmem>>
        %dma_start3A_334 = tpu.memref_slice %arg4[%mul3A_316] : memref<320000xf32, #tpu.memory_space<hbm>> -> memref<1280xf32, #tpu.memory_space<hbm>>
        %dma_start3A_335 = tpu.memref_slice %arg11[%dma_start3A_330] : memref<3x!tpu.dma_semaphore, #tpu.memory_space<semaphore_mem>> -> memref<1x!tpu.dma_semaphore, #tpu.memory_space<semaphore_mem>>
        %dma_start3A_336 = tpu.memref_squeeze %dma_start3A_335 : memref<1x!tpu.dma_semaphore, #tpu.memory_space<semaphore_mem>> -> memref<!tpu.dma_semaphore, #tpu.memory_space<semaphore_mem>>
        %dma_start3A_337 = arith.constant 0 : i32
        %dma_start3A_338 = tpu.memref_slice %arg10[%dma_start3A_329, %dma_start3A_337] : memref<2x1280xf32, #tpu.memory_space<vmem>> -> memref<1x1280xf32, #tpu.memory_space<vmem>>
        %dma_start3A_339 = tpu.memref_squeeze %dma_start3A_338 : memref<1x1280xf32, #tpu.memory_space<vmem>> -> memref<1280xf32, #tpu.memory_space<vmem>>
        %dma_start3A_340 = tpu.memref_slice %arg4[%mul3A_316] : memref<320000xf32, #tpu.memory_space<hbm>> -> memref<1280xf32, #tpu.memory_space<hbm>>
        tpu.enqueue_dma source(%dma_start3A_340 : memref<1280xf32, #tpu.memory_space<hbm>>) target(%dma_start3A_339 : memref<1280xf32, #tpu.memory_space<vmem>>) target_semaphore(%dma_start3A_336 : memref<!tpu.dma_semaphore, #tpu.memory_space<semaphore_mem>>)
      } else {
      }
      %add3A_277 = arith.constant 1 : i32
      %add3A_278 = arith.addi %add3A_241, %add3A_277 : i32
      %mul3A_279 = arith.constant 1280 : i32
      %mul3A_280 = arith.muli %add3A_278, %mul3A_279 : i32
      %dma_wait3A_281 = arith.constant 1 : i32
      %dma_wait3A_282 = arith.constant 1 : i32
      %dma_wait3A_283 = arith.constant 0 : i32
      %dma_wait3A_284 = tpu.memref_slice %arg9[%dma_wait3A_281, %dma_wait3A_283] : memref<2x1280xi32, #tpu.memory_space<vmem>> -> memref<1x1280xi32, #tpu.memory_space<vmem>>
      %dma_wait3A_285 = tpu.memref_squeeze %dma_wait3A_284 : memref<1x1280xi32, #tpu.memory_space<vmem>> -> memref<1280xi32, #tpu.memory_space<vmem>>
      %dma_wait3A_286 = tpu.memref_slice %arg3[%mul3A_280] : memref<320000xi32, #tpu.memory_space<hbm>> -> memref<1280xi32, #tpu.memory_space<hbm>>
      %dma_wait3A_287 = tpu.memref_slice %arg11[%dma_wait3A_282] : memref<3x!tpu.dma_semaphore, #tpu.memory_space<semaphore_mem>> -> memref<1x!tpu.dma_semaphore, #tpu.memory_space<semaphore_mem>>
      %dma_wait3A_288 = tpu.memref_squeeze %dma_wait3A_287 : memref<1x!tpu.dma_semaphore, #tpu.memory_space<semaphore_mem>> -> memref<!tpu.dma_semaphore, #tpu.memory_space<semaphore_mem>>
      %dma_wait3A_289 = arith.constant 0 : i32
      %dma_wait3A_290 = tpu.memref_slice %arg9[%dma_wait3A_281, %dma_wait3A_289] : memref<2x1280xi32, #tpu.memory_space<vmem>> -> memref<1x1280xi32, #tpu.memory_space<vmem>>
      %dma_wait3A_291 = tpu.memref_squeeze %dma_wait3A_290 : memref<1x1280xi32, #tpu.memory_space<vmem>> -> memref<1280xi32, #tpu.memory_space<vmem>>
      %dma_wait3A_292 = tpu.memref_slice %arg3[%mul3A_280] : memref<320000xi32, #tpu.memory_space<hbm>> -> memref<1280xi32, #tpu.memory_space<hbm>>
      tpu.wait_dma2 semaphore(%dma_wait3A_288 : memref<!tpu.dma_semaphore, #tpu.memory_space<semaphore_mem>>) src(%dma_wait3A_292 : memref<1280xi32, #tpu.memory_space<hbm>>) dst(%dma_wait3A_291 : memref<1280xi32, #tpu.memory_space<vmem>>)
      %dma_wait3A_293 = arith.constant 1 : i32
      %dma_wait3A_294 = arith.constant 1 : i32
      %dma_wait3A_295 = arith.constant 0 : i32
      %dma_wait3A_296 = tpu.memref_slice %arg10[%dma_wait3A_293, %dma_wait3A_295] : memref<2x1280xf32, #tpu.memory_space<vmem>> -> memref<1x1280xf32, #tpu.memory_space<vmem>>
      %dma_wait3A_297 = tpu.memref_squeeze %dma_wait3A_296 : memref<1x1280xf32, #tpu.memory_space<vmem>> -> memref<1280xf32, #tpu.memory_space<vmem>>
      %dma_wait3A_298 = tpu.memref_slice %arg4[%mul3A_280] : memref<320000xf32, #tpu.memory_space<hbm>> -> memref<1280xf32, #tpu.memory_space<hbm>>
      %dma_wait3A_299 = tpu.memref_slice %arg11[%dma_wait3A_294] : memref<3x!tpu.dma_semaphore, #tpu.memory_space<semaphore_mem>> -> memref<1x!tpu.dma_semaphore, #tpu.memory_space<semaphore_mem>>
      %dma_wait3A_300 = tpu.memref_squeeze %dma_wait3A_299 : memref<1x!tpu.dma_semaphore, #tpu.memory_space<semaphore_mem>> -> memref<!tpu.dma_semaphore, #tpu.memory_space<semaphore_mem>>
      %dma_wait3A_301 = arith.constant 0 : i32
      %dma_wait3A_302 = tpu.memref_slice %arg10[%dma_wait3A_293, %dma_wait3A_301] : memref<2x1280xf32, #tpu.memory_space<vmem>> -> memref<1x1280xf32, #tpu.memory_space<vmem>>
      %dma_wait3A_303 = tpu.memref_squeeze %dma_wait3A_302 : memref<1x1280xf32, #tpu.memory_space<vmem>> -> memref<1280xf32, #tpu.memory_space<vmem>>
      %dma_wait3A_304 = tpu.memref_slice %arg4[%mul3A_280] : memref<320000xf32, #tpu.memory_space<hbm>> -> memref<1280xf32, #tpu.memory_space<hbm>>
      tpu.wait_dma2 semaphore(%dma_wait3A_300 : memref<!tpu.dma_semaphore, #tpu.memory_space<semaphore_mem>>) src(%dma_wait3A_304 : memref<1280xf32, #tpu.memory_space<hbm>>) dst(%dma_wait3A_303 : memref<1280xf32, #tpu.memory_space<vmem>>)
      %parallel_loop3A_305 = arith.constant 0 : i32
      %parallel_loop3A_306 = arith.constant 80 : i32
      %parallel_loop3A_307 = arith.constant 1 : i32
      scf.for %parallel_loop3A_315 = %parallel_loop3A_305 to %parallel_loop3A_306 step %parallel_loop3A_307  : i32 {
        %parallel_loop3A_316 = arith.constant 16 : i32
        %parallel_loop3A_317 = arith.muli %parallel_loop3A_315, %parallel_loop3A_316 : i32
        %parallel_loop3A_318 = arith.constant 1 : i32
        %parallel_loop3A_319 = arith.index_cast %parallel_loop3A_318 : i32 to index
        %parallel_loop3A_320 = arith.index_cast %parallel_loop3A_317 : i32 to index
        %parallel_loop3A_321 = tpu.vector_load %arg9[%parallel_loop3A_319, %parallel_loop3A_320] {strides = array<i32>} : memref<2x1280xi32, #tpu.memory_space<vmem>>, vector<16xi32>,
        %parallel_loop3A_322 = arith.constant 14 : i32
        %parallel_loop3A_323 = vector.broadcast %parallel_loop3A_322 : i32 to vector<16xi32>
        %parallel_loop3A_324 = arith.shrui %parallel_loop3A_321, %parallel_loop3A_323 : vector<16xi32>
        %parallel_loop3A_325 = arith.constant 16383 : i32
        %parallel_loop3A_326 = vector.broadcast %parallel_loop3A_325 : i32 to vector<16xi32>
        %parallel_loop3A_327 = arith.andi %parallel_loop3A_321, %parallel_loop3A_326 : vector<16xi32>
        %parallel_loop3A_328 = arith.constant 1 : i32
        %parallel_loop3A_329 = arith.index_cast %parallel_loop3A_328 : i32 to index
        %parallel_loop3A_330 = arith.index_cast %parallel_loop3A_317 : i32 to index
        %parallel_loop3A_331 = tpu.vector_load %arg10[%parallel_loop3A_329, %parallel_loop3A_330] {strides = array<i32>} : memref<2x1280xf32, #tpu.memory_space<vmem>>, vector<16xf32>,
        %parallel_loop3A_332 = arith.constant 0 : i32
        %parallel_loop3A_333 = tpu.memref_slice %arg6[%parallel_loop3A_332] : memref<40000xf32, #tpu.memory_space<vmem>> -> memref<10000xf32, #tpu.memory_space<vmem>>
        %parallel_loop3A_334 = tpu.vector_load_idx %parallel_loop3A_333[%parallel_loop3A_324] : memref<10000xf32, #tpu.memory_space<vmem>>[vector<16xi32>], vector<16xf32>,
        %parallel_loop3A_335 = arith.mulf %parallel_loop3A_334, %parallel_loop3A_331 : vector<16xf32>
        %parallel_loop3A_336 = arith.constant 0 : i32
        %parallel_loop3A_337 = tpu.memref_slice %arg7[%parallel_loop3A_336] : memref<40000xf32, #tpu.memory_space<vmem>> -> memref<10000xf32, #tpu.memory_space<vmem>>
        tpu.vector_store_idx %parallel_loop3A_337[%parallel_loop3A_327], %parallel_loop3A_335 {add = true} : memref<10000xf32, #tpu.memory_space<vmem>>[vector<16xi32>], vector<16xf32>,
        %parallel_loop3A_338 = arith.constant 10000 : i32
        %parallel_loop3A_339 = tpu.memref_slice %arg6[%parallel_loop3A_338] : memref<40000xf32, #tpu.memory_space<vmem>> -> memref<10000xf32, #tpu.memory_space<vmem>>
        %parallel_loop3A_340 = tpu.vector_load_idx %parallel_loop3A_339[%parallel_loop3A_324] : memref<10000xf32, #tpu.memory_space<vmem>>[vector<16xi32>], vector<16xf32>,
        %parallel_loop3A_341 = arith.mulf %parallel_loop3A_340, %parallel_loop3A_331 : vector<16xf32>
        %parallel_loop3A_342 = arith.constant 10000 : i32
        %parallel_loop3A_343 = tpu.memref_slice %arg7[%parallel_loop3A_342] : memref<40000xf32, #tpu.memory_space<vmem>> -> memref<10000xf32, #tpu.memory_space<vmem>>
        tpu.vector_store_idx %parallel_loop3A_343[%parallel_loop3A_327], %parallel_loop3A_341 {add = true} : memref<10000xf32, #tpu.memory_space<vmem>>[vector<16xi32>], vector<16xf32>,
        %parallel_loop3A_344 = arith.constant 20000 : i32
        %parallel_loop3A_345 = tpu.memref_slice %arg6[%parallel_loop3A_344] : memref<40000xf32, #tpu.memory_space<vmem>> -> memref<10000xf32, #tpu.memory_space<vmem>>
        %parallel_loop3A_346 = tpu.vector_load_idx %parallel_loop3A_345[%parallel_loop3A_324] : memref<10000xf32, #tpu.memory_space<vmem>>[vector<16xi32>], vector<16xf32>,
        %parallel_loop3A_347 = arith.mulf %parallel_loop3A_346, %parallel_loop3A_331 : vector<16xf32>
        %parallel_loop3A_348 = arith.constant 20000 : i32
        %parallel_loop3A_349 = tpu.memref_slice %arg7[%parallel_loop3A_348] : memref<40000xf32, #tpu.memory_space<vmem>> -> memref<10000xf32, #tpu.memory_space<vmem>>
        tpu.vector_store_idx %parallel_loop3A_349[%parallel_loop3A_327], %parallel_loop3A_347 {add = true} : memref<10000xf32, #tpu.memory_space<vmem>>[vector<16xi32>], vector<16xf32>,
        %parallel_loop3A_350 = arith.constant 30000 : i32
        %parallel_loop3A_351 = tpu.memref_slice %arg6[%parallel_loop3A_350] : memref<40000xf32, #tpu.memory_space<vmem>> -> memref<10000xf32, #tpu.memory_space<vmem>>
        %parallel_loop3A_352 = tpu.vector_load_idx %parallel_loop3A_351[%parallel_loop3A_324] : memref<10000xf32, #tpu.memory_space<vmem>>[vector<16xi32>], vector<16xf32>,
        %parallel_loop3A_353 = arith.mulf %parallel_loop3A_352, %parallel_loop3A_331 : vector<16xf32>
        %parallel_loop3A_354 = arith.constant 30000 : i32
        %parallel_loop3A_355 = tpu.memref_slice %arg7[%parallel_loop3A_354] : memref<40000xf32, #tpu.memory_space<vmem>> -> memref<10000xf32, #tpu.memory_space<vmem>>
        tpu.vector_store_idx %parallel_loop3A_355[%parallel_loop3A_327], %parallel_loop3A_353 {add = true} : memref<10000xf32, #tpu.memory_space<vmem>>[vector<16xi32>], vector<16xf32>,
      } {sc.loop_unroll_factor = 4 : i64, sc.parallel_access}
      %add3A_308 = arith.constant 2 : i32
      %add3A_309 = arith.addi %add3A_278, %add3A_308 : i32
      %lt3A_310 = arith.constant 250 : i32
      %lt3A_311 = arith.cmpi slt, %add3A_309, %lt3A_310 : i32
      %convert_element_type3A_312 = arith.extui %lt3A_311 : i1 to i32
      %cond3A_313 = arith.constant 0 : i32
      %cond3A_314 = arith.cmpi ne, %convert_element_type3A_312, %cond3A_313 : i32
      scf.if %cond3A_314 {
        %mul3A_315 = arith.constant 1280 : i32
        %mul3A_316 = arith.muli %add3A_309, %mul3A_315 : i32
        %dma_start3A_317 = arith.constant 1 : i32
        %dma_start3A_318 = arith.constant 1 : i32
        %dma_start3A_319 = arith.constant 0 : i32
        %dma_start3A_320 = tpu.memref_slice %arg9[%dma_start3A_317, %dma_start3A_319] : memref<2x1280xi32, #tpu.memory_space<vmem>> -> memref<1x1280xi32, #tpu.memory_space<vmem>>
        %dma_start3A_321 = tpu.memref_squeeze %dma_start3A_320 : memref<1x1280xi32, #tpu.memory_space<vmem>> -> memref<1280xi32, #tpu.memory_space<vmem>>
        %dma_start3A_322 = tpu.memref_slice %arg3[%mul3A_316] : memref<320000xi32, #tpu.memory_space<hbm>> -> memref<1280xi32, #tpu.memory_space<hbm>>
        %dma_start3A_323 = tpu.memref_slice %arg11[%dma_start3A_318] : memref<3x!tpu.dma_semaphore, #tpu.memory_space<semaphore_mem>> -> memref<1x!tpu.dma_semaphore, #tpu.memory_space<semaphore_mem>>
        %dma_start3A_324 = tpu.memref_squeeze %dma_start3A_323 : memref<1x!tpu.dma_semaphore, #tpu.memory_space<semaphore_mem>> -> memref<!tpu.dma_semaphore, #tpu.memory_space<semaphore_mem>>
        %dma_start3A_325 = arith.constant 0 : i32
        %dma_start3A_326 = tpu.memref_slice %arg9[%dma_start3A_317, %dma_start3A_325] : memref<2x1280xi32, #tpu.memory_space<vmem>> -> memref<1x1280xi32, #tpu.memory_space<vmem>>
        %dma_start3A_327 = tpu.memref_squeeze %dma_start3A_326 : memref<1x1280xi32, #tpu.memory_space<vmem>> -> memref<1280xi32, #tpu.memory_space<vmem>>
        %dma_start3A_328 = tpu.memref_slice %arg3[%mul3A_316] : memref<320000xi32, #tpu.memory_space<hbm>> -> memref<1280xi32, #tpu.memory_space<hbm>>
        tpu.enqueue_dma source(%dma_start3A_328 : memref<1280xi32, #tpu.memory_space<hbm>>) target(%dma_start3A_327 : memref<1280xi32, #tpu.memory_space<vmem>>) target_semaphore(%dma_start3A_324 : memref<!tpu.dma_semaphore, #tpu.memory_space<semaphore_mem>>)
        %dma_start3A_329 = arith.constant 1 : i32
        %dma_start3A_330 = arith.constant 1 : i32
        %dma_start3A_331 = arith.constant 0 : i32
        %dma_start3A_332 = tpu.memref_slice %arg10[%dma_start3A_329, %dma_start3A_331] : memref<2x1280xf32, #tpu.memory_space<vmem>> -> memref<1x1280xf32, #tpu.memory_space<vmem>>
        %dma_start3A_333 = tpu.memref_squeeze %dma_start3A_332 : memref<1x1280xf32, #tpu.memory_space<vmem>> -> memref<1280xf32, #tpu.memory_space<vmem>>
        %dma_start3A_334 = tpu.memref_slice %arg4[%mul3A_316] : memref<320000xf32, #tpu.memory_space<hbm>> -> memref<1280xf32, #tpu.memory_space<hbm>>
        %dma_start3A_335 = tpu.memref_slice %arg11[%dma_start3A_330] : memref<3x!tpu.dma_semaphore, #tpu.memory_space<semaphore_mem>> -> memref<1x!tpu.dma_semaphore, #tpu.memory_space<semaphore_mem>>
        %dma_start3A_336 = tpu.memref_squeeze %dma_start3A_335 : memref<1x!tpu.dma_semaphore, #tpu.memory_space<semaphore_mem>> -> memref<!tpu.dma_semaphore, #tpu.memory_space<semaphore_mem>>
        %dma_start3A_337 = arith.constant 0 : i32
        %dma_start3A_338 = tpu.memref_slice %arg10[%dma_start3A_329, %dma_start3A_337] : memref<2x1280xf32, #tpu.memory_space<vmem>> -> memref<1x1280xf32, #tpu.memory_space<vmem>>
        %dma_start3A_339 = tpu.memref_squeeze %dma_start3A_338 : memref<1x1280xf32, #tpu.memory_space<vmem>> -> memref<1280xf32, #tpu.memory_space<vmem>>
        %dma_start3A_340 = tpu.memref_slice %arg4[%mul3A_316] : memref<320000xf32, #tpu.memory_space<hbm>> -> memref<1280xf32, #tpu.memory_space<hbm>>
        tpu.enqueue_dma source(%dma_start3A_340 : memref<1280xf32, #tpu.memory_space<hbm>>) target(%dma_start3A_339 : memref<1280xf32, #tpu.memory_space<vmem>>) target_semaphore(%dma_start3A_336 : memref<!tpu.dma_semaphore, #tpu.memory_space<semaphore_mem>>)
      } else {
      }
    }
    %scan3A_83 = arith.constant 125 : i32
    %dma_start3A_84 = arith.constant 0 : i32
    %dma_start3A_85 = arith.constant 0 : i32
    %dma_start3A_86 = arith.constant 0 : i32
    %dma_start3A_87 = tpu.memref_slice %arg9[%dma_start3A_84, %dma_start3A_86] : memref<2x1280xi32, #tpu.memory_space<vmem>> -> memref<1x1280xi32, #tpu.memory_space<vmem>>
    %dma_start3A_88 = tpu.memref_squeeze %dma_start3A_87 : memref<1x1280xi32, #tpu.memory_space<vmem>> -> memref<1280xi32, #tpu.memory_space<vmem>>
    %dma_start3A_89 = arith.constant 0 : i32
    %dma_start3A_90 = tpu.memref_slice %arg3[%dma_start3A_89] : memref<320000xi32, #tpu.memory_space<hbm>> -> memref<1280xi32, #tpu.memory_space<hbm>>
    %dma_start3A_91 = tpu.memref_slice %arg11[%dma_start3A_85] : memref<3x!tpu.dma_semaphore, #tpu.memory_space<semaphore_mem>> -> memref<1x!tpu.dma_semaphore, #tpu.memory_space<semaphore_mem>>
    %dma_start3A_92 = tpu.memref_squeeze %dma_start3A_91 : memref<1x!tpu.dma_semaphore, #tpu.memory_space<semaphore_mem>> -> memref<!tpu.dma_semaphore, #tpu.memory_space<semaphore_mem>>
    %dma_start3A_93 = arith.constant 0 : i32
    %dma_start3A_94 = tpu.memref_slice %arg9[%dma_start3A_84, %dma_start3A_93] : memref<2x1280xi32, #tpu.memory_space<vmem>> -> memref<1x1280xi32, #tpu.memory_space<vmem>>
    %dma_start3A_95 = tpu.memref_squeeze %dma_start3A_94 : memref<1x1280xi32, #tpu.memory_space<vmem>> -> memref<1280xi32, #tpu.memory_space<vmem>>
    %dma_start3A_96 = arith.constant 0 : i32
    %dma_start3A_97 = tpu.memref_slice %arg3[%dma_start3A_96] : memref<320000xi32, #tpu.memory_space<hbm>> -> memref<1280xi32, #tpu.memory_space<hbm>>
    tpu.enqueue_dma source(%dma_start3A_97 : memref<1280xi32, #tpu.memory_space<hbm>>) target(%dma_start3A_95 : memref<1280xi32, #tpu.memory_space<vmem>>) target_semaphore(%dma_start3A_92 : memref<!tpu.dma_semaphore, #tpu.memory_space<semaphore_mem>>)
    %dma_start3A_98 = arith.constant 0 : i32
    %dma_start3A_99 = arith.constant 0 : i32
    %dma_start3A_100 = arith.constant 0 : i32
    %dma_start3A_101 = tpu.memref_slice %arg10[%dma_start3A_98, %dma_start3A_100] : memref<2x1280xf32, #tpu.memory_space<vmem>> -> memref<1x1280xf32, #tpu.memory_space<vmem>>
    %dma_start3A_102 = tpu.memref_squeeze %dma_start3A_101 : memref<1x1280xf32, #tpu.memory_space<vmem>> -> memref<1280xf32, #tpu.memory_space<vmem>>
    %dma_start3A_103 = arith.constant 0 : i32
    %dma_start3A_104 = tpu.memref_slice %arg4[%dma_start3A_103] : memref<320000xf32, #tpu.memory_space<hbm>> -> memref<1280xf32, #tpu.memory_space<hbm>>
    %dma_start3A_105 = tpu.memref_slice %arg11[%dma_start3A_99] : memref<3x!tpu.dma_semaphore, #tpu.memory_space<semaphore_mem>> -> memref<1x!tpu.dma_semaphore, #tpu.memory_space<semaphore_mem>>
    %dma_start3A_106 = tpu.memref_squeeze %dma_start3A_105 : memref<1x!tpu.dma_semaphore, #tpu.memory_space<semaphore_mem>> -> memref<!tpu.dma_semaphore, #tpu.memory_space<semaphore_mem>>
    %dma_start3A_107 = arith.constant 0 : i32
    %dma_start3A_108 = tpu.memref_slice %arg10[%dma_start3A_98, %dma_start3A_107] : memref<2x1280xf32, #tpu.memory_space<vmem>> -> memref<1x1280xf32, #tpu.memory_space<vmem>>
    %dma_start3A_109 = tpu.memref_squeeze %dma_start3A_108 : memref<1x1280xf32, #tpu.memory_space<vmem>> -> memref<1280xf32, #tpu.memory_space<vmem>>
    %dma_start3A_110 = arith.constant 0 : i32
    %dma_start3A_111 = tpu.memref_slice %arg4[%dma_start3A_110] : memref<320000xf32, #tpu.memory_space<hbm>> -> memref<1280xf32, #tpu.memory_space<hbm>>
    tpu.enqueue_dma source(%dma_start3A_111 : memref<1280xf32, #tpu.memory_space<hbm>>) target(%dma_start3A_109 : memref<1280xf32, #tpu.memory_space<vmem>>) target_semaphore(%dma_start3A_106 : memref<!tpu.dma_semaphore, #tpu.memory_space<semaphore_mem>>)
    %dma_start3A_112 = arith.constant 1 : i32
    %dma_start3A_113 = arith.constant 1 : i32
    %dma_start3A_114 = arith.constant 0 : i32
    %dma_start3A_115 = tpu.memref_slice %arg9[%dma_start3A_112, %dma_start3A_114] : memref<2x1280xi32, #tpu.memory_space<vmem>> -> memref<1x1280xi32, #tpu.memory_space<vmem>>
    %dma_start3A_116 = tpu.memref_squeeze %dma_start3A_115 : memref<1x1280xi32, #tpu.memory_space<vmem>> -> memref<1280xi32, #tpu.memory_space<vmem>>
    %dma_start3A_117 = arith.constant 1280 : i32
    %dma_start3A_118 = tpu.memref_slice %arg3[%dma_start3A_117] : memref<320000xi32, #tpu.memory_space<hbm>> -> memref<1280xi32, #tpu.memory_space<hbm>>
    %dma_start3A_119 = tpu.memref_slice %arg11[%dma_start3A_113] : memref<3x!tpu.dma_semaphore, #tpu.memory_space<semaphore_mem>> -> memref<1x!tpu.dma_semaphore, #tpu.memory_space<semaphore_mem>>
    %dma_start3A_120 = tpu.memref_squeeze %dma_start3A_119 : memref<1x!tpu.dma_semaphore, #tpu.memory_space<semaphore_mem>> -> memref<!tpu.dma_semaphore, #tpu.memory_space<semaphore_mem>>
    %dma_start3A_121 = arith.constant 0 : i32
    %dma_start3A_122 = tpu.memref_slice %arg9[%dma_start3A_112, %dma_start3A_121] : memref<2x1280xi32, #tpu.memory_space<vmem>> -> memref<1x1280xi32, #tpu.memory_space<vmem>>
    %dma_start3A_123 = tpu.memref_squeeze %dma_start3A_122 : memref<1x1280xi32, #tpu.memory_space<vmem>> -> memref<1280xi32, #tpu.memory_space<vmem>>
    %dma_start3A_124 = arith.constant 1280 : i32
    %dma_start3A_125 = tpu.memref_slice %arg3[%dma_start3A_124] : memref<320000xi32, #tpu.memory_space<hbm>> -> memref<1280xi32, #tpu.memory_space<hbm>>
    tpu.enqueue_dma source(%dma_start3A_125 : memref<1280xi32, #tpu.memory_space<hbm>>) target(%dma_start3A_123 : memref<1280xi32, #tpu.memory_space<vmem>>) target_semaphore(%dma_start3A_120 : memref<!tpu.dma_semaphore, #tpu.memory_space<semaphore_mem>>)
    %dma_start3A_126 = arith.constant 1 : i32
    %dma_start3A_127 = arith.constant 1 : i32
    %dma_start3A_128 = arith.constant 0 : i32
    %dma_start3A_129 = tpu.memref_slice %arg10[%dma_start3A_126, %dma_start3A_128] : memref<2x1280xf32, #tpu.memory_space<vmem>> -> memref<1x1280xf32, #tpu.memory_space<vmem>>
    %dma_start3A_130 = tpu.memref_squeeze %dma_start3A_129 : memref<1x1280xf32, #tpu.memory_space<vmem>> -> memref<1280xf32, #tpu.memory_space<vmem>>
    %dma_start3A_131 = arith.constant 1280 : i32
    %dma_start3A_132 = tpu.memref_slice %arg4[%dma_start3A_131] : memref<320000xf32, #tpu.memory_space<hbm>> -> memref<1280xf32, #tpu.memory_space<hbm>>
    %dma_start3A_133 = tpu.memref_slice %arg11[%dma_start3A_127] : memref<3x!tpu.dma_semaphore, #tpu.memory_space<semaphore_mem>> -> memref<1x!tpu.dma_semaphore, #tpu.memory_space<semaphore_mem>>
    %dma_start3A_134 = tpu.memref_squeeze %dma_start3A_133 : memref<1x!tpu.dma_semaphore, #tpu.memory_space<semaphore_mem>> -> memref<!tpu.dma_semaphore, #tpu.memory_space<semaphore_mem>>
    %dma_start3A_135 = arith.constant 0 : i32
    %dma_start3A_136 = tpu.memref_slice %arg10[%dma_start3A_126, %dma_start3A_135] : memref<2x1280xf32, #tpu.memory_space<vmem>> -> memref<1x1280xf32, #tpu.memory_space<vmem>>
    %dma_start3A_137 = tpu.memref_squeeze %dma_start3A_136 : memref<1x1280xf32, #tpu.memory_space<vmem>> -> memref<1280xf32, #tpu.memory_space<vmem>>
    %dma_start3A_138 = arith.constant 1280 : i32
    %dma_start3A_139 = tpu.memref_slice %arg4[%dma_start3A_138] : memref<320000xf32, #tpu.memory_space<hbm>> -> memref<1280xf32, #tpu.memory_space<hbm>>
    tpu.enqueue_dma source(%dma_start3A_139 : memref<1280xf32, #tpu.memory_space<hbm>>) target(%dma_start3A_137 : memref<1280xf32, #tpu.memory_space<vmem>>) target_semaphore(%dma_start3A_134 : memref<!tpu.dma_semaphore, #tpu.memory_space<semaphore_mem>>)
    %parallel_loop3A_140 = arith.constant 0 : i32
    %parallel_loop3A_141 = arith.constant 2500 : i32
    %parallel_loop3A_142 = arith.constant 1 : i32
    scf.for %parallel_loop3A_237 = %parallel_loop3A_140 to %parallel_loop3A_141 step %parallel_loop3A_142  : i32 {
      %parallel_loop3A_238 = arith.constant 16 : i32
      %parallel_loop3A_239 = arith.muli %parallel_loop3A_237, %parallel_loop3A_238 : i32
      %parallel_loop3A_240 = arith.index_cast %parallel_loop3A_239 : i32 to index
      %parallel_loop3A_241 = tpu.vector_load %arg8[%parallel_loop3A_240] {strides = array<i32>} : memref<40000xf32, #tpu.memory_space<vmem>>, vector<16xf32>,
      %parallel_loop3A_242 = arith.index_cast %parallel_loop3A_239 : i32 to index
      %parallel_loop3A_243 = tpu.vector_load %arg7[%parallel_loop3A_242] {strides = array<i32>} : memref<40000xf32, #tpu.memory_space<vmem>>, vector<16xf32>,
      %parallel_loop3A_244 = arith.addf %parallel_loop3A_241, %parallel_loop3A_243 : vector<16xf32>
      %parallel_loop3A_245 = arith.index_cast %parallel_loop3A_239 : i32 to index
      %parallel_loop3A_246 = tpu.vector_load %arg8[%parallel_loop3A_245] {strides = array<i32>} : memref<40000xf32, #tpu.memory_space<vmem>>, vector<16xf32>,
      tpu.vector_store %arg8[%parallel_loop3A_245], %parallel_loop3A_244 {strides = array<i32>} : memref<40000xf32, #tpu.memory_space<vmem>>, vector<16xf32>,
    } {sc.loop_unroll_factor = 4 : i64, sc.parallel_access}
    %broadcast_in_dim3A_143 = arith.constant 0.000000e+00 : f32
    %broadcast_in_dim3A_144 = vector.broadcast %broadcast_in_dim3A_143 : f32 to vector<16xf32>
    %parallel_loop3A_145 = arith.constant 0 : i32
    %parallel_loop3A_146 = arith.constant 2500 : i32
    %parallel_loop3A_147 = arith.constant 1 : i32
    scf.for %parallel_loop3A_237 = %parallel_loop3A_145 to %parallel_loop3A_146 step %parallel_loop3A_147  : i32 {
      %parallel_loop3A_238 = arith.constant 16 : i32
      %parallel_loop3A_239 = arith.muli %parallel_loop3A_237, %parallel_loop3A_238 : i32
      %parallel_loop3A_240 = arith.index_cast %parallel_loop3A_239 : i32 to index
      %parallel_loop3A_241 = tpu.vector_load %arg6[%parallel_loop3A_240] {strides = array<i32>} : memref<40000xf32, #tpu.memory_space<vmem>>, vector<16xf32>,
      tpu.vector_store %arg6[%parallel_loop3A_240], %broadcast_in_dim3A_144 {strides = array<i32>} : memref<40000xf32, #tpu.memory_space<vmem>>, vector<16xf32>,
    } {sc.loop_unroll_factor = 4 : i64, sc.parallel_access}
    %scan3A_148 = arith.constant 0 : i32
    %scan3A_149 = arith.constant 125 : i32
    %scan3A_150 = arith.addi %scan3A_148, %scan3A_149 : i32
    %scan3A_151 = arith.constant 1 : i32
    scf.for %scan3A_237 = %scan3A_148 to %scan3A_150 step %scan3A_151  : i32 {
      %mul3A_238 = arith.constant 2 : i32
      %mul3A_239 = arith.muli %scan3A_237, %mul3A_238 : i32
      %add3A_240 = arith.constant 0 : i32
      %add3A_241 = arith.addi %add3A_240, %mul3A_239 : i32
      %add3A_242 = arith.constant 0 : i32
      %add3A_243 = arith.addi %add3A_241, %add3A_242 : i32
      %mul3A_244 = arith.constant 1280 : i32
      %mul3A_245 = arith.muli %add3A_243, %mul3A_244 : i32
      %dma_wait3A_246 = arith.constant 0 : i32
      %dma_wait3A_247 = arith.constant 0 : i32
      %dma_wait3A_248 = arith.constant 0 : i32
      %dma_wait3A_249 = tpu.memref_slice %arg9[%dma_wait3A_246, %dma_wait3A_248] : memref<2x1280xi32, #tpu.memory_space<vmem>> -> memref<1x1280xi32, #tpu.memory_space<vmem>>
      %dma_wait3A_250 = tpu.memref_squeeze %dma_wait3A_249 : memref<1x1280xi32, #tpu.memory_space<vmem>> -> memref<1280xi32, #tpu.memory_space<vmem>>
      %dma_wait3A_251 = tpu.memref_slice %arg3[%mul3A_245] : memref<320000xi32, #tpu.memory_space<hbm>> -> memref<1280xi32, #tpu.memory_space<hbm>>
      %dma_wait3A_252 = tpu.memref_slice %arg11[%dma_wait3A_247] : memref<3x!tpu.dma_semaphore, #tpu.memory_space<semaphore_mem>> -> memref<1x!tpu.dma_semaphore, #tpu.memory_space<semaphore_mem>>
      %dma_wait3A_253 = tpu.memref_squeeze %dma_wait3A_252 : memref<1x!tpu.dma_semaphore, #tpu.memory_space<semaphore_mem>> -> memref<!tpu.dma_semaphore, #tpu.memory_space<semaphore_mem>>
      %dma_wait3A_254 = arith.constant 0 : i32
      %dma_wait3A_255 = tpu.memref_slice %arg9[%dma_wait3A_246, %dma_wait3A_254] : memref<2x1280xi32, #tpu.memory_space<vmem>> -> memref<1x1280xi32, #tpu.memory_space<vmem>>
      %dma_wait3A_256 = tpu.memref_squeeze %dma_wait3A_255 : memref<1x1280xi32, #tpu.memory_space<vmem>> -> memref<1280xi32, #tpu.memory_space<vmem>>
      %dma_wait3A_257 = tpu.memref_slice %arg3[%mul3A_245] : memref<320000xi32, #tpu.memory_space<hbm>> -> memref<1280xi32, #tpu.memory_space<hbm>>
      tpu.wait_dma2 semaphore(%dma_wait3A_253 : memref<!tpu.dma_semaphore, #tpu.memory_space<semaphore_mem>>) src(%dma_wait3A_257 : memref<1280xi32, #tpu.memory_space<hbm>>) dst(%dma_wait3A_256 : memref<1280xi32, #tpu.memory_space<vmem>>)
      %dma_wait3A_258 = arith.constant 0 : i32
      %dma_wait3A_259 = arith.constant 0 : i32
      %dma_wait3A_260 = arith.constant 0 : i32
      %dma_wait3A_261 = tpu.memref_slice %arg10[%dma_wait3A_258, %dma_wait3A_260] : memref<2x1280xf32, #tpu.memory_space<vmem>> -> memref<1x1280xf32, #tpu.memory_space<vmem>>
      %dma_wait3A_262 = tpu.memref_squeeze %dma_wait3A_261 : memref<1x1280xf32, #tpu.memory_space<vmem>> -> memref<1280xf32, #tpu.memory_space<vmem>>
      %dma_wait3A_263 = tpu.memref_slice %arg4[%mul3A_245] : memref<320000xf32, #tpu.memory_space<hbm>> -> memref<1280xf32, #tpu.memory_space<hbm>>
      %dma_wait3A_264 = tpu.memref_slice %arg11[%dma_wait3A_259] : memref<3x!tpu.dma_semaphore, #tpu.memory_space<semaphore_mem>> -> memref<1x!tpu.dma_semaphore, #tpu.memory_space<semaphore_mem>>
      %dma_wait3A_265 = tpu.memref_squeeze %dma_wait3A_264 : memref<1x!tpu.dma_semaphore, #tpu.memory_space<semaphore_mem>> -> memref<!tpu.dma_semaphore, #tpu.memory_space<semaphore_mem>>
      %dma_wait3A_266 = arith.constant 0 : i32
      %dma_wait3A_267 = tpu.memref_slice %arg10[%dma_wait3A_258, %dma_wait3A_266] : memref<2x1280xf32, #tpu.memory_space<vmem>> -> memref<1x1280xf32, #tpu.memory_space<vmem>>
      %dma_wait3A_268 = tpu.memref_squeeze %dma_wait3A_267 : memref<1x1280xf32, #tpu.memory_space<vmem>> -> memref<1280xf32, #tpu.memory_space<vmem>>
      %dma_wait3A_269 = tpu.memref_slice %arg4[%mul3A_245] : memref<320000xf32, #tpu.memory_space<hbm>> -> memref<1280xf32, #tpu.memory_space<hbm>>
      tpu.wait_dma2 semaphore(%dma_wait3A_265 : memref<!tpu.dma_semaphore, #tpu.memory_space<semaphore_mem>>) src(%dma_wait3A_269 : memref<1280xf32, #tpu.memory_space<hbm>>) dst(%dma_wait3A_268 : memref<1280xf32, #tpu.memory_space<vmem>>)
      %parallel_loop3A_270 = arith.constant 0 : i32
      %parallel_loop3A_271 = arith.constant 80 : i32
      %parallel_loop3A_272 = arith.constant 1 : i32
      scf.for %parallel_loop3A_315 = %parallel_loop3A_270 to %parallel_loop3A_271 step %parallel_loop3A_272  : i32 {
        %parallel_loop3A_316 = arith.constant 16 : i32
        %parallel_loop3A_317 = arith.muli %parallel_loop3A_315, %parallel_loop3A_316 : i32
        %parallel_loop3A_318 = arith.constant 0 : i32
        %parallel_loop3A_319 = arith.index_cast %parallel_loop3A_318 : i32 to index
        %parallel_loop3A_320 = arith.index_cast %parallel_loop3A_317 : i32 to index
        %parallel_loop3A_321 = tpu.vector_load %arg9[%parallel_loop3A_319, %parallel_loop3A_320] {strides = array<i32>} : memref<2x1280xi32, #tpu.memory_space<vmem>>, vector<16xi32>,
        %parallel_loop3A_322 = arith.constant 14 : i32
        %parallel_loop3A_323 = vector.broadcast %parallel_loop3A_322 : i32 to vector<16xi32>
        %parallel_loop3A_324 = arith.shrui %parallel_loop3A_321, %parallel_loop3A_323 : vector<16xi32>
        %parallel_loop3A_325 = arith.constant 16383 : i32
        %parallel_loop3A_326 = vector.broadcast %parallel_loop3A_325 : i32 to vector<16xi32>
        %parallel_loop3A_327 = arith.andi %parallel_loop3A_321, %parallel_loop3A_326 : vector<16xi32>
        %parallel_loop3A_328 = arith.constant 0 : i32
        %parallel_loop3A_329 = arith.index_cast %parallel_loop3A_328 : i32 to index
        %parallel_loop3A_330 = arith.index_cast %parallel_loop3A_317 : i32 to index
        %parallel_loop3A_331 = tpu.vector_load %arg10[%parallel_loop3A_329, %parallel_loop3A_330] {strides = array<i32>} : memref<2x1280xf32, #tpu.memory_space<vmem>>, vector<16xf32>,
        %parallel_loop3A_332 = arith.constant 0 : i32
        %parallel_loop3A_333 = tpu.memref_slice %arg7[%parallel_loop3A_332] : memref<40000xf32, #tpu.memory_space<vmem>> -> memref<10000xf32, #tpu.memory_space<vmem>>
        %parallel_loop3A_334 = tpu.vector_load_idx %parallel_loop3A_333[%parallel_loop3A_324] : memref<10000xf32, #tpu.memory_space<vmem>>[vector<16xi32>], vector<16xf32>,
        %parallel_loop3A_335 = arith.mulf %parallel_loop3A_334, %parallel_loop3A_331 : vector<16xf32>
        %parallel_loop3A_336 = arith.constant 0 : i32
        %parallel_loop3A_337 = tpu.memref_slice %arg6[%parallel_loop3A_336] : memref<40000xf32, #tpu.memory_space<vmem>> -> memref<10000xf32, #tpu.memory_space<vmem>>
        tpu.vector_store_idx %parallel_loop3A_337[%parallel_loop3A_327], %parallel_loop3A_335 {add = true} : memref<10000xf32, #tpu.memory_space<vmem>>[vector<16xi32>], vector<16xf32>,
        %parallel_loop3A_338 = arith.constant 10000 : i32
        %parallel_loop3A_339 = tpu.memref_slice %arg7[%parallel_loop3A_338] : memref<40000xf32, #tpu.memory_space<vmem>> -> memref<10000xf32, #tpu.memory_space<vmem>>
        %parallel_loop3A_340 = tpu.vector_load_idx %parallel_loop3A_339[%parallel_loop3A_324] : memref<10000xf32, #tpu.memory_space<vmem>>[vector<16xi32>], vector<16xf32>,
        %parallel_loop3A_341 = arith.mulf %parallel_loop3A_340, %parallel_loop3A_331 : vector<16xf32>
        %parallel_loop3A_342 = arith.constant 10000 : i32
        %parallel_loop3A_343 = tpu.memref_slice %arg6[%parallel_loop3A_342] : memref<40000xf32, #tpu.memory_space<vmem>> -> memref<10000xf32, #tpu.memory_space<vmem>>
        tpu.vector_store_idx %parallel_loop3A_343[%parallel_loop3A_327], %parallel_loop3A_341 {add = true} : memref<10000xf32, #tpu.memory_space<vmem>>[vector<16xi32>], vector<16xf32>,
        %parallel_loop3A_344 = arith.constant 20000 : i32
        %parallel_loop3A_345 = tpu.memref_slice %arg7[%parallel_loop3A_344] : memref<40000xf32, #tpu.memory_space<vmem>> -> memref<10000xf32, #tpu.memory_space<vmem>>
        %parallel_loop3A_346 = tpu.vector_load_idx %parallel_loop3A_345[%parallel_loop3A_324] : memref<10000xf32, #tpu.memory_space<vmem>>[vector<16xi32>], vector<16xf32>,
        %parallel_loop3A_347 = arith.mulf %parallel_loop3A_346, %parallel_loop3A_331 : vector<16xf32>
        %parallel_loop3A_348 = arith.constant 20000 : i32
        %parallel_loop3A_349 = tpu.memref_slice %arg6[%parallel_loop3A_348] : memref<40000xf32, #tpu.memory_space<vmem>> -> memref<10000xf32, #tpu.memory_space<vmem>>
        tpu.vector_store_idx %parallel_loop3A_349[%parallel_loop3A_327], %parallel_loop3A_347 {add = true} : memref<10000xf32, #tpu.memory_space<vmem>>[vector<16xi32>], vector<16xf32>,
        %parallel_loop3A_350 = arith.constant 30000 : i32
        %parallel_loop3A_351 = tpu.memref_slice %arg7[%parallel_loop3A_350] : memref<40000xf32, #tpu.memory_space<vmem>> -> memref<10000xf32, #tpu.memory_space<vmem>>
        %parallel_loop3A_352 = tpu.vector_load_idx %parallel_loop3A_351[%parallel_loop3A_324] : memref<10000xf32, #tpu.memory_space<vmem>>[vector<16xi32>], vector<16xf32>,
        %parallel_loop3A_353 = arith.mulf %parallel_loop3A_352, %parallel_loop3A_331 : vector<16xf32>
        %parallel_loop3A_354 = arith.constant 30000 : i32
        %parallel_loop3A_355 = tpu.memref_slice %arg6[%parallel_loop3A_354] : memref<40000xf32, #tpu.memory_space<vmem>> -> memref<10000xf32, #tpu.memory_space<vmem>>
        tpu.vector_store_idx %parallel_loop3A_355[%parallel_loop3A_327], %parallel_loop3A_353 {add = true} : memref<10000xf32, #tpu.memory_space<vmem>>[vector<16xi32>], vector<16xf32>,
      } {sc.loop_unroll_factor = 4 : i64, sc.parallel_access}
      %add3A_273 = arith.constant 2 : i32
      %add3A_274 = arith.addi %add3A_243, %add3A_273 : i32
      %lt3A = arith.constant 250 : i32
      %lt3A_275 = arith.cmpi slt, %add3A_274, %lt3A : i32
      %convert_element_type3A = arith.extui %lt3A_275 : i1 to i32
      %cond3A = arith.constant 0 : i32
      %cond3A_276 = arith.cmpi ne, %convert_element_type3A, %cond3A : i32
      scf.if %cond3A_276 {
        %mul3A_315 = arith.constant 1280 : i32
        %mul3A_316 = arith.muli %add3A_274, %mul3A_315 : i32
        %dma_start3A_317 = arith.constant 0 : i32
        %dma_start3A_318 = arith.constant 0 : i32
        %dma_start3A_319 = arith.constant 0 : i32
        %dma_start3A_320 = tpu.memref_slice %arg9[%dma_start3A_317, %dma_start3A_319] : memref<2x1280xi32, #tpu.memory_space<vmem>> -> memref<1x1280xi32, #tpu.memory_space<vmem>>
        %dma_start3A_321 = tpu.memref_squeeze %dma_start3A_320 : memref<1x1280xi32, #tpu.memory_space<vmem>> -> memref<1280xi32, #tpu.memory_space<vmem>>
        %dma_start3A_322 = tpu.memref_slice %arg3[%mul3A_316] : memref<320000xi32, #tpu.memory_space<hbm>> -> memref<1280xi32, #tpu.memory_space<hbm>>
        %dma_start3A_323 = tpu.memref_slice %arg11[%dma_start3A_318] : memref<3x!tpu.dma_semaphore, #tpu.memory_space<semaphore_mem>> -> memref<1x!tpu.dma_semaphore, #tpu.memory_space<semaphore_mem>>
        %dma_start3A_324 = tpu.memref_squeeze %dma_start3A_323 : memref<1x!tpu.dma_semaphore, #tpu.memory_space<semaphore_mem>> -> memref<!tpu.dma_semaphore, #tpu.memory_space<semaphore_mem>>
        %dma_start3A_325 = arith.constant 0 : i32
        %dma_start3A_326 = tpu.memref_slice %arg9[%dma_start3A_317, %dma_start3A_325] : memref<2x1280xi32, #tpu.memory_space<vmem>> -> memref<1x1280xi32, #tpu.memory_space<vmem>>
        %dma_start3A_327 = tpu.memref_squeeze %dma_start3A_326 : memref<1x1280xi32, #tpu.memory_space<vmem>> -> memref<1280xi32, #tpu.memory_space<vmem>>
        %dma_start3A_328 = tpu.memref_slice %arg3[%mul3A_316] : memref<320000xi32, #tpu.memory_space<hbm>> -> memref<1280xi32, #tpu.memory_space<hbm>>
        tpu.enqueue_dma source(%dma_start3A_328 : memref<1280xi32, #tpu.memory_space<hbm>>) target(%dma_start3A_327 : memref<1280xi32, #tpu.memory_space<vmem>>) target_semaphore(%dma_start3A_324 : memref<!tpu.dma_semaphore, #tpu.memory_space<semaphore_mem>>)
        %dma_start3A_329 = arith.constant 0 : i32
        %dma_start3A_330 = arith.constant 0 : i32
        %dma_start3A_331 = arith.constant 0 : i32
        %dma_start3A_332 = tpu.memref_slice %arg10[%dma_start3A_329, %dma_start3A_331] : memref<2x1280xf32, #tpu.memory_space<vmem>> -> memref<1x1280xf32, #tpu.memory_space<vmem>>
        %dma_start3A_333 = tpu.memref_squeeze %dma_start3A_332 : memref<1x1280xf32, #tpu.memory_space<vmem>> -> memref<1280xf32, #tpu.memory_space<vmem>>
        %dma_start3A_334 = tpu.memref_slice %arg4[%mul3A_316] : memref<320000xf32, #tpu.memory_space<hbm>> -> memref<1280xf32, #tpu.memory_space<hbm>>
        %dma_start3A_335 = tpu.memref_slice %arg11[%dma_start3A_330] : memref<3x!tpu.dma_semaphore, #tpu.memory_space<semaphore_mem>> -> memref<1x!tpu.dma_semaphore, #tpu.memory_space<semaphore_mem>>
        %dma_start3A_336 = tpu.memref_squeeze %dma_start3A_335 : memref<1x!tpu.dma_semaphore, #tpu.memory_space<semaphore_mem>> -> memref<!tpu.dma_semaphore, #tpu.memory_space<semaphore_mem>>
        %dma_start3A_337 = arith.constant 0 : i32
        %dma_start3A_338 = tpu.memref_slice %arg10[%dma_start3A_329, %dma_start3A_337] : memref<2x1280xf32, #tpu.memory_space<vmem>> -> memref<1x1280xf32, #tpu.memory_space<vmem>>
        %dma_start3A_339 = tpu.memref_squeeze %dma_start3A_338 : memref<1x1280xf32, #tpu.memory_space<vmem>> -> memref<1280xf32, #tpu.memory_space<vmem>>
        %dma_start3A_340 = tpu.memref_slice %arg4[%mul3A_316] : memref<320000xf32, #tpu.memory_space<hbm>> -> memref<1280xf32, #tpu.memory_space<hbm>>
        tpu.enqueue_dma source(%dma_start3A_340 : memref<1280xf32, #tpu.memory_space<hbm>>) target(%dma_start3A_339 : memref<1280xf32, #tpu.memory_space<vmem>>) target_semaphore(%dma_start3A_336 : memref<!tpu.dma_semaphore, #tpu.memory_space<semaphore_mem>>)
      } else {
      }
      %add3A_277 = arith.constant 1 : i32
      %add3A_278 = arith.addi %add3A_241, %add3A_277 : i32
      %mul3A_279 = arith.constant 1280 : i32
      %mul3A_280 = arith.muli %add3A_278, %mul3A_279 : i32
      %dma_wait3A_281 = arith.constant 1 : i32
      %dma_wait3A_282 = arith.constant 1 : i32
      %dma_wait3A_283 = arith.constant 0 : i32
      %dma_wait3A_284 = tpu.memref_slice %arg9[%dma_wait3A_281, %dma_wait3A_283] : memref<2x1280xi32, #tpu.memory_space<vmem>> -> memref<1x1280xi32, #tpu.memory_space<vmem>>
      %dma_wait3A_285 = tpu.memref_squeeze %dma_wait3A_284 : memref<1x1280xi32, #tpu.memory_space<vmem>> -> memref<1280xi32, #tpu.memory_space<vmem>>
      %dma_wait3A_286 = tpu.memref_slice %arg3[%mul3A_280] : memref<320000xi32, #tpu.memory_space<hbm>> -> memref<1280xi32, #tpu.memory_space<hbm>>
      %dma_wait3A_287 = tpu.memref_slice %arg11[%dma_wait3A_282] : memref<3x!tpu.dma_semaphore, #tpu.memory_space<semaphore_mem>> -> memref<1x!tpu.dma_semaphore, #tpu.memory_space<semaphore_mem>>
      %dma_wait3A_288 = tpu.memref_squeeze %dma_wait3A_287 : memref<1x!tpu.dma_semaphore, #tpu.memory_space<semaphore_mem>> -> memref<!tpu.dma_semaphore, #tpu.memory_space<semaphore_mem>>
      %dma_wait3A_289 = arith.constant 0 : i32
      %dma_wait3A_290 = tpu.memref_slice %arg9[%dma_wait3A_281, %dma_wait3A_289] : memref<2x1280xi32, #tpu.memory_space<vmem>> -> memref<1x1280xi32, #tpu.memory_space<vmem>>
      %dma_wait3A_291 = tpu.memref_squeeze %dma_wait3A_290 : memref<1x1280xi32, #tpu.memory_space<vmem>> -> memref<1280xi32, #tpu.memory_space<vmem>>
      %dma_wait3A_292 = tpu.memref_slice %arg3[%mul3A_280] : memref<320000xi32, #tpu.memory_space<hbm>> -> memref<1280xi32, #tpu.memory_space<hbm>>
      tpu.wait_dma2 semaphore(%dma_wait3A_288 : memref<!tpu.dma_semaphore, #tpu.memory_space<semaphore_mem>>) src(%dma_wait3A_292 : memref<1280xi32, #tpu.memory_space<hbm>>) dst(%dma_wait3A_291 : memref<1280xi32, #tpu.memory_space<vmem>>)
      %dma_wait3A_293 = arith.constant 1 : i32
      %dma_wait3A_294 = arith.constant 1 : i32
      %dma_wait3A_295 = arith.constant 0 : i32
      %dma_wait3A_296 = tpu.memref_slice %arg10[%dma_wait3A_293, %dma_wait3A_295] : memref<2x1280xf32, #tpu.memory_space<vmem>> -> memref<1x1280xf32, #tpu.memory_space<vmem>>
      %dma_wait3A_297 = tpu.memref_squeeze %dma_wait3A_296 : memref<1x1280xf32, #tpu.memory_space<vmem>> -> memref<1280xf32, #tpu.memory_space<vmem>>
      %dma_wait3A_298 = tpu.memref_slice %arg4[%mul3A_280] : memref<320000xf32, #tpu.memory_space<hbm>> -> memref<1280xf32, #tpu.memory_space<hbm>>
      %dma_wait3A_299 = tpu.memref_slice %arg11[%dma_wait3A_294] : memref<3x!tpu.dma_semaphore, #tpu.memory_space<semaphore_mem>> -> memref<1x!tpu.dma_semaphore, #tpu.memory_space<semaphore_mem>>
      %dma_wait3A_300 = tpu.memref_squeeze %dma_wait3A_299 : memref<1x!tpu.dma_semaphore, #tpu.memory_space<semaphore_mem>> -> memref<!tpu.dma_semaphore, #tpu.memory_space<semaphore_mem>>
      %dma_wait3A_301 = arith.constant 0 : i32
      %dma_wait3A_302 = tpu.memref_slice %arg10[%dma_wait3A_293, %dma_wait3A_301] : memref<2x1280xf32, #tpu.memory_space<vmem>> -> memref<1x1280xf32, #tpu.memory_space<vmem>>
      %dma_wait3A_303 = tpu.memref_squeeze %dma_wait3A_302 : memref<1x1280xf32, #tpu.memory_space<vmem>> -> memref<1280xf32, #tpu.memory_space<vmem>>
      %dma_wait3A_304 = tpu.memref_slice %arg4[%mul3A_280] : memref<320000xf32, #tpu.memory_space<hbm>> -> memref<1280xf32, #tpu.memory_space<hbm>>
      tpu.wait_dma2 semaphore(%dma_wait3A_300 : memref<!tpu.dma_semaphore, #tpu.memory_space<semaphore_mem>>) src(%dma_wait3A_304 : memref<1280xf32, #tpu.memory_space<hbm>>) dst(%dma_wait3A_303 : memref<1280xf32, #tpu.memory_space<vmem>>)
      %parallel_loop3A_305 = arith.constant 0 : i32
      %parallel_loop3A_306 = arith.constant 80 : i32
      %parallel_loop3A_307 = arith.constant 1 : i32
      scf.for %parallel_loop3A_315 = %parallel_loop3A_305 to %parallel_loop3A_306 step %parallel_loop3A_307  : i32 {
        %parallel_loop3A_316 = arith.constant 16 : i32
        %parallel_loop3A_317 = arith.muli %parallel_loop3A_315, %parallel_loop3A_316 : i32
        %parallel_loop3A_318 = arith.constant 1 : i32
        %parallel_loop3A_319 = arith.index_cast %parallel_loop3A_318 : i32 to index
        %parallel_loop3A_320 = arith.index_cast %parallel_loop3A_317 : i32 to index
        %parallel_loop3A_321 = tpu.vector_load %arg9[%parallel_loop3A_319, %parallel_loop3A_320] {strides = array<i32>} : memref<2x1280xi32, #tpu.memory_space<vmem>>, vector<16xi32>,
        %parallel_loop3A_322 = arith.constant 14 : i32
        %parallel_loop3A_323 = vector.broadcast %parallel_loop3A_322 : i32 to vector<16xi32>
        %parallel_loop3A_324 = arith.shrui %parallel_loop3A_321, %parallel_loop3A_323 : vector<16xi32>
        %parallel_loop3A_325 = arith.constant 16383 : i32
        %parallel_loop3A_326 = vector.broadcast %parallel_loop3A_325 : i32 to vector<16xi32>
        %parallel_loop3A_327 = arith.andi %parallel_loop3A_321, %parallel_loop3A_326 : vector<16xi32>
        %parallel_loop3A_328 = arith.constant 1 : i32
        %parallel_loop3A_329 = arith.index_cast %parallel_loop3A_328 : i32 to index
        %parallel_loop3A_330 = arith.index_cast %parallel_loop3A_317 : i32 to index
        %parallel_loop3A_331 = tpu.vector_load %arg10[%parallel_loop3A_329, %parallel_loop3A_330] {strides = array<i32>} : memref<2x1280xf32, #tpu.memory_space<vmem>>, vector<16xf32>,
        %parallel_loop3A_332 = arith.constant 0 : i32
        %parallel_loop3A_333 = tpu.memref_slice %arg7[%parallel_loop3A_332] : memref<40000xf32, #tpu.memory_space<vmem>> -> memref<10000xf32, #tpu.memory_space<vmem>>
        %parallel_loop3A_334 = tpu.vector_load_idx %parallel_loop3A_333[%parallel_loop3A_324] : memref<10000xf32, #tpu.memory_space<vmem>>[vector<16xi32>], vector<16xf32>,
        %parallel_loop3A_335 = arith.mulf %parallel_loop3A_334, %parallel_loop3A_331 : vector<16xf32>
        %parallel_loop3A_336 = arith.constant 0 : i32
        %parallel_loop3A_337 = tpu.memref_slice %arg6[%parallel_loop3A_336] : memref<40000xf32, #tpu.memory_space<vmem>> -> memref<10000xf32, #tpu.memory_space<vmem>>
        tpu.vector_store_idx %parallel_loop3A_337[%parallel_loop3A_327], %parallel_loop3A_335 {add = true} : memref<10000xf32, #tpu.memory_space<vmem>>[vector<16xi32>], vector<16xf32>,
        %parallel_loop3A_338 = arith.constant 10000 : i32
        %parallel_loop3A_339 = tpu.memref_slice %arg7[%parallel_loop3A_338] : memref<40000xf32, #tpu.memory_space<vmem>> -> memref<10000xf32, #tpu.memory_space<vmem>>
        %parallel_loop3A_340 = tpu.vector_load_idx %parallel_loop3A_339[%parallel_loop3A_324] : memref<10000xf32, #tpu.memory_space<vmem>>[vector<16xi32>], vector<16xf32>,
        %parallel_loop3A_341 = arith.mulf %parallel_loop3A_340, %parallel_loop3A_331 : vector<16xf32>
        %parallel_loop3A_342 = arith.constant 10000 : i32
        %parallel_loop3A_343 = tpu.memref_slice %arg6[%parallel_loop3A_342] : memref<40000xf32, #tpu.memory_space<vmem>> -> memref<10000xf32, #tpu.memory_space<vmem>>
        tpu.vector_store_idx %parallel_loop3A_343[%parallel_loop3A_327], %parallel_loop3A_341 {add = true} : memref<10000xf32, #tpu.memory_space<vmem>>[vector<16xi32>], vector<16xf32>,
        %parallel_loop3A_344 = arith.constant 20000 : i32
        %parallel_loop3A_345 = tpu.memref_slice %arg7[%parallel_loop3A_344] : memref<40000xf32, #tpu.memory_space<vmem>> -> memref<10000xf32, #tpu.memory_space<vmem>>
        %parallel_loop3A_346 = tpu.vector_load_idx %parallel_loop3A_345[%parallel_loop3A_324] : memref<10000xf32, #tpu.memory_space<vmem>>[vector<16xi32>], vector<16xf32>,
        %parallel_loop3A_347 = arith.mulf %parallel_loop3A_346, %parallel_loop3A_331 : vector<16xf32>
        %parallel_loop3A_348 = arith.constant 20000 : i32
        %parallel_loop3A_349 = tpu.memref_slice %arg6[%parallel_loop3A_348] : memref<40000xf32, #tpu.memory_space<vmem>> -> memref<10000xf32, #tpu.memory_space<vmem>>
        tpu.vector_store_idx %parallel_loop3A_349[%parallel_loop3A_327], %parallel_loop3A_347 {add = true} : memref<10000xf32, #tpu.memory_space<vmem>>[vector<16xi32>], vector<16xf32>,
        %parallel_loop3A_350 = arith.constant 30000 : i32
        %parallel_loop3A_351 = tpu.memref_slice %arg7[%parallel_loop3A_350] : memref<40000xf32, #tpu.memory_space<vmem>> -> memref<10000xf32, #tpu.memory_space<vmem>>
        %parallel_loop3A_352 = tpu.vector_load_idx %parallel_loop3A_351[%parallel_loop3A_324] : memref<10000xf32, #tpu.memory_space<vmem>>[vector<16xi32>], vector<16xf32>,
        %parallel_loop3A_353 = arith.mulf %parallel_loop3A_352, %parallel_loop3A_331 : vector<16xf32>
        %parallel_loop3A_354 = arith.constant 30000 : i32
        %parallel_loop3A_355 = tpu.memref_slice %arg6[%parallel_loop3A_354] : memref<40000xf32, #tpu.memory_space<vmem>> -> memref<10000xf32, #tpu.memory_space<vmem>>
        tpu.vector_store_idx %parallel_loop3A_355[%parallel_loop3A_327], %parallel_loop3A_353 {add = true} : memref<10000xf32, #tpu.memory_space<vmem>>[vector<16xi32>], vector<16xf32>,
      } {sc.loop_unroll_factor = 4 : i64, sc.parallel_access}
      %add3A_308 = arith.constant 2 : i32
      %add3A_309 = arith.addi %add3A_278, %add3A_308 : i32
      %lt3A_310 = arith.constant 250 : i32
      %lt3A_311 = arith.cmpi slt, %add3A_309, %lt3A_310 : i32
      %convert_element_type3A_312 = arith.extui %lt3A_311 : i1 to i32
      %cond3A_313 = arith.constant 0 : i32
      %cond3A_314 = arith.cmpi ne, %convert_element_type3A_312, %cond3A_313 : i32
      scf.if %cond3A_314 {
        %mul3A_315 = arith.constant 1280 : i32
        %mul3A_316 = arith.muli %add3A_309, %mul3A_315 : i32
        %dma_start3A_317 = arith.constant 1 : i32
        %dma_start3A_318 = arith.constant 1 : i32
        %dma_start3A_319 = arith.constant 0 : i32
        %dma_start3A_320 = tpu.memref_slice %arg9[%dma_start3A_317, %dma_start3A_319] : memref<2x1280xi32, #tpu.memory_space<vmem>> -> memref<1x1280xi32, #tpu.memory_space<vmem>>
        %dma_start3A_321 = tpu.memref_squeeze %dma_start3A_320 : memref<1x1280xi32, #tpu.memory_space<vmem>> -> memref<1280xi32, #tpu.memory_space<vmem>>
        %dma_start3A_322 = tpu.memref_slice %arg3[%mul3A_316] : memref<320000xi32, #tpu.memory_space<hbm>> -> memref<1280xi32, #tpu.memory_space<hbm>>
        %dma_start3A_323 = tpu.memref_slice %arg11[%dma_start3A_318] : memref<3x!tpu.dma_semaphore, #tpu.memory_space<semaphore_mem>> -> memref<1x!tpu.dma_semaphore, #tpu.memory_space<semaphore_mem>>
        %dma_start3A_324 = tpu.memref_squeeze %dma_start3A_323 : memref<1x!tpu.dma_semaphore, #tpu.memory_space<semaphore_mem>> -> memref<!tpu.dma_semaphore, #tpu.memory_space<semaphore_mem>>
        %dma_start3A_325 = arith.constant 0 : i32
        %dma_start3A_326 = tpu.memref_slice %arg9[%dma_start3A_317, %dma_start3A_325] : memref<2x1280xi32, #tpu.memory_space<vmem>> -> memref<1x1280xi32, #tpu.memory_space<vmem>>
        %dma_start3A_327 = tpu.memref_squeeze %dma_start3A_326 : memref<1x1280xi32, #tpu.memory_space<vmem>> -> memref<1280xi32, #tpu.memory_space<vmem>>
        %dma_start3A_328 = tpu.memref_slice %arg3[%mul3A_316] : memref<320000xi32, #tpu.memory_space<hbm>> -> memref<1280xi32, #tpu.memory_space<hbm>>
        tpu.enqueue_dma source(%dma_start3A_328 : memref<1280xi32, #tpu.memory_space<hbm>>) target(%dma_start3A_327 : memref<1280xi32, #tpu.memory_space<vmem>>) target_semaphore(%dma_start3A_324 : memref<!tpu.dma_semaphore, #tpu.memory_space<semaphore_mem>>)
        %dma_start3A_329 = arith.constant 1 : i32
        %dma_start3A_330 = arith.constant 1 : i32
        %dma_start3A_331 = arith.constant 0 : i32
        %dma_start3A_332 = tpu.memref_slice %arg10[%dma_start3A_329, %dma_start3A_331] : memref<2x1280xf32, #tpu.memory_space<vmem>> -> memref<1x1280xf32, #tpu.memory_space<vmem>>
        %dma_start3A_333 = tpu.memref_squeeze %dma_start3A_332 : memref<1x1280xf32, #tpu.memory_space<vmem>> -> memref<1280xf32, #tpu.memory_space<vmem>>
        %dma_start3A_334 = tpu.memref_slice %arg4[%mul3A_316] : memref<320000xf32, #tpu.memory_space<hbm>> -> memref<1280xf32, #tpu.memory_space<hbm>>
        %dma_start3A_335 = tpu.memref_slice %arg11[%dma_start3A_330] : memref<3x!tpu.dma_semaphore, #tpu.memory_space<semaphore_mem>> -> memref<1x!tpu.dma_semaphore, #tpu.memory_space<semaphore_mem>>
        %dma_start3A_336 = tpu.memref_squeeze %dma_start3A_335 : memref<1x!tpu.dma_semaphore, #tpu.memory_space<semaphore_mem>> -> memref<!tpu.dma_semaphore, #tpu.memory_space<semaphore_mem>>
        %dma_start3A_337 = arith.constant 0 : i32
        %dma_start3A_338 = tpu.memref_slice %arg10[%dma_start3A_329, %dma_start3A_337] : memref<2x1280xf32, #tpu.memory_space<vmem>> -> memref<1x1280xf32, #tpu.memory_space<vmem>>
        %dma_start3A_339 = tpu.memref_squeeze %dma_start3A_338 : memref<1x1280xf32, #tpu.memory_space<vmem>> -> memref<1280xf32, #tpu.memory_space<vmem>>
        %dma_start3A_340 = tpu.memref_slice %arg4[%mul3A_316] : memref<320000xf32, #tpu.memory_space<hbm>> -> memref<1280xf32, #tpu.memory_space<hbm>>
        tpu.enqueue_dma source(%dma_start3A_340 : memref<1280xf32, #tpu.memory_space<hbm>>) target(%dma_start3A_339 : memref<1280xf32, #tpu.memory_space<vmem>>) target_semaphore(%dma_start3A_336 : memref<!tpu.dma_semaphore, #tpu.memory_space<semaphore_mem>>)
      } else {
      }
    }
    %scan3A_152 = arith.constant 125 : i32
    %dma_start3A_153 = arith.constant 0 : i32
    %dma_start3A_154 = arith.constant 0 : i32
    %dma_start3A_155 = arith.constant 0 : i32
    %dma_start3A_156 = tpu.memref_slice %arg9[%dma_start3A_153, %dma_start3A_155] : memref<2x1280xi32, #tpu.memory_space<vmem>> -> memref<1x1280xi32, #tpu.memory_space<vmem>>
    %dma_start3A_157 = tpu.memref_squeeze %dma_start3A_156 : memref<1x1280xi32, #tpu.memory_space<vmem>> -> memref<1280xi32, #tpu.memory_space<vmem>>
    %dma_start3A_158 = arith.constant 0 : i32
    %dma_start3A_159 = tpu.memref_slice %arg3[%dma_start3A_158] : memref<320000xi32, #tpu.memory_space<hbm>> -> memref<1280xi32, #tpu.memory_space<hbm>>
    %dma_start3A_160 = tpu.memref_slice %arg11[%dma_start3A_154] : memref<3x!tpu.dma_semaphore, #tpu.memory_space<semaphore_mem>> -> memref<1x!tpu.dma_semaphore, #tpu.memory_space<semaphore_mem>>
    %dma_start3A_161 = tpu.memref_squeeze %dma_start3A_160 : memref<1x!tpu.dma_semaphore, #tpu.memory_space<semaphore_mem>> -> memref<!tpu.dma_semaphore, #tpu.memory_space<semaphore_mem>>
    %dma_start3A_162 = arith.constant 0 : i32
    %dma_start3A_163 = tpu.memref_slice %arg9[%dma_start3A_153, %dma_start3A_162] : memref<2x1280xi32, #tpu.memory_space<vmem>> -> memref<1x1280xi32, #tpu.memory_space<vmem>>
    %dma_start3A_164 = tpu.memref_squeeze %dma_start3A_163 : memref<1x1280xi32, #tpu.memory_space<vmem>> -> memref<1280xi32, #tpu.memory_space<vmem>>
    %dma_start3A_165 = arith.constant 0 : i32
    %dma_start3A_166 = tpu.memref_slice %arg3[%dma_start3A_165] : memref<320000xi32, #tpu.memory_space<hbm>> -> memref<1280xi32, #tpu.memory_space<hbm>>
    tpu.enqueue_dma source(%dma_start3A_166 : memref<1280xi32, #tpu.memory_space<hbm>>) target(%dma_start3A_164 : memref<1280xi32, #tpu.memory_space<vmem>>) target_semaphore(%dma_start3A_161 : memref<!tpu.dma_semaphore, #tpu.memory_space<semaphore_mem>>)
    %dma_start3A_167 = arith.constant 0 : i32
    %dma_start3A_168 = arith.constant 0 : i32
    %dma_start3A_169 = arith.constant 0 : i32
    %dma_start3A_170 = tpu.memref_slice %arg10[%dma_start3A_167, %dma_start3A_169] : memref<2x1280xf32, #tpu.memory_space<vmem>> -> memref<1x1280xf32, #tpu.memory_space<vmem>>
    %dma_start3A_171 = tpu.memref_squeeze %dma_start3A_170 : memref<1x1280xf32, #tpu.memory_space<vmem>> -> memref<1280xf32, #tpu.memory_space<vmem>>
    %dma_start3A_172 = arith.constant 0 : i32
    %dma_start3A_173 = tpu.memref_slice %arg4[%dma_start3A_172] : memref<320000xf32, #tpu.memory_space<hbm>> -> memref<1280xf32, #tpu.memory_space<hbm>>
    %dma_start3A_174 = tpu.memref_slice %arg11[%dma_start3A_168] : memref<3x!tpu.dma_semaphore, #tpu.memory_space<semaphore_mem>> -> memref<1x!tpu.dma_semaphore, #tpu.memory_space<semaphore_mem>>
    %dma_start3A_175 = tpu.memref_squeeze %dma_start3A_174 : memref<1x!tpu.dma_semaphore, #tpu.memory_space<semaphore_mem>> -> memref<!tpu.dma_semaphore, #tpu.memory_space<semaphore_mem>>
    %dma_start3A_176 = arith.constant 0 : i32
    %dma_start3A_177 = tpu.memref_slice %arg10[%dma_start3A_167, %dma_start3A_176] : memref<2x1280xf32, #tpu.memory_space<vmem>> -> memref<1x1280xf32, #tpu.memory_space<vmem>>
    %dma_start3A_178 = tpu.memref_squeeze %dma_start3A_177 : memref<1x1280xf32, #tpu.memory_space<vmem>> -> memref<1280xf32, #tpu.memory_space<vmem>>
    %dma_start3A_179 = arith.constant 0 : i32
    %dma_start3A_180 = tpu.memref_slice %arg4[%dma_start3A_179] : memref<320000xf32, #tpu.memory_space<hbm>> -> memref<1280xf32, #tpu.memory_space<hbm>>
    tpu.enqueue_dma source(%dma_start3A_180 : memref<1280xf32, #tpu.memory_space<hbm>>) target(%dma_start3A_178 : memref<1280xf32, #tpu.memory_space<vmem>>) target_semaphore(%dma_start3A_175 : memref<!tpu.dma_semaphore, #tpu.memory_space<semaphore_mem>>)
    %dma_start3A_181 = arith.constant 1 : i32
    %dma_start3A_182 = arith.constant 1 : i32
    %dma_start3A_183 = arith.constant 0 : i32
    %dma_start3A_184 = tpu.memref_slice %arg9[%dma_start3A_181, %dma_start3A_183] : memref<2x1280xi32, #tpu.memory_space<vmem>> -> memref<1x1280xi32, #tpu.memory_space<vmem>>
    %dma_start3A_185 = tpu.memref_squeeze %dma_start3A_184 : memref<1x1280xi32, #tpu.memory_space<vmem>> -> memref<1280xi32, #tpu.memory_space<vmem>>
    %dma_start3A_186 = arith.constant 1280 : i32
    %dma_start3A_187 = tpu.memref_slice %arg3[%dma_start3A_186] : memref<320000xi32, #tpu.memory_space<hbm>> -> memref<1280xi32, #tpu.memory_space<hbm>>
    %dma_start3A_188 = tpu.memref_slice %arg11[%dma_start3A_182] : memref<3x!tpu.dma_semaphore, #tpu.memory_space<semaphore_mem>> -> memref<1x!tpu.dma_semaphore, #tpu.memory_space<semaphore_mem>>
    %dma_start3A_189 = tpu.memref_squeeze %dma_start3A_188 : memref<1x!tpu.dma_semaphore, #tpu.memory_space<semaphore_mem>> -> memref<!tpu.dma_semaphore, #tpu.memory_space<semaphore_mem>>
    %dma_start3A_190 = arith.constant 0 : i32
    %dma_start3A_191 = tpu.memref_slice %arg9[%dma_start3A_181, %dma_start3A_190] : memref<2x1280xi32, #tpu.memory_space<vmem>> -> memref<1x1280xi32, #tpu.memory_space<vmem>>
    %dma_start3A_192 = tpu.memref_squeeze %dma_start3A_191 : memref<1x1280xi32, #tpu.memory_space<vmem>> -> memref<1280xi32, #tpu.memory_space<vmem>>
    %dma_start3A_193 = arith.constant 1280 : i32
    %dma_start3A_194 = tpu.memref_slice %arg3[%dma_start3A_193] : memref<320000xi32, #tpu.memory_space<hbm>> -> memref<1280xi32, #tpu.memory_space<hbm>>
    tpu.enqueue_dma source(%dma_start3A_194 : memref<1280xi32, #tpu.memory_space<hbm>>) target(%dma_start3A_192 : memref<1280xi32, #tpu.memory_space<vmem>>) target_semaphore(%dma_start3A_189 : memref<!tpu.dma_semaphore, #tpu.memory_space<semaphore_mem>>)
    %dma_start3A_195 = arith.constant 1 : i32
    %dma_start3A_196 = arith.constant 1 : i32
    %dma_start3A_197 = arith.constant 0 : i32
    %dma_start3A_198 = tpu.memref_slice %arg10[%dma_start3A_195, %dma_start3A_197] : memref<2x1280xf32, #tpu.memory_space<vmem>> -> memref<1x1280xf32, #tpu.memory_space<vmem>>
    %dma_start3A_199 = tpu.memref_squeeze %dma_start3A_198 : memref<1x1280xf32, #tpu.memory_space<vmem>> -> memref<1280xf32, #tpu.memory_space<vmem>>
    %dma_start3A_200 = arith.constant 1280 : i32
    %dma_start3A_201 = tpu.memref_slice %arg4[%dma_start3A_200] : memref<320000xf32, #tpu.memory_space<hbm>> -> memref<1280xf32, #tpu.memory_space<hbm>>
    %dma_start3A_202 = tpu.memref_slice %arg11[%dma_start3A_196] : memref<3x!tpu.dma_semaphore, #tpu.memory_space<semaphore_mem>> -> memref<1x!tpu.dma_semaphore, #tpu.memory_space<semaphore_mem>>
    %dma_start3A_203 = tpu.memref_squeeze %dma_start3A_202 : memref<1x!tpu.dma_semaphore, #tpu.memory_space<semaphore_mem>> -> memref<!tpu.dma_semaphore, #tpu.memory_space<semaphore_mem>>
    %dma_start3A_204 = arith.constant 0 : i32
    %dma_start3A_205 = tpu.memref_slice %arg10[%dma_start3A_195, %dma_start3A_204] : memref<2x1280xf32, #tpu.memory_space<vmem>> -> memref<1x1280xf32, #tpu.memory_space<vmem>>
    %dma_start3A_206 = tpu.memref_squeeze %dma_start3A_205 : memref<1x1280xf32, #tpu.memory_space<vmem>> -> memref<1280xf32, #tpu.memory_space<vmem>>
    %dma_start3A_207 = arith.constant 1280 : i32
    %dma_start3A_208 = tpu.memref_slice %arg4[%dma_start3A_207] : memref<320000xf32, #tpu.memory_space<hbm>> -> memref<1280xf32, #tpu.memory_space<hbm>>
    tpu.enqueue_dma source(%dma_start3A_208 : memref<1280xf32, #tpu.memory_space<hbm>>) target(%dma_start3A_206 : memref<1280xf32, #tpu.memory_space<vmem>>) target_semaphore(%dma_start3A_203 : memref<!tpu.dma_semaphore, #tpu.memory_space<semaphore_mem>>)
    %parallel_loop3A_209 = arith.constant 0 : i32
    %parallel_loop3A_210 = arith.constant 2500 : i32
    %parallel_loop3A_211 = arith.constant 1 : i32
    scf.for %parallel_loop3A_237 = %parallel_loop3A_209 to %parallel_loop3A_210 step %parallel_loop3A_211  : i32 {
      %parallel_loop3A_238 = arith.constant 16 : i32
      %parallel_loop3A_239 = arith.muli %parallel_loop3A_237, %parallel_loop3A_238 : i32
      %parallel_loop3A_240 = arith.index_cast %parallel_loop3A_239 : i32 to index
      %parallel_loop3A_241 = tpu.vector_load %arg8[%parallel_loop3A_240] {strides = array<i32>} : memref<40000xf32, #tpu.memory_space<vmem>>, vector<16xf32>,
      %parallel_loop3A_242 = arith.index_cast %parallel_loop3A_239 : i32 to index
      %parallel_loop3A_243 = tpu.vector_load %arg6[%parallel_loop3A_242] {strides = array<i32>} : memref<40000xf32, #tpu.memory_space<vmem>>, vector<16xf32>,
      %parallel_loop3A_244 = arith.addf %parallel_loop3A_241, %parallel_loop3A_243 : vector<16xf32>
      %parallel_loop3A_245 = arith.index_cast %parallel_loop3A_239 : i32 to index
      %parallel_loop3A_246 = tpu.vector_load %arg8[%parallel_loop3A_245] {strides = array<i32>} : memref<40000xf32, #tpu.memory_space<vmem>>, vector<16xf32>,
      tpu.vector_store %arg8[%parallel_loop3A_245], %parallel_loop3A_244 {strides = array<i32>} : memref<40000xf32, #tpu.memory_space<vmem>>, vector<16xf32>,
    } {sc.loop_unroll_factor = 4 : i64, sc.parallel_access}
    %broadcast_in_dim3A_212 = arith.constant 0.000000e+00 : f32
    %broadcast_in_dim3A_213 = vector.broadcast %broadcast_in_dim3A_212 : f32 to vector<16xf32>
    %parallel_loop3A_214 = arith.constant 0 : i32
    %parallel_loop3A_215 = arith.constant 2500 : i32
    %parallel_loop3A_216 = arith.constant 1 : i32
    scf.for %parallel_loop3A_237 = %parallel_loop3A_214 to %parallel_loop3A_215 step %parallel_loop3A_216  : i32 {
      %parallel_loop3A_238 = arith.constant 16 : i32
      %parallel_loop3A_239 = arith.muli %parallel_loop3A_237, %parallel_loop3A_238 : i32
      %parallel_loop3A_240 = arith.index_cast %parallel_loop3A_239 : i32 to index
      %parallel_loop3A_241 = tpu.vector_load %arg7[%parallel_loop3A_240] {strides = array<i32>} : memref<40000xf32, #tpu.memory_space<vmem>>, vector<16xf32>,
      tpu.vector_store %arg7[%parallel_loop3A_240], %broadcast_in_dim3A_213 {strides = array<i32>} : memref<40000xf32, #tpu.memory_space<vmem>>, vector<16xf32>,
    } {sc.loop_unroll_factor = 4 : i64, sc.parallel_access}
    %scan3A_217 = arith.constant 0 : i32
    %scan3A_218 = arith.constant 125 : i32
    %scan3A_219 = arith.addi %scan3A_217, %scan3A_218 : i32
    %scan3A_220 = arith.constant 1 : i32
    scf.for %scan3A_237 = %scan3A_217 to %scan3A_219 step %scan3A_220  : i32 {
      %mul3A_238 = arith.constant 2 : i32
      %mul3A_239 = arith.muli %scan3A_237, %mul3A_238 : i32
      %add3A_240 = arith.constant 0 : i32
      %add3A_241 = arith.addi %add3A_240, %mul3A_239 : i32
      %add3A_242 = arith.constant 0 : i32
      %add3A_243 = arith.addi %add3A_241, %add3A_242 : i32
      %mul3A_244 = arith.constant 1280 : i32
      %mul3A_245 = arith.muli %add3A_243, %mul3A_244 : i32
      %dma_wait3A_246 = arith.constant 0 : i32
      %dma_wait3A_247 = arith.constant 0 : i32
      %dma_wait3A_248 = arith.constant 0 : i32
      %dma_wait3A_249 = tpu.memref_slice %arg9[%dma_wait3A_246, %dma_wait3A_248] : memref<2x1280xi32, #tpu.memory_space<vmem>> -> memref<1x1280xi32, #tpu.memory_space<vmem>>
      %dma_wait3A_250 = tpu.memref_squeeze %dma_wait3A_249 : memref<1x1280xi32, #tpu.memory_space<vmem>> -> memref<1280xi32, #tpu.memory_space<vmem>>
      %dma_wait3A_251 = tpu.memref_slice %arg3[%mul3A_245] : memref<320000xi32, #tpu.memory_space<hbm>> -> memref<1280xi32, #tpu.memory_space<hbm>>
      %dma_wait3A_252 = tpu.memref_slice %arg11[%dma_wait3A_247] : memref<3x!tpu.dma_semaphore, #tpu.memory_space<semaphore_mem>> -> memref<1x!tpu.dma_semaphore, #tpu.memory_space<semaphore_mem>>
      %dma_wait3A_253 = tpu.memref_squeeze %dma_wait3A_252 : memref<1x!tpu.dma_semaphore, #tpu.memory_space<semaphore_mem>> -> memref<!tpu.dma_semaphore, #tpu.memory_space<semaphore_mem>>
      %dma_wait3A_254 = arith.constant 0 : i32
      %dma_wait3A_255 = tpu.memref_slice %arg9[%dma_wait3A_246, %dma_wait3A_254] : memref<2x1280xi32, #tpu.memory_space<vmem>> -> memref<1x1280xi32, #tpu.memory_space<vmem>>
      %dma_wait3A_256 = tpu.memref_squeeze %dma_wait3A_255 : memref<1x1280xi32, #tpu.memory_space<vmem>> -> memref<1280xi32, #tpu.memory_space<vmem>>
      %dma_wait3A_257 = tpu.memref_slice %arg3[%mul3A_245] : memref<320000xi32, #tpu.memory_space<hbm>> -> memref<1280xi32, #tpu.memory_space<hbm>>
      tpu.wait_dma2 semaphore(%dma_wait3A_253 : memref<!tpu.dma_semaphore, #tpu.memory_space<semaphore_mem>>) src(%dma_wait3A_257 : memref<1280xi32, #tpu.memory_space<hbm>>) dst(%dma_wait3A_256 : memref<1280xi32, #tpu.memory_space<vmem>>)
      %dma_wait3A_258 = arith.constant 0 : i32
      %dma_wait3A_259 = arith.constant 0 : i32
      %dma_wait3A_260 = arith.constant 0 : i32
      %dma_wait3A_261 = tpu.memref_slice %arg10[%dma_wait3A_258, %dma_wait3A_260] : memref<2x1280xf32, #tpu.memory_space<vmem>> -> memref<1x1280xf32, #tpu.memory_space<vmem>>
      %dma_wait3A_262 = tpu.memref_squeeze %dma_wait3A_261 : memref<1x1280xf32, #tpu.memory_space<vmem>> -> memref<1280xf32, #tpu.memory_space<vmem>>
      %dma_wait3A_263 = tpu.memref_slice %arg4[%mul3A_245] : memref<320000xf32, #tpu.memory_space<hbm>> -> memref<1280xf32, #tpu.memory_space<hbm>>
      %dma_wait3A_264 = tpu.memref_slice %arg11[%dma_wait3A_259] : memref<3x!tpu.dma_semaphore, #tpu.memory_space<semaphore_mem>> -> memref<1x!tpu.dma_semaphore, #tpu.memory_space<semaphore_mem>>
      %dma_wait3A_265 = tpu.memref_squeeze %dma_wait3A_264 : memref<1x!tpu.dma_semaphore, #tpu.memory_space<semaphore_mem>> -> memref<!tpu.dma_semaphore, #tpu.memory_space<semaphore_mem>>
      %dma_wait3A_266 = arith.constant 0 : i32
      %dma_wait3A_267 = tpu.memref_slice %arg10[%dma_wait3A_258, %dma_wait3A_266] : memref<2x1280xf32, #tpu.memory_space<vmem>> -> memref<1x1280xf32, #tpu.memory_space<vmem>>
      %dma_wait3A_268 = tpu.memref_squeeze %dma_wait3A_267 : memref<1x1280xf32, #tpu.memory_space<vmem>> -> memref<1280xf32, #tpu.memory_space<vmem>>
      %dma_wait3A_269 = tpu.memref_slice %arg4[%mul3A_245] : memref<320000xf32, #tpu.memory_space<hbm>> -> memref<1280xf32, #tpu.memory_space<hbm>>
      tpu.wait_dma2 semaphore(%dma_wait3A_265 : memref<!tpu.dma_semaphore, #tpu.memory_space<semaphore_mem>>) src(%dma_wait3A_269 : memref<1280xf32, #tpu.memory_space<hbm>>) dst(%dma_wait3A_268 : memref<1280xf32, #tpu.memory_space<vmem>>)
      %parallel_loop3A_270 = arith.constant 0 : i32
      %parallel_loop3A_271 = arith.constant 80 : i32
      %parallel_loop3A_272 = arith.constant 1 : i32
      scf.for %parallel_loop3A_315 = %parallel_loop3A_270 to %parallel_loop3A_271 step %parallel_loop3A_272  : i32 {
        %parallel_loop3A_316 = arith.constant 16 : i32
        %parallel_loop3A_317 = arith.muli %parallel_loop3A_315, %parallel_loop3A_316 : i32
        %parallel_loop3A_318 = arith.constant 0 : i32
        %parallel_loop3A_319 = arith.index_cast %parallel_loop3A_318 : i32 to index
        %parallel_loop3A_320 = arith.index_cast %parallel_loop3A_317 : i32 to index
        %parallel_loop3A_321 = tpu.vector_load %arg9[%parallel_loop3A_319, %parallel_loop3A_320] {strides = array<i32>} : memref<2x1280xi32, #tpu.memory_space<vmem>>, vector<16xi32>,
        %parallel_loop3A_322 = arith.constant 14 : i32
        %parallel_loop3A_323 = vector.broadcast %parallel_loop3A_322 : i32 to vector<16xi32>
        %parallel_loop3A_324 = arith.shrui %parallel_loop3A_321, %parallel_loop3A_323 : vector<16xi32>
        %parallel_loop3A_325 = arith.constant 16383 : i32
        %parallel_loop3A_326 = vector.broadcast %parallel_loop3A_325 : i32 to vector<16xi32>
        %parallel_loop3A_327 = arith.andi %parallel_loop3A_321, %parallel_loop3A_326 : vector<16xi32>
        %parallel_loop3A_328 = arith.constant 0 : i32
        %parallel_loop3A_329 = arith.index_cast %parallel_loop3A_328 : i32 to index
        %parallel_loop3A_330 = arith.index_cast %parallel_loop3A_317 : i32 to index
        %parallel_loop3A_331 = tpu.vector_load %arg10[%parallel_loop3A_329, %parallel_loop3A_330] {strides = array<i32>} : memref<2x1280xf32, #tpu.memory_space<vmem>>, vector<16xf32>,
        %parallel_loop3A_332 = arith.constant 0 : i32
        %parallel_loop3A_333 = tpu.memref_slice %arg6[%parallel_loop3A_332] : memref<40000xf32, #tpu.memory_space<vmem>> -> memref<10000xf32, #tpu.memory_space<vmem>>
        %parallel_loop3A_334 = tpu.vector_load_idx %parallel_loop3A_333[%parallel_loop3A_324] : memref<10000xf32, #tpu.memory_space<vmem>>[vector<16xi32>], vector<16xf32>,
        %parallel_loop3A_335 = arith.mulf %parallel_loop3A_334, %parallel_loop3A_331 : vector<16xf32>
        %parallel_loop3A_336 = arith.constant 0 : i32
        %parallel_loop3A_337 = tpu.memref_slice %arg7[%parallel_loop3A_336] : memref<40000xf32, #tpu.memory_space<vmem>> -> memref<10000xf32, #tpu.memory_space<vmem>>
        tpu.vector_store_idx %parallel_loop3A_337[%parallel_loop3A_327], %parallel_loop3A_335 {add = true} : memref<10000xf32, #tpu.memory_space<vmem>>[vector<16xi32>], vector<16xf32>,
        %parallel_loop3A_338 = arith.constant 10000 : i32
        %parallel_loop3A_339 = tpu.memref_slice %arg6[%parallel_loop3A_338] : memref<40000xf32, #tpu.memory_space<vmem>> -> memref<10000xf32, #tpu.memory_space<vmem>>
        %parallel_loop3A_340 = tpu.vector_load_idx %parallel_loop3A_339[%parallel_loop3A_324] : memref<10000xf32, #tpu.memory_space<vmem>>[vector<16xi32>], vector<16xf32>,
        %parallel_loop3A_341 = arith.mulf %parallel_loop3A_340, %parallel_loop3A_331 : vector<16xf32>
        %parallel_loop3A_342 = arith.constant 10000 : i32
        %parallel_loop3A_343 = tpu.memref_slice %arg7[%parallel_loop3A_342] : memref<40000xf32, #tpu.memory_space<vmem>> -> memref<10000xf32, #tpu.memory_space<vmem>>
        tpu.vector_store_idx %parallel_loop3A_343[%parallel_loop3A_327], %parallel_loop3A_341 {add = true} : memref<10000xf32, #tpu.memory_space<vmem>>[vector<16xi32>], vector<16xf32>,
        %parallel_loop3A_344 = arith.constant 20000 : i32
        %parallel_loop3A_345 = tpu.memref_slice %arg6[%parallel_loop3A_344] : memref<40000xf32, #tpu.memory_space<vmem>> -> memref<10000xf32, #tpu.memory_space<vmem>>
        %parallel_loop3A_346 = tpu.vector_load_idx %parallel_loop3A_345[%parallel_loop3A_324] : memref<10000xf32, #tpu.memory_space<vmem>>[vector<16xi32>], vector<16xf32>,
        %parallel_loop3A_347 = arith.mulf %parallel_loop3A_346, %parallel_loop3A_331 : vector<16xf32>
        %parallel_loop3A_348 = arith.constant 20000 : i32
        %parallel_loop3A_349 = tpu.memref_slice %arg7[%parallel_loop3A_348] : memref<40000xf32, #tpu.memory_space<vmem>> -> memref<10000xf32, #tpu.memory_space<vmem>>
        tpu.vector_store_idx %parallel_loop3A_349[%parallel_loop3A_327], %parallel_loop3A_347 {add = true} : memref<10000xf32, #tpu.memory_space<vmem>>[vector<16xi32>], vector<16xf32>,
        %parallel_loop3A_350 = arith.constant 30000 : i32
        %parallel_loop3A_351 = tpu.memref_slice %arg6[%parallel_loop3A_350] : memref<40000xf32, #tpu.memory_space<vmem>> -> memref<10000xf32, #tpu.memory_space<vmem>>
        %parallel_loop3A_352 = tpu.vector_load_idx %parallel_loop3A_351[%parallel_loop3A_324] : memref<10000xf32, #tpu.memory_space<vmem>>[vector<16xi32>], vector<16xf32>,
        %parallel_loop3A_353 = arith.mulf %parallel_loop3A_352, %parallel_loop3A_331 : vector<16xf32>
        %parallel_loop3A_354 = arith.constant 30000 : i32
        %parallel_loop3A_355 = tpu.memref_slice %arg7[%parallel_loop3A_354] : memref<40000xf32, #tpu.memory_space<vmem>> -> memref<10000xf32, #tpu.memory_space<vmem>>
        tpu.vector_store_idx %parallel_loop3A_355[%parallel_loop3A_327], %parallel_loop3A_353 {add = true} : memref<10000xf32, #tpu.memory_space<vmem>>[vector<16xi32>], vector<16xf32>,
      } {sc.loop_unroll_factor = 4 : i64, sc.parallel_access}
      %add3A_273 = arith.constant 2 : i32
      %add3A_274 = arith.addi %add3A_243, %add3A_273 : i32
      %lt3A = arith.constant 250 : i32
      %lt3A_275 = arith.cmpi slt, %add3A_274, %lt3A : i32
      %convert_element_type3A = arith.extui %lt3A_275 : i1 to i32
      %cond3A = arith.constant 0 : i32
      %cond3A_276 = arith.cmpi ne, %convert_element_type3A, %cond3A : i32
      scf.if %cond3A_276 {
        %mul3A_315 = arith.constant 1280 : i32
        %mul3A_316 = arith.muli %add3A_274, %mul3A_315 : i32
        %dma_start3A_317 = arith.constant 0 : i32
        %dma_start3A_318 = arith.constant 0 : i32
        %dma_start3A_319 = arith.constant 0 : i32
        %dma_start3A_320 = tpu.memref_slice %arg9[%dma_start3A_317, %dma_start3A_319] : memref<2x1280xi32, #tpu.memory_space<vmem>> -> memref<1x1280xi32, #tpu.memory_space<vmem>>
        %dma_start3A_321 = tpu.memref_squeeze %dma_start3A_320 : memref<1x1280xi32, #tpu.memory_space<vmem>> -> memref<1280xi32, #tpu.memory_space<vmem>>
        %dma_start3A_322 = tpu.memref_slice %arg3[%mul3A_316] : memref<320000xi32, #tpu.memory_space<hbm>> -> memref<1280xi32, #tpu.memory_space<hbm>>
        %dma_start3A_323 = tpu.memref_slice %arg11[%dma_start3A_318] : memref<3x!tpu.dma_semaphore, #tpu.memory_space<semaphore_mem>> -> memref<1x!tpu.dma_semaphore, #tpu.memory_space<semaphore_mem>>
        %dma_start3A_324 = tpu.memref_squeeze %dma_start3A_323 : memref<1x!tpu.dma_semaphore, #tpu.memory_space<semaphore_mem>> -> memref<!tpu.dma_semaphore, #tpu.memory_space<semaphore_mem>>
        %dma_start3A_325 = arith.constant 0 : i32
        %dma_start3A_326 = tpu.memref_slice %arg9[%dma_start3A_317, %dma_start3A_325] : memref<2x1280xi32, #tpu.memory_space<vmem>> -> memref<1x1280xi32, #tpu.memory_space<vmem>>
        %dma_start3A_327 = tpu.memref_squeeze %dma_start3A_326 : memref<1x1280xi32, #tpu.memory_space<vmem>> -> memref<1280xi32, #tpu.memory_space<vmem>>
        %dma_start3A_328 = tpu.memref_slice %arg3[%mul3A_316] : memref<320000xi32, #tpu.memory_space<hbm>> -> memref<1280xi32, #tpu.memory_space<hbm>>
        tpu.enqueue_dma source(%dma_start3A_328 : memref<1280xi32, #tpu.memory_space<hbm>>) target(%dma_start3A_327 : memref<1280xi32, #tpu.memory_space<vmem>>) target_semaphore(%dma_start3A_324 : memref<!tpu.dma_semaphore, #tpu.memory_space<semaphore_mem>>)
        %dma_start3A_329 = arith.constant 0 : i32
        %dma_start3A_330 = arith.constant 0 : i32
        %dma_start3A_331 = arith.constant 0 : i32
        %dma_start3A_332 = tpu.memref_slice %arg10[%dma_start3A_329, %dma_start3A_331] : memref<2x1280xf32, #tpu.memory_space<vmem>> -> memref<1x1280xf32, #tpu.memory_space<vmem>>
        %dma_start3A_333 = tpu.memref_squeeze %dma_start3A_332 : memref<1x1280xf32, #tpu.memory_space<vmem>> -> memref<1280xf32, #tpu.memory_space<vmem>>
        %dma_start3A_334 = tpu.memref_slice %arg4[%mul3A_316] : memref<320000xf32, #tpu.memory_space<hbm>> -> memref<1280xf32, #tpu.memory_space<hbm>>
        %dma_start3A_335 = tpu.memref_slice %arg11[%dma_start3A_330] : memref<3x!tpu.dma_semaphore, #tpu.memory_space<semaphore_mem>> -> memref<1x!tpu.dma_semaphore, #tpu.memory_space<semaphore_mem>>
        %dma_start3A_336 = tpu.memref_squeeze %dma_start3A_335 : memref<1x!tpu.dma_semaphore, #tpu.memory_space<semaphore_mem>> -> memref<!tpu.dma_semaphore, #tpu.memory_space<semaphore_mem>>
        %dma_start3A_337 = arith.constant 0 : i32
        %dma_start3A_338 = tpu.memref_slice %arg10[%dma_start3A_329, %dma_start3A_337] : memref<2x1280xf32, #tpu.memory_space<vmem>> -> memref<1x1280xf32, #tpu.memory_space<vmem>>
        %dma_start3A_339 = tpu.memref_squeeze %dma_start3A_338 : memref<1x1280xf32, #tpu.memory_space<vmem>> -> memref<1280xf32, #tpu.memory_space<vmem>>
        %dma_start3A_340 = tpu.memref_slice %arg4[%mul3A_316] : memref<320000xf32, #tpu.memory_space<hbm>> -> memref<1280xf32, #tpu.memory_space<hbm>>
        tpu.enqueue_dma source(%dma_start3A_340 : memref<1280xf32, #tpu.memory_space<hbm>>) target(%dma_start3A_339 : memref<1280xf32, #tpu.memory_space<vmem>>) target_semaphore(%dma_start3A_336 : memref<!tpu.dma_semaphore, #tpu.memory_space<semaphore_mem>>)
      } else {
      }
      %add3A_277 = arith.constant 1 : i32
      %add3A_278 = arith.addi %add3A_241, %add3A_277 : i32
      %mul3A_279 = arith.constant 1280 : i32
      %mul3A_280 = arith.muli %add3A_278, %mul3A_279 : i32
      %dma_wait3A_281 = arith.constant 1 : i32
      %dma_wait3A_282 = arith.constant 1 : i32
      %dma_wait3A_283 = arith.constant 0 : i32
      %dma_wait3A_284 = tpu.memref_slice %arg9[%dma_wait3A_281, %dma_wait3A_283] : memref<2x1280xi32, #tpu.memory_space<vmem>> -> memref<1x1280xi32, #tpu.memory_space<vmem>>
      %dma_wait3A_285 = tpu.memref_squeeze %dma_wait3A_284 : memref<1x1280xi32, #tpu.memory_space<vmem>> -> memref<1280xi32, #tpu.memory_space<vmem>>
      %dma_wait3A_286 = tpu.memref_slice %arg3[%mul3A_280] : memref<320000xi32, #tpu.memory_space<hbm>> -> memref<1280xi32, #tpu.memory_space<hbm>>
      %dma_wait3A_287 = tpu.memref_slice %arg11[%dma_wait3A_282] : memref<3x!tpu.dma_semaphore, #tpu.memory_space<semaphore_mem>> -> memref<1x!tpu.dma_semaphore, #tpu.memory_space<semaphore_mem>>
      %dma_wait3A_288 = tpu.memref_squeeze %dma_wait3A_287 : memref<1x!tpu.dma_semaphore, #tpu.memory_space<semaphore_mem>> -> memref<!tpu.dma_semaphore, #tpu.memory_space<semaphore_mem>>
      %dma_wait3A_289 = arith.constant 0 : i32
      %dma_wait3A_290 = tpu.memref_slice %arg9[%dma_wait3A_281, %dma_wait3A_289] : memref<2x1280xi32, #tpu.memory_space<vmem>> -> memref<1x1280xi32, #tpu.memory_space<vmem>>
      %dma_wait3A_291 = tpu.memref_squeeze %dma_wait3A_290 : memref<1x1280xi32, #tpu.memory_space<vmem>> -> memref<1280xi32, #tpu.memory_space<vmem>>
      %dma_wait3A_292 = tpu.memref_slice %arg3[%mul3A_280] : memref<320000xi32, #tpu.memory_space<hbm>> -> memref<1280xi32, #tpu.memory_space<hbm>>
      tpu.wait_dma2 semaphore(%dma_wait3A_288 : memref<!tpu.dma_semaphore, #tpu.memory_space<semaphore_mem>>) src(%dma_wait3A_292 : memref<1280xi32, #tpu.memory_space<hbm>>) dst(%dma_wait3A_291 : memref<1280xi32, #tpu.memory_space<vmem>>)
      %dma_wait3A_293 = arith.constant 1 : i32
      %dma_wait3A_294 = arith.constant 1 : i32
      %dma_wait3A_295 = arith.constant 0 : i32
      %dma_wait3A_296 = tpu.memref_slice %arg10[%dma_wait3A_293, %dma_wait3A_295] : memref<2x1280xf32, #tpu.memory_space<vmem>> -> memref<1x1280xf32, #tpu.memory_space<vmem>>
      %dma_wait3A_297 = tpu.memref_squeeze %dma_wait3A_296 : memref<1x1280xf32, #tpu.memory_space<vmem>> -> memref<1280xf32, #tpu.memory_space<vmem>>
      %dma_wait3A_298 = tpu.memref_slice %arg4[%mul3A_280] : memref<320000xf32, #tpu.memory_space<hbm>> -> memref<1280xf32, #tpu.memory_space<hbm>>
      %dma_wait3A_299 = tpu.memref_slice %arg11[%dma_wait3A_294] : memref<3x!tpu.dma_semaphore, #tpu.memory_space<semaphore_mem>> -> memref<1x!tpu.dma_semaphore, #tpu.memory_space<semaphore_mem>>
      %dma_wait3A_300 = tpu.memref_squeeze %dma_wait3A_299 : memref<1x!tpu.dma_semaphore, #tpu.memory_space<semaphore_mem>> -> memref<!tpu.dma_semaphore, #tpu.memory_space<semaphore_mem>>
      %dma_wait3A_301 = arith.constant 0 : i32
      %dma_wait3A_302 = tpu.memref_slice %arg10[%dma_wait3A_293, %dma_wait3A_301] : memref<2x1280xf32, #tpu.memory_space<vmem>> -> memref<1x1280xf32, #tpu.memory_space<vmem>>
      %dma_wait3A_303 = tpu.memref_squeeze %dma_wait3A_302 : memref<1x1280xf32, #tpu.memory_space<vmem>> -> memref<1280xf32, #tpu.memory_space<vmem>>
      %dma_wait3A_304 = tpu.memref_slice %arg4[%mul3A_280] : memref<320000xf32, #tpu.memory_space<hbm>> -> memref<1280xf32, #tpu.memory_space<hbm>>
      tpu.wait_dma2 semaphore(%dma_wait3A_300 : memref<!tpu.dma_semaphore, #tpu.memory_space<semaphore_mem>>) src(%dma_wait3A_304 : memref<1280xf32, #tpu.memory_space<hbm>>) dst(%dma_wait3A_303 : memref<1280xf32, #tpu.memory_space<vmem>>)
      %parallel_loop3A_305 = arith.constant 0 : i32
      %parallel_loop3A_306 = arith.constant 80 : i32
      %parallel_loop3A_307 = arith.constant 1 : i32
      scf.for %parallel_loop3A_315 = %parallel_loop3A_305 to %parallel_loop3A_306 step %parallel_loop3A_307  : i32 {
        %parallel_loop3A_316 = arith.constant 16 : i32
        %parallel_loop3A_317 = arith.muli %parallel_loop3A_315, %parallel_loop3A_316 : i32
        %parallel_loop3A_318 = arith.constant 1 : i32
        %parallel_loop3A_319 = arith.index_cast %parallel_loop3A_318 : i32 to index
        %parallel_loop3A_320 = arith.index_cast %parallel_loop3A_317 : i32 to index
        %parallel_loop3A_321 = tpu.vector_load %arg9[%parallel_loop3A_319, %parallel_loop3A_320] {strides = array<i32>} : memref<2x1280xi32, #tpu.memory_space<vmem>>, vector<16xi32>,
        %parallel_loop3A_322 = arith.constant 14 : i32
        %parallel_loop3A_323 = vector.broadcast %parallel_loop3A_322 : i32 to vector<16xi32>
        %parallel_loop3A_324 = arith.shrui %parallel_loop3A_321, %parallel_loop3A_323 : vector<16xi32>
        %parallel_loop3A_325 = arith.constant 16383 : i32
        %parallel_loop3A_326 = vector.broadcast %parallel_loop3A_325 : i32 to vector<16xi32>
        %parallel_loop3A_327 = arith.andi %parallel_loop3A_321, %parallel_loop3A_326 : vector<16xi32>
        %parallel_loop3A_328 = arith.constant 1 : i32
        %parallel_loop3A_329 = arith.index_cast %parallel_loop3A_328 : i32 to index
        %parallel_loop3A_330 = arith.index_cast %parallel_loop3A_317 : i32 to index
        %parallel_loop3A_331 = tpu.vector_load %arg10[%parallel_loop3A_329, %parallel_loop3A_330] {strides = array<i32>} : memref<2x1280xf32, #tpu.memory_space<vmem>>, vector<16xf32>,
        %parallel_loop3A_332 = arith.constant 0 : i32
        %parallel_loop3A_333 = tpu.memref_slice %arg6[%parallel_loop3A_332] : memref<40000xf32, #tpu.memory_space<vmem>> -> memref<10000xf32, #tpu.memory_space<vmem>>
        %parallel_loop3A_334 = tpu.vector_load_idx %parallel_loop3A_333[%parallel_loop3A_324] : memref<10000xf32, #tpu.memory_space<vmem>>[vector<16xi32>], vector<16xf32>,
        %parallel_loop3A_335 = arith.mulf %parallel_loop3A_334, %parallel_loop3A_331 : vector<16xf32>
        %parallel_loop3A_336 = arith.constant 0 : i32
        %parallel_loop3A_337 = tpu.memref_slice %arg7[%parallel_loop3A_336] : memref<40000xf32, #tpu.memory_space<vmem>> -> memref<10000xf32, #tpu.memory_space<vmem>>
        tpu.vector_store_idx %parallel_loop3A_337[%parallel_loop3A_327], %parallel_loop3A_335 {add = true} : memref<10000xf32, #tpu.memory_space<vmem>>[vector<16xi32>], vector<16xf32>,
        %parallel_loop3A_338 = arith.constant 10000 : i32
        %parallel_loop3A_339 = tpu.memref_slice %arg6[%parallel_loop3A_338] : memref<40000xf32, #tpu.memory_space<vmem>> -> memref<10000xf32, #tpu.memory_space<vmem>>
        %parallel_loop3A_340 = tpu.vector_load_idx %parallel_loop3A_339[%parallel_loop3A_324] : memref<10000xf32, #tpu.memory_space<vmem>>[vector<16xi32>], vector<16xf32>,
        %parallel_loop3A_341 = arith.mulf %parallel_loop3A_340, %parallel_loop3A_331 : vector<16xf32>
        %parallel_loop3A_342 = arith.constant 10000 : i32
        %parallel_loop3A_343 = tpu.memref_slice %arg7[%parallel_loop3A_342] : memref<40000xf32, #tpu.memory_space<vmem>> -> memref<10000xf32, #tpu.memory_space<vmem>>
        tpu.vector_store_idx %parallel_loop3A_343[%parallel_loop3A_327], %parallel_loop3A_341 {add = true} : memref<10000xf32, #tpu.memory_space<vmem>>[vector<16xi32>], vector<16xf32>,
        %parallel_loop3A_344 = arith.constant 20000 : i32
        %parallel_loop3A_345 = tpu.memref_slice %arg6[%parallel_loop3A_344] : memref<40000xf32, #tpu.memory_space<vmem>> -> memref<10000xf32, #tpu.memory_space<vmem>>
        %parallel_loop3A_346 = tpu.vector_load_idx %parallel_loop3A_345[%parallel_loop3A_324] : memref<10000xf32, #tpu.memory_space<vmem>>[vector<16xi32>], vector<16xf32>,
        %parallel_loop3A_347 = arith.mulf %parallel_loop3A_346, %parallel_loop3A_331 : vector<16xf32>
        %parallel_loop3A_348 = arith.constant 20000 : i32
        %parallel_loop3A_349 = tpu.memref_slice %arg7[%parallel_loop3A_348] : memref<40000xf32, #tpu.memory_space<vmem>> -> memref<10000xf32, #tpu.memory_space<vmem>>
        tpu.vector_store_idx %parallel_loop3A_349[%parallel_loop3A_327], %parallel_loop3A_347 {add = true} : memref<10000xf32, #tpu.memory_space<vmem>>[vector<16xi32>], vector<16xf32>,
        %parallel_loop3A_350 = arith.constant 30000 : i32
        %parallel_loop3A_351 = tpu.memref_slice %arg6[%parallel_loop3A_350] : memref<40000xf32, #tpu.memory_space<vmem>> -> memref<10000xf32, #tpu.memory_space<vmem>>
        %parallel_loop3A_352 = tpu.vector_load_idx %parallel_loop3A_351[%parallel_loop3A_324] : memref<10000xf32, #tpu.memory_space<vmem>>[vector<16xi32>], vector<16xf32>,
        %parallel_loop3A_353 = arith.mulf %parallel_loop3A_352, %parallel_loop3A_331 : vector<16xf32>
        %parallel_loop3A_354 = arith.constant 30000 : i32
        %parallel_loop3A_355 = tpu.memref_slice %arg7[%parallel_loop3A_354] : memref<40000xf32, #tpu.memory_space<vmem>> -> memref<10000xf32, #tpu.memory_space<vmem>>
        tpu.vector_store_idx %parallel_loop3A_355[%parallel_loop3A_327], %parallel_loop3A_353 {add = true} : memref<10000xf32, #tpu.memory_space<vmem>>[vector<16xi32>], vector<16xf32>,
      } {sc.loop_unroll_factor = 4 : i64, sc.parallel_access}
      %add3A_308 = arith.constant 2 : i32
      %add3A_309 = arith.addi %add3A_278, %add3A_308 : i32
      %lt3A_310 = arith.constant 250 : i32
      %lt3A_311 = arith.cmpi slt, %add3A_309, %lt3A_310 : i32
      %convert_element_type3A_312 = arith.extui %lt3A_311 : i1 to i32
      %cond3A_313 = arith.constant 0 : i32
      %cond3A_314 = arith.cmpi ne, %convert_element_type3A_312, %cond3A_313 : i32
      scf.if %cond3A_314 {
        %mul3A_315 = arith.constant 1280 : i32
        %mul3A_316 = arith.muli %add3A_309, %mul3A_315 : i32
        %dma_start3A_317 = arith.constant 1 : i32
        %dma_start3A_318 = arith.constant 1 : i32
        %dma_start3A_319 = arith.constant 0 : i32
        %dma_start3A_320 = tpu.memref_slice %arg9[%dma_start3A_317, %dma_start3A_319] : memref<2x1280xi32, #tpu.memory_space<vmem>> -> memref<1x1280xi32, #tpu.memory_space<vmem>>
        %dma_start3A_321 = tpu.memref_squeeze %dma_start3A_320 : memref<1x1280xi32, #tpu.memory_space<vmem>> -> memref<1280xi32, #tpu.memory_space<vmem>>
        %dma_start3A_322 = tpu.memref_slice %arg3[%mul3A_316] : memref<320000xi32, #tpu.memory_space<hbm>> -> memref<1280xi32, #tpu.memory_space<hbm>>
        %dma_start3A_323 = tpu.memref_slice %arg11[%dma_start3A_318] : memref<3x!tpu.dma_semaphore, #tpu.memory_space<semaphore_mem>> -> memref<1x!tpu.dma_semaphore, #tpu.memory_space<semaphore_mem>>
        %dma_start3A_324 = tpu.memref_squeeze %dma_start3A_323 : memref<1x!tpu.dma_semaphore, #tpu.memory_space<semaphore_mem>> -> memref<!tpu.dma_semaphore, #tpu.memory_space<semaphore_mem>>
        %dma_start3A_325 = arith.constant 0 : i32
        %dma_start3A_326 = tpu.memref_slice %arg9[%dma_start3A_317, %dma_start3A_325] : memref<2x1280xi32, #tpu.memory_space<vmem>> -> memref<1x1280xi32, #tpu.memory_space<vmem>>
        %dma_start3A_327 = tpu.memref_squeeze %dma_start3A_326 : memref<1x1280xi32, #tpu.memory_space<vmem>> -> memref<1280xi32, #tpu.memory_space<vmem>>
        %dma_start3A_328 = tpu.memref_slice %arg3[%mul3A_316] : memref<320000xi32, #tpu.memory_space<hbm>> -> memref<1280xi32, #tpu.memory_space<hbm>>
        tpu.enqueue_dma source(%dma_start3A_328 : memref<1280xi32, #tpu.memory_space<hbm>>) target(%dma_start3A_327 : memref<1280xi32, #tpu.memory_space<vmem>>) target_semaphore(%dma_start3A_324 : memref<!tpu.dma_semaphore, #tpu.memory_space<semaphore_mem>>)
        %dma_start3A_329 = arith.constant 1 : i32
        %dma_start3A_330 = arith.constant 1 : i32
        %dma_start3A_331 = arith.constant 0 : i32
        %dma_start3A_332 = tpu.memref_slice %arg10[%dma_start3A_329, %dma_start3A_331] : memref<2x1280xf32, #tpu.memory_space<vmem>> -> memref<1x1280xf32, #tpu.memory_space<vmem>>
        %dma_start3A_333 = tpu.memref_squeeze %dma_start3A_332 : memref<1x1280xf32, #tpu.memory_space<vmem>> -> memref<1280xf32, #tpu.memory_space<vmem>>
        %dma_start3A_334 = tpu.memref_slice %arg4[%mul3A_316] : memref<320000xf32, #tpu.memory_space<hbm>> -> memref<1280xf32, #tpu.memory_space<hbm>>
        %dma_start3A_335 = tpu.memref_slice %arg11[%dma_start3A_330] : memref<3x!tpu.dma_semaphore, #tpu.memory_space<semaphore_mem>> -> memref<1x!tpu.dma_semaphore, #tpu.memory_space<semaphore_mem>>
        %dma_start3A_336 = tpu.memref_squeeze %dma_start3A_335 : memref<1x!tpu.dma_semaphore, #tpu.memory_space<semaphore_mem>> -> memref<!tpu.dma_semaphore, #tpu.memory_space<semaphore_mem>>
        %dma_start3A_337 = arith.constant 0 : i32
        %dma_start3A_338 = tpu.memref_slice %arg10[%dma_start3A_329, %dma_start3A_337] : memref<2x1280xf32, #tpu.memory_space<vmem>> -> memref<1x1280xf32, #tpu.memory_space<vmem>>
        %dma_start3A_339 = tpu.memref_squeeze %dma_start3A_338 : memref<1x1280xf32, #tpu.memory_space<vmem>> -> memref<1280xf32, #tpu.memory_space<vmem>>
        %dma_start3A_340 = tpu.memref_slice %arg4[%mul3A_316] : memref<320000xf32, #tpu.memory_space<hbm>> -> memref<1280xf32, #tpu.memory_space<hbm>>
        tpu.enqueue_dma source(%dma_start3A_340 : memref<1280xf32, #tpu.memory_space<hbm>>) target(%dma_start3A_339 : memref<1280xf32, #tpu.memory_space<vmem>>) target_semaphore(%dma_start3A_336 : memref<!tpu.dma_semaphore, #tpu.memory_space<semaphore_mem>>)
      } else {
      }
    }
    %scan3A_221 = arith.constant 125 : i32
    %scan3A_222 = arith.constant 0 : i32
    %scan3A_223 = arith.constant 2500 : i32
    %scan3A_224 = arith.addi %scan3A_222, %scan3A_223 : i32
    %scan3A_225 = arith.constant 4 : i32
    scf.for %scan3A_237 = %scan3A_222 to %scan3A_224 step %scan3A_225  : i32 {
      %mul3A_238 = arith.constant 1 : i32
      %mul3A_239 = arith.muli %scan3A_237, %mul3A_238 : i32
      %add3A_240 = arith.constant 0 : i32
      %add3A_241 = arith.addi %add3A_240, %mul3A_239 : i32
      %mul3A_242 = arith.constant 16 : i32
      %mul3A_243 = arith.muli %add3A_241, %mul3A_242 : i32
      %get3A = arith.index_cast %mul3A_243 : i32 to index
      %get3A_244 = tpu.vector_load %arg8[%get3A] {strides = array<i32>} : memref<40000xf32, #tpu.memory_space<vmem>>, vector<16xf32>,
      %get3A_245 = arith.index_cast %mul3A_243 : i32 to index
      %get3A_246 = tpu.vector_load %arg7[%get3A_245] {strides = array<i32>} : memref<40000xf32, #tpu.memory_space<vmem>>, vector<16xf32>,
      %add3A_247 = arith.addf %get3A_244, %get3A_246 : vector<16xf32>
      %mul3A_248 = arith.constant 2.500000e-01 : f32
      %mul3A_249 = vector.broadcast %mul3A_248 : f32 to vector<16xf32>
      %mul3A_250 = arith.mulf %add3A_247, %mul3A_249 : vector<16xf32>
      %swap3A = arith.index_cast %mul3A_243 : i32 to index
      %swap3A_251 = tpu.vector_load %arg6[%swap3A] {strides = array<i32>} : memref<40000xf32, #tpu.memory_space<vmem>>, vector<16xf32>,
      tpu.vector_store %arg6[%swap3A], %mul3A_250 {strides = array<i32>} : memref<40000xf32, #tpu.memory_space<vmem>>, vector<16xf32>,
      %scan3A_252 = arith.constant 1 : i32
      %scan3A_253 = arith.addi %scan3A_237, %scan3A_252 : i32
      %mul3A_254 = arith.constant 1 : i32
      %mul3A_255 = arith.muli %scan3A_253, %mul3A_254 : i32
      %add3A_256 = arith.constant 0 : i32
      %add3A_257 = arith.addi %add3A_256, %mul3A_255 : i32
      %mul3A_258 = arith.constant 16 : i32
      %mul3A_259 = arith.muli %add3A_257, %mul3A_258 : i32
      %get3A_260 = arith.index_cast %mul3A_259 : i32 to index
      %get3A_261 = tpu.vector_load %arg8[%get3A_260] {strides = array<i32>} : memref<40000xf32, #tpu.memory_space<vmem>>, vector<16xf32>,
      %get3A_262 = arith.index_cast %mul3A_259 : i32 to index
      %get3A_263 = tpu.vector_load %arg7[%get3A_262] {strides = array<i32>} : memref<40000xf32, #tpu.memory_space<vmem>>, vector<16xf32>,
      %add3A_264 = arith.addf %get3A_261, %get3A_263 : vector<16xf32>
      %mul3A_265 = arith.constant 2.500000e-01 : f32
      %mul3A_266 = vector.broadcast %mul3A_265 : f32 to vector<16xf32>
      %mul3A_267 = arith.mulf %add3A_264, %mul3A_266 : vector<16xf32>
      %swap3A_268 = arith.index_cast %mul3A_259 : i32 to index
      %swap3A_269 = tpu.vector_load %arg6[%swap3A_268] {strides = array<i32>} : memref<40000xf32, #tpu.memory_space<vmem>>, vector<16xf32>,
      tpu.vector_store %arg6[%swap3A_268], %mul3A_267 {strides = array<i32>} : memref<40000xf32, #tpu.memory_space<vmem>>, vector<16xf32>,
      %scan3A_270 = arith.constant 2 : i32
      %scan3A_271 = arith.addi %scan3A_237, %scan3A_270 : i32
      %mul3A_272 = arith.constant 1 : i32
      %mul3A_273 = arith.muli %scan3A_271, %mul3A_272 : i32
      %add3A_274 = arith.constant 0 : i32
      %add3A_275 = arith.addi %add3A_274, %mul3A_273 : i32
      %mul3A_276 = arith.constant 16 : i32
      %mul3A_277 = arith.muli %add3A_275, %mul3A_276 : i32
      %get3A_278 = arith.index_cast %mul3A_277 : i32 to index
      %get3A_279 = tpu.vector_load %arg8[%get3A_278] {strides = array<i32>} : memref<40000xf32, #tpu.memory_space<vmem>>, vector<16xf32>,
      %get3A_280 = arith.index_cast %mul3A_277 : i32 to index
      %get3A_281 = tpu.vector_load %arg7[%get3A_280] {strides = array<i32>} : memref<40000xf32, #tpu.memory_space<vmem>>, vector<16xf32>,
      %add3A_282 = arith.addf %get3A_279, %get3A_281 : vector<16xf32>
      %mul3A_283 = arith.constant 2.500000e-01 : f32
      %mul3A_284 = vector.broadcast %mul3A_283 : f32 to vector<16xf32>
      %mul3A_285 = arith.mulf %add3A_282, %mul3A_284 : vector<16xf32>
      %swap3A_286 = arith.index_cast %mul3A_277 : i32 to index
      %swap3A_287 = tpu.vector_load %arg6[%swap3A_286] {strides = array<i32>} : memref<40000xf32, #tpu.memory_space<vmem>>, vector<16xf32>,
      tpu.vector_store %arg6[%swap3A_286], %mul3A_285 {strides = array<i32>} : memref<40000xf32, #tpu.memory_space<vmem>>, vector<16xf32>,
      %scan3A_288 = arith.constant 3 : i32
      %scan3A_289 = arith.addi %scan3A_237, %scan3A_288 : i32
      %mul3A_290 = arith.constant 1 : i32
      %mul3A_291 = arith.muli %scan3A_289, %mul3A_290 : i32
      %add3A_292 = arith.constant 0 : i32
      %add3A_293 = arith.addi %add3A_292, %mul3A_291 : i32
      %mul3A_294 = arith.constant 16 : i32
      %mul3A_295 = arith.muli %add3A_293, %mul3A_294 : i32
      %get3A_296 = arith.index_cast %mul3A_295 : i32 to index
      %get3A_297 = tpu.vector_load %arg8[%get3A_296] {strides = array<i32>} : memref<40000xf32, #tpu.memory_space<vmem>>, vector<16xf32>,
      %get3A_298 = arith.index_cast %mul3A_295 : i32 to index
      %get3A_299 = tpu.vector_load %arg7[%get3A_298] {strides = array<i32>} : memref<40000xf32, #tpu.memory_space<vmem>>, vector<16xf32>,
      %add3A_300 = arith.addf %get3A_297, %get3A_299 : vector<16xf32>
      %mul3A_301 = arith.constant 2.500000e-01 : f32
      %mul3A_302 = vector.broadcast %mul3A_301 : f32 to vector<16xf32>
      %mul3A_303 = arith.mulf %add3A_300, %mul3A_302 : vector<16xf32>
      %swap3A_304 = arith.index_cast %mul3A_295 : i32 to index
      %swap3A_305 = tpu.vector_load %arg6[%swap3A_304] {strides = array<i32>} : memref<40000xf32, #tpu.memory_space<vmem>>, vector<16xf32>,
      tpu.vector_store %arg6[%swap3A_304], %mul3A_303 {strides = array<i32>} : memref<40000xf32, #tpu.memory_space<vmem>>, vector<16xf32>,
    }
    %scan3A_226 = arith.constant 2500 : i32
    %dma_start3A_227 = arith.constant 2 : i32
    %dma_start3A_228 = tpu.memref_slice %arg5[%mul3A_2] : memref<1280000xf32, #tpu.memory_space<hbm>> -> memref<40000xf32, #tpu.memory_space<hbm>>
    %dma_start3A_229 = tpu.memref_slice %arg11[%dma_start3A_227] : memref<3x!tpu.dma_semaphore, #tpu.memory_space<semaphore_mem>> -> memref<1x!tpu.dma_semaphore, #tpu.memory_space<semaphore_mem>>
    %dma_start3A_230 = tpu.memref_squeeze %dma_start3A_229 : memref<1x!tpu.dma_semaphore, #tpu.memory_space<semaphore_mem>> -> memref<!tpu.dma_semaphore, #tpu.memory_space<semaphore_mem>>
    %dma_start3A_231 = tpu.memref_slice %arg5[%mul3A_2] : memref<1280000xf32, #tpu.memory_space<hbm>> -> memref<40000xf32, #tpu.memory_space<hbm>>
    tpu.enqueue_dma source(%arg6 : memref<40000xf32, #tpu.memory_space<vmem>>) target(%dma_start3A_231 : memref<40000xf32, #tpu.memory_space<hbm>>) target_semaphore(%dma_start3A_230 : memref<!tpu.dma_semaphore, #tpu.memory_space<semaphore_mem>>)
    %dma_wait3A_232 = arith.constant 2 : i32
    %dma_wait3A_233 = tpu.memref_slice %arg5[%mul3A_2] : memref<1280000xf32, #tpu.memory_space<hbm>> -> memref<40000xf32, #tpu.memory_space<hbm>>
    %dma_wait3A_234 = tpu.memref_slice %arg11[%dma_wait3A_232] : memref<3x!tpu.dma_semaphore, #tpu.memory_space<semaphore_mem>> -> memref<1x!tpu.dma_semaphore, #tpu.memory_space<semaphore_mem>>
    %dma_wait3A_235 = tpu.memref_squeeze %dma_wait3A_234 : memref<1x!tpu.dma_semaphore, #tpu.memory_space<semaphore_mem>> -> memref<!tpu.dma_semaphore, #tpu.memory_space<semaphore_mem>>
    %dma_wait3A_236 = tpu.memref_slice %arg5[%mul3A_2] : memref<1280000xf32, #tpu.memory_space<hbm>> -> memref<40000xf32, #tpu.memory_space<hbm>>
    tpu.wait_dma2 semaphore(%dma_wait3A_235 : memref<!tpu.dma_semaphore, #tpu.memory_space<semaphore_mem>>) src(%arg6 : memref<40000xf32, #tpu.memory_space<vmem>>) dst(%dma_wait3A_236 : memref<40000xf32, #tpu.memory_space<hbm>>)
    return
  }
}

</mosaic_0001>

<sc_bundles>
// kernel: kernel.3.cloned.1.call-start
scs
__scs_entry_jumppad:
0x0: {  	(pc) =	sbr.rel $0x88, $3  }
0x1: {  	(tag) =	ssettag $0x0;
	lr =	simm.s32 $0x1  }
0x2: {  	[smem:$0x3F9E] =	sst lr;
	_ =	strace $0xD0000000  }
0x3: {  	_ = 	snop  }
0x4: {  	_ = 	snop  }
0x5: {  	_ = 	snop  }
0x6: {  	_ = 	snop  }
0x7: {  	_ = 	snop  }
__scs_overlays_trampoline_lowered:
0x8: {  	[smem:$0x3FAD] =	sst s0  }
0x9: {  	[smem:$0x3FAE] =	sst s1  }
0xa: {  	[smem:$0x3FAF] =	sst s2  }
0xb: {  	[smem:$0x3FB0] =	sst s3  }
0xc: {  	[smem:$0x3FB1] =	sst s4  }
0xd: {  	[smem:$0x3FB2] =	sst s5  }
0xe: {  	[smem:$0x3FB3] =	sst s6  }
0xf: {  	[smem:$0x3FB4] =	sst s7  }
0x10: {  	[smem:$0x3FB5] =	sst s8  }
0x11: {  	[smem:$0x3FB6] =	sst s9;
	s0 =	simm.s32 @!p0 $0x0  }
0x12: {  	s1 =	sld [smem:$0x3F9C];
	s0 =	simm.s32 @p0 $0x1  }
0x13: {  	[smem:$0x3FB7] =	sst s0;
	s0 =	simm.s32 @!p1 $0x0  }
0x14: {  	s2 =	sld [smem:$0x3F9B];
	s0 =	simm.s32 @p1 $0x1  }
0x15: {  	[smem:$0x3FB8] =	sst s0;
	s0 =	simm.s32 @!p2 $0x0  }
0x16: {  	s3 =	sld [smem:$0x3FDB];
	s0 =	simm.s32 @p2 $0x1  }
0x17: {  	s4 =	simm.s32 $0x1BF5;
	[smem:$0x3FBA] =	sst s0  }
0x18: {  	s0 =	sld [smem:$0x3F9D];
	_ =	swait.ge [sflag:s4], $0x0  }
0x19: {  	s7 =	sld [smem:$0x3F9E]  }
0x1a: {  	s8 =	sadd.s32 $0xFFFFE003, lr  }
0x1b: {  	s9 =	sadd.s32 $0xFFFFFEF7, lr;
	s5 =	simm.s32 $0xFFFFFFFF;
	p2 =	slt.u32 s8, $0xFFFFF086  }
0x1c: {  	p1 =	slt.u32 s9, $0xF7A;
	s5 =	simm.s32 @!p2 $0x0  }
0x1d: {  	s5 =	simm.s32 @p1 $0x1;
	p0 =	seq.s32 s7, s2  }
0x1e: {  	s7 =	smul.u32 @!p0 $0xF7A, s2;
	p2 =	seq.s32 @!p0 s5, $0x0  }
0x1f: {  	s9 =	smul.u32 $0xF7A, s1;
	s8 =	simm.s32 @!p0 $0x1BF5;
	p2 =	por !p2, p0  }
0x20: {  	[sflag:s8] =	ssyncset.s32 @!p0 $0xFFFFF086;
	s6 =	sadd.s32 @!p0 s3, s7;
	s7 =	simm.s32 @!p0 $0x108  }
0x21: {  	s3 =	sadd.s32 s3, s9;
	s6 =	sadd.s32 @!p0 $0x88, s6;
	s7 =	simm.s32 @p2 $0x1082  }
0x22: {  	[simem:s7], [sflag:s8] =	dma.local @!p0 [hbm:s6], $0xF7A  }
0x23: {  	s9 =	sor.u32 $0xD0000000, s2;
	s6 =	simm.s32 $0x108;
	_ =	swait.ge @!p0 [sflag:s8], $0x0  }
0x24: {  	s3 =	sadd.s32 $0x88, s3;
	s6 =	simm.s32 @!p1 $0x1082;
	[sflag:s4] =	ssyncset.s32 $0xFFFFF086  }
0x25: {  	[simem:s6], [sflag:s4] =	dma.local [hbm:s3], $0xF7A  }
0x26: {  	[smem:$0x3F9E] =	sst s1;
	(tag) =	ssettag s2;
	_ =	strace s9  }
0x27: {  	s1 =	sld [smem:$0x3FAE]  }
0x28: {  	s2 =	sld [smem:$0x3FAF]  }
0x29: {  	s4 =	sld [smem:$0x3FB1]  }
0x2a: {  	p0 =	seq.s32 s5, $0x0;
	s5 =	sld [smem:$0x3FB2]  }
0x2b: {  	s6 =	sld [smem:$0x3FB3]  }
0x2c: {  	s7 =	sld [smem:$0x3FB4]  }
0x2d: {  	s3 =	simm.s32 $0x108;
	s8 =	sld [smem:$0x3FB5]  }
0x2e: {  	s3 =	simm.s32 @!p0 $0x1082;
	s9 =	sld [smem:$0x3FB6]  }
0x2f: {  	lr =	sadd.s32 s0, s3;
	s0 =	sld [smem:$0x3FAD]  }
0x30: {  	s3 =	sld [smem:$0x3FB0]  }
0x31: {  	[smem:$0x3FB9] =	sst s10  }
0x32: {  	s10 =	sld [smem:$0x3FB7];
	_ =	sdelay $0x3  }
0x33: {  	p0 =	seq.s32 s10, $0x1;
	s10 =	sld [smem:$0x3FB9];
	_ =	sdelay $0x3  }
0x34: {  	[smem:$0x3FB9] =	sst s10  }
0x35: {  	s10 =	sld [smem:$0x3FB8];
	_ =	sdelay $0x3  }
0x36: {  	p1 =	seq.s32 s10, $0x1;
	s10 =	sld [smem:$0x3FB9];
	_ =	sdelay $0x3  }
0x37: {  	[smem:$0x3FB9] =	sst s10  }
0x38: {  	s10 =	sld [smem:$0x3FBA]  }
0x39: {  	_ = 	snop;
	(pc) =	sbr.ind lr, $3  }
0x3a: {  	_ = 	snop  }
0x3b: {  	_ = 	snop  }
0x3c: {  	p2 =	seq.s32 s10, $0x1;
	s10 =	sld [smem:$0x3FB9]  }
0x3d: {  	_ =	shalt  }
0x3e: {  	_ =	shalt  }
0x3f: {  	_ =	shalt  }
0x40: {  	_ =	shalt  }
0x41: {  	_ =	shalt  }
0x42: {  	_ =	shalt  }
0x43: {  	_ =	shalt  }
0x44: {  	_ =	shalt  }
0x45: {  	_ =	shalt  }
0x46: {  	_ =	shalt  }
0x47: {  	_ =	shalt  }
0x48: {  	_ =	shalt  }
0x49: {  	_ =	shalt  }
0x4a: {  	_ =	shalt  }
0x4b: {  	_ =	shalt  }
0x4c: {  	_ =	shalt  }
0x4d: {  	_ =	shalt  }
0x4e: {  	_ =	shalt  }
0x4f: {  	_ =	shalt  }
0x50: {  	_ =	shalt  }
0x51: {  	_ =	shalt  }
0x52: {  	_ =	shalt  }
0x53: {  	_ =	shalt  }
0x54: {  	_ =	shalt  }
0x55: {  	_ =	shalt  }
0x56: {  	_ =	shalt  }
0x57: {  	_ =	shalt  }
0x58: {  	_ =	shalt  }
0x59: {  	_ =	shalt  }
0x5a: {  	_ =	shalt  }
0x5b: {  	_ =	shalt  }
0x5c: {  	_ =	shalt  }
0x5d: {  	_ =	shalt  }
0x5e: {  	_ =	shalt  }
0x5f: {  	_ =	shalt  }
0x60: {  	_ =	shalt  }
0x61: {  	_ =	shalt  }
0x62: {  	_ =	shalt  }
0x63: {  	_ =	shalt  }
0x64: {  	_ =	shalt  }
0x65: {  	_ =	shalt  }
0x66: {  	_ =	shalt  }
0x67: {  	_ =	shalt  }
0x68: {  	_ =	shalt  }
0x69: {  	_ =	shalt  }
0x6a: {  	_ =	shalt  }
0x6b: {  	_ =	shalt  }
0x6c: {  	_ =	shalt  }
0x6d: {  	_ =	shalt  }
0x6e: {  	_ =	shalt  }
0x6f: {  	_ =	shalt  }
0x70: {  	_ =	shalt  }
0x71: {  	_ =	shalt  }
0x72: {  	_ =	shalt  }
0x73: {  	_ =	shalt  }
0x74: {  	_ =	shalt  }
0x75: {  	_ =	shalt  }
0x76: {  	_ =	shalt  }
0x77: {  	_ =	shalt  }
0x78: {  	_ =	shalt  }
0x79: {  	_ =	shalt  }
0x7a: {  	_ =	shalt  }
0x7b: {  	_ =	shalt  }
0x7c: {  	_ =	shalt  }
0x7d: {  	_ =	shalt  }
0x7e: {  	_ =	shalt  }
0x7f: {  	_ =	shalt  }
0x80: {  	_ =	shalt  }
0x81: {  	_ =	shalt  }
0x82: {  	_ =	shalt  }
0x83: {  	_ =	shalt  }
0x84: {  	_ =	shalt  }
0x85: {  	_ =	shalt  }
0x86: {  	_ =	shalt  }
0x87: {  	_ =	shalt  }
.Lfunc_end0:
.L_simem_size_0:
called_computation_lowered:
.L_overlay_start_0:
0x88: {  	s2 =	sld [smem:$0x3FD9]  }
0x89: {  	s3 =	sld [smem:$0x3FFE];
	_ =	sdelay $0x1  }
0x8a: {  	s1 =	srdreg.scid  }
0x8b: {  	s0 =	sand.u32 $0x1, s1  }
0x8c: {  	s14 =	sshll.u32 s0, $0xA;
	s2 =	sadd.s32 s3, s2  }
0x8d: {  	s2 =	sadd.s32 s2, s14  }
0x8e: {  	[smem:$0x3FC5] =	sst s2  }
0x8f: {  	_ = 	snop  }
0x90: {  	s2 =	sld [smem:$0x3FD0];
	_ =	sdelay $0x2  }
0x91: {  	s4 =	simm.s32 $0xA;
	s5 =	simm.s32 $0x10;
	s15 =	sld [smem:$0x3FC7]  }
0x92: {  	[smem:s5], [sflag:s4] =	dma.local [hbm:s2], $0x1  }
0x93: {  	_ =	swait.eq [sflag:s4], $0x1  }
0x94: {  	[sflag:s4] =	ssyncset.done $0x0  }
0x95: {  	[sflag:s4] =	ssyncadd.s32 $0xFFFFFFFF  }
0x96: {  	s16 =	sld [smem:$0x10];
	(tm) =	ssettm $0x1  }
0x97: {  	s17 =	sld [smem:$0x3FFB];
	_ =	sdelay $0x3  }
0x98: {  	_ =	strace s17  }
0x99: {  	s4 =	sld [smem:$0x3FFC];
	_ =	sdelay $0x3  }
0x9a: {  	_ =	strace s4  }
0x9b: {  	s4 =	sld [smem:$0x3FFD];
	_ =	sdelay $0x3  }
0x9c: {  	_ =	strace s4  }
0x9d: {  	_ =	strace $0x8FFFFFFF  }
0x9e: {  	s18 =	sld [smem:$0x3FDB];
	_ =	sdelay $0x1  }
0x9f: {  	s19 =	simm.s32 $_scs_section_size  }
0xa0: {  	s6 =	simm.s32 $_size__tile_overlayer_lowered;
	s7 =	simm.s32 $_tile_overlayer_lowered  }
0xa1: {  	s22 =	simm.s32 $0x1BFF;
	s21 =	sshll.u32 s7, $0x1;
	s4 =	sadd.s32 s19, s18  }
0xa2: {  	s8 =	simm.s32 $0x0;
	s20 =	sshll.u32 s6, $0x1;
	s6 =	sadd.s32 s21, s4  }
0xa3: {  	[timem:s8], [sflag:s22] =	dma.local [hbm:s6], s20  }
0xa4: {  	_ =	swait.ge [sflag:s22], s20  }
0xa5: {  	s5 =	ssub.s32 $0x0, s20;
	[sflag:s22] =	ssyncset.done $0x0  }
0xa6: {  	[sflag:s22] =	ssyncadd.s32 s5;
	_ =	sdelay $0x1  }
0xa7: {  	s23 =	simm.s32 $0x1B8B  }
0xa8: {  	_ =	swait.ge [sflag:s23], $0x1  }
0xa9: {  	[sflag:s23] =	ssyncset.done $0x0  }
0xaa: {  	s25 =	simm.s32 $0x1B8E;
	s24 =	sld [smem:$0x3FFE];
	[sflag:s23] =	ssyncadd.s32 $0xFFFFFFFF  }
0xab: {  	s26 =	simm.s32 $execute0_lowered;
	[smem:$0x3FD2] =	sst s25  }
0xac: {  	s6 =	sshll.u32 s26, $0x1;
	_ =	strace $0x80000046;
	[dreg:$0x1] =	wrdreg $0xFFFFFFFF  }
0xad: {  	s28 =	simm.s32 $_size_execute0_lowered;
	s4 =	sadd.s32 s4, s6;
	[dreg:$0x0] =	wrdreg $0x0  }
0xae: {  	s6 =	sshll.u32 s28, $0x1;
	[dreg:$0x2] =	wrdreg s4  }
0xaf: {  	[dreg:$0x3] =	wrdreg s6  }
0xb0: {  	[dreg:$0x4] =	wrdreg $0xC0  }
0xb1: {  	_ =	task [dreg:s8], $0x5FFFF  }
0xb2: {  	[dreg:$0x1] =	wrdreg $0xFFFFFFFF  }
0xb3: {  	[dreg:$0x0] =	wrdreg $0x60  }
0xb4: {  	[dreg:$0x2] =	wrdreg s24  }
0xb5: {  	[dreg:$0x3] =	wrdreg s16  }
0xb6: {  	[dreg:$0x4] =	wrdreg s15  }
0xb7: {  	[dreg:$0x5] =	wrdreg $0x9  }
0xb8: {  	_ =	task.clear_ibuf [dreg:s8], $0x6FFFF;
	_ =	strace $0x90000046  }
0xb9: {  	s29 =	simm.s32 $0x9;
	_ =	strace $0x80000048  }
0xba: {  	_ =	swait.ge [sflag:s29], $0x1  }
0xbb: {  	[sflag:s29] =	ssyncadd.s32 $0xFFFFFFFF  }
0xbc: {  	_ =	strace $0x90000048  }
0xbd: {  	_ =	sfence  }
0xbe: {  	s30 =	sld [smem:$0x0];
	_ =	sdelay $0x2  }
0xbf: {  	s31 =	sshll.u32 s1, $0xD;
	s1 =	sshrl.u32 s1, $0x2  }
0xc0: {  	s3 =	sand.u32 $0x4000, s31;
	s1 =	sadd.s32 s1, s30  }
0xc1: {  	s0 =	sor.u32 s3, s0;
	s1 =	sshll.u32 s1, $0x11  }
0xc2: {  	s0 =	sor.u32 s1, s0  }
0xc3: {  	s0 =	sadd.s32 $0x8F2B, s0  }
0xc4: {  	[sflag:s0] =	ssyncadd.remote.s32 $0x1  }
0xc5: {  	_ =	sfence.sel $0xFFFF  }
0xc6: {  	[dreg:$0x0] =	wrdreg $0xFFFFFFFF;
	(pc) =	sbr.abs _section_cstart, $3  }
0xc7: {  	[dreg:$0x1] =	wrdreg $0xFFFFFFFF  }
0xc8: {  	_ =	task.clear_ibuf [dreg:s8], $0x2FFFF;
	_ =	strace $0x9FFFFFFF  }
0xc9: {  	(tm) =	ssettm $0x7FFFFFFF  }
tec
execute0_lowered:
.L_overlay_start_1:
0x0: {  	(tag) =	ssettag $0x1  }
0x1: {  	s1 =	srdreg.scid  }
0x2: {  	s0 =	rddreg [dreg:$0x0];
	s1 =	sand.u32 $0x1, s1  }
0x3: {  	s2 =	rddreg [dreg:$0x1];
	s5 =	stileid.u32;
	s4 =	sshll.u32 s1, $0x4  }
0x4: {  	s3 =	rddreg [dreg:$0x2];
	s5 =	sor.u32 s5, s4;
	s4 =	simm.s32 $0x0  }
0x5: {  	s11 =	sadd.s32 $0xA0, s2;
	[smem:$0x7FF] =	sst s4  }
0x6: {  	s12 =	sadd.s32 $0xA0, s3;
	_ =	strace $0x80000047;
	[dreg:$0x5] =	wrdreg s11  }
0x7: {  	s14 =	sadd.s32 $0x10, s2;
	[dreg:$0x6] =	wrdreg s12  }
0x8: {  	s15 =	sadd.s32 $0x20, s2;
	[dreg:$0x9] =	wrdreg s14  }
0x9: {  	s16 =	sadd.s32 $0x30, s2;
	[dreg:$0xa] =	wrdreg s15  }
0xa: {  	s17 =	sadd.s32 $0x40, s2;
	[dreg:$0xb] =	wrdreg s16  }
0xb: {  	s18 =	sadd.s32 $0x50, s2;
	[dreg:$0xc] =	wrdreg s17  }
0xc: {  	s19 =	sadd.s32 $0x60, s2;
	[dreg:$0xd] =	wrdreg s18  }
0xd: {  	s20 =	sadd.s32 $0x70, s2;
	[dreg:$0xe] =	wrdreg s19  }
0xe: {  	s21 =	sadd.s32 $0x80, s2;
	[dreg:$0xf] =	wrdreg s20  }
0xf: {  	s22 =	sadd.s32 $0x90, s2;
	[dreg:$0x10] =	wrdreg s21  }
0x10: {  	s23 =	sadd.s32 $0x10, s3;
	[dreg:$0x11] =	wrdreg s22  }
0x11: {  	s24 =	sadd.s32 $0x20, s3;
	[dreg:$0x12] =	wrdreg s23  }
0x12: {  	s25 =	sadd.s32 $0x30, s3;
	s1 =	ssub.s32 $0x2, s1;
	[dreg:$0x13] =	wrdreg s24  }
0x13: {  	s26 =	sadd.s32 $0x40, s3;
	s6 =	sshrl.u32 s1, $0x1;
	[dreg:$0x14] =	wrdreg s25  }
0x14: {  	s1 =	ssub.s32 s1, s6;
	s6 =	sadd.s32 $0x70, s3;
	[dreg:$0x15] =	wrdreg s26  }
0x15: {  	s7 =	sadd.s32 $0x80, s3;
	[dreg:$0x18] =	wrdreg s6  }
0x16: {  	s8 =	sadd.s32 $0x90, s3;
	[dreg:$0x19] =	wrdreg s7  }
0x17: {  	s9 =	sadd.s32 $0xB0, s2;
	[dreg:$0x1a] =	wrdreg s8  }
0x18: {  	s10 =	sadd.s32 $0xC0, s2;
	[dreg:$0x1b] =	wrdreg s9  }
0x19: {  	s13 =	smax.u32 s1, $0x1;
	[dreg:$0x1c] =	wrdreg s10  }
0x1a: {  	s1 =	sadd.s32 $0x50, s3;
	[dreg:$0x8] =	wrdreg s13  }
0x1b: {  	s11 =	sadd.s32 $0xD0, s2;
	[dreg:$0x16] =	wrdreg s1  }
0x1c: {  	s12 =	sadd.s32 $0xE0, s2;
	[dreg:$0x1d] =	wrdreg s11  }
0x1d: {  	s14 =	sadd.s32 $0x100, s2;
	[dreg:$0x1e] =	wrdreg s12  }
0x1e: {  	s28 =	simm.s32 $0x1DF00;
	s15 =	sadd.s32 $0x110, s2;
	[smem:$0x7F1] =	sst s14  }
0x1f: {  	s29 =	simm.s32 $0x1E000;
	s16 =	sadd.s32 $0x120, s2;
	[smem:$0x7F2] =	sst s15  }
0x20: {  	s30 =	simm.s32 $0x1E100;
	s17 =	sadd.s32 $0x130, s2;
	[smem:$0x7F3] =	sst s16  }
0x21: {  	s31 =	simm.s32 $0x1E200;
	s18 =	sadd.s32 $0xB0, s3;
	[smem:$0x7F4] =	sst s17  }
0x22: {  	s5 =	smul.u32 $0x1388, s5;
	s19 =	sadd.s32 $0xC0, s3;
	[smem:$0x7F5] =	sst s18  }
0x23: {  	s20 =	sadd.s32 $0xD0, s3;
	s21 =	sadd.s32 $0xE0, s3;
	[smem:$0x7F6] =	sst s19  }
0x24: {  	s22 =	sadd.s32 $0xF0, s3;
	s23 =	sadd.s32 $0x100, s3;
	[smem:$0x7F7] =	sst s20  }
0x25: {  	s24 =	sadd.s32 $0x110, s3;
	s25 =	sadd.s32 $0x120, s3;
	[smem:$0x7F8] =	sst s21  }
0x26: {  	s26 =	sadd.s32 $0x130, s3;
	s8 =	simm.s32 $0x1E500;
	[smem:$0x7F9] =	sst s22  }
0x27: {  	s9 =	simm.s32 $0x1E600;
	s6 =	simm.s32 $0x1E800;
	[smem:$0x7FA] =	sst s23  }
0x28: {  	s7 =	simm.s32 $0x1E900;
	s10 =	simm.s32 $0x111B0;
	[smem:$0x7FB] =	sst s24  }
0x29: {  	s0 =	sadd.s32 s5, s0;
	s13 =	sadd.s32 $0xF0, s2;
	[smem:$0x7FC] =	sst s25  }
0x2a: {  	[smem:$0x7FD] =	sst s26;
	s1 =	simm.s32 $0x1E400;
	s21 =	simm.s32 $0x3  }
0x2b: {  	s11 =	simm.s32 $0x1;
	s12 =	simm.s32 $0x9C80;
	s14 =	simm.s32 $0xC390  }
0x2c: {  	s15 =	simm.s32 $0x4E20;
	s16 =	simm.s32 $0xEAA0;
	s17 =	simm.s32 $0x7530  }
0x2d: {  	s18 =	simm.s32 $0x2;
	s5 =	sadd.s32 $0x200, s0;
	[dreg:$0x1f] =	wrdreg s13  }
0x2e: {  	s20 =	simm.s32 $0x0;
	s0 =	sadd.s32 $0x27400, s0;
	[dreg:$0x4] =	wrdreg s5  }
0x2f: {  	s13 =	simm.s32 $0x2710;
	[dreg:$0x7] =	wrdreg s0;
	s5 =	sadd.s32 $0x60, s3  }
0x30: {  	v0 =	vimm.f32 $0.0e+00;
	s0 =	simm.s32 $0x1E300;
	[dreg:$0x17] =	wrdreg s5;
	s5 =	simm.s32 $0x1E700  }
.LBB2_1:
0x31: {  	s19 =	rddreg [dreg:$0x4]  }
0x32: {  	[tilespmem:s4], [sflag:$0x3] =	stream.linear.gather [hbm4b:s19+s4], $0x9C40, $0x38;
	[tilespmem:$0x1E980] =	vst v63  }
0x33: {  	s23 =	simm.s32 $0x13900  }
0x34: {  	[tilespmem:s23], [sflag:$0x3] =	stream.linear.gather [hbm4b:s19+s4], $0x9C40, $0x38;
	[tilespmem:$0x1E980] =	vst v63  }
0x35: {  	[smem:$0x7F0] =	sst s20;
	s24 =	simm.s32 $0x1D580  }
0x36: {  	[tilespmem:s24], [sflag:$0x1] =	stream.linear.gather [hbm4b:s2+s4], $0x80, $0x38;
	[tilespmem:$0x1E980] =	vst v63  }
0x37: {  	s25 =	rddreg [dreg:$0x9];
	s26 =	simm.s32 $0x1D680  }
0x38: {  	[tilespmem:s26], [sflag:$0x1] =	stream.linear.gather [hbm4b:s25+s4], $0x80, $0x38;
	[tilespmem:$0x1E980] =	vst v63  }
0x39: {  	s20 =	rddreg [dreg:$0xa];
	s22 =	simm.s32 $0x1D780  }
0x3a: {  	[tilespmem:s22], [sflag:$0x1] =	stream.linear.gather [hbm4b:s20+s4], $0x80, $0x38;
	[tilespmem:$0x1E980] =	vst v63  }
0x3b: {  	s23 =	rddreg [dreg:$0xb];
	s24 =	simm.s32 $0x1D880  }
0x3c: {  	[tilespmem:s24], [sflag:$0x1] =	stream.linear.gather [hbm4b:s23+s4], $0x80, $0x38;
	[tilespmem:$0x1E980] =	vst v63  }
0x3d: {  	s25 =	rddreg [dreg:$0xc];
	s26 =	simm.s32 $0x1D980  }
0x3e: {  	[tilespmem:s26], [sflag:$0x1] =	stream.linear.gather [hbm4b:s25+s4], $0x80, $0x38;
	[tilespmem:$0x1E980] =	vst v63  }
0x3f: {  	s20 =	rddreg [dreg:$0xd];
	s22 =	simm.s32 $0x1DA80  }
0x40: {  	[tilespmem:s22], [sflag:$0x1] =	stream.linear.gather [hbm4b:s20+s4], $0x80, $0x38;
	[tilespmem:$0x1E980] =	vst v63  }
0x41: {  	s23 =	rddreg [dreg:$0xe];
	s24 =	simm.s32 $0x1DB80  }
0x42: {  	[tilespmem:s24], [sflag:$0x1] =	stream.linear.gather [hbm4b:s23+s4], $0x80, $0x38;
	[tilespmem:$0x1E980] =	vst v63  }
0x43: {  	s25 =	rddreg [dreg:$0xf];
	s26 =	simm.s32 $0x1DC80  }
0x44: {  	[tilespmem:s26], [sflag:$0x1] =	stream.linear.gather [hbm4b:s25+s4], $0x80, $0x38;
	[tilespmem:$0x1E980] =	vst v63  }
0x45: {  	s22 =	rddreg [dreg:$0x10];
	s23 =	simm.s32 $0x1DD80  }
0x46: {  	[tilespmem:s23], [sflag:$0x1] =	stream.linear.gather [hbm4b:s22+s4], $0x80, $0x38;
	[tilespmem:$0x1E980] =	vst v63  }
0x47: {  	s24 =	rddreg [dreg:$0x11];
	s25 =	simm.s32 $0x1DE80  }
0x48: {  	[tilespmem:s25], [sflag:$0x1] =	stream.linear.gather [hbm4b:s24+s4], $0x80, $0x38;
	[tilespmem:$0x1E980] =	vst v63  }
0x49: {  	s20 =	rddreg [dreg:$0x12];
	s26 =	simm.s32 $0x1DF80  }
0x4a: {  	[tilespmem:s26], [sflag:$0x1] =	stream.linear.gather [hbm4b:s3+s4], $0x80, $0x38;
	[tilespmem:$0x1E980] =	vst v63  }
0x4b: {  	s22 =	simm.s32 $0x1E080;
	s23 =	rddreg [dreg:$0x13]  }
0x4c: {  	[tilespmem:s22], [sflag:$0x1] =	stream.linear.gather [hbm4b:s20+s4], $0x80, $0x38;
	[tilespmem:$0x1E980] =	vst v63  }
0x4d: {  	s24 =	simm.s32 $0x1E180;
	s25 =	rddreg [dreg:$0x14]  }
0x4e: {  	[tilespmem:s24], [sflag:$0x1] =	stream.linear.gather [hbm4b:s23+s4], $0x80, $0x38;
	[tilespmem:$0x1E980] =	vst v63  }
0x4f: {  	s26 =	simm.s32 $0x1E280;
	s20 =	rddreg [dreg:$0x15]  }
0x50: {  	[tilespmem:s26], [sflag:$0x1] =	stream.linear.gather [hbm4b:s25+s4], $0x80, $0x38;
	[tilespmem:$0x1E980] =	vst v63  }
0x51: {  	s22 =	simm.s32 $0x1E380;
	s23 =	rddreg [dreg:$0x16]  }
0x52: {  	[tilespmem:s22], [sflag:$0x1] =	stream.linear.gather [hbm4b:s20+s4], $0x80, $0x38;
	[tilespmem:$0x1E980] =	vst v63  }
0x53: {  	s24 =	simm.s32 $0x1E480;
	s25 =	rddreg [dreg:$0x17]  }
0x54: {  	[tilespmem:s24], [sflag:$0x1] =	stream.linear.gather [hbm4b:s23+s4], $0x80, $0x38;
	[tilespmem:$0x1E980] =	vst v63  }
0x55: {  	s26 =	simm.s32 $0x1E580;
	s20 =	rddreg [dreg:$0x18]  }
0x56: {  	[tilespmem:s26], [sflag:$0x1] =	stream.linear.gather [hbm4b:s25+s4], $0x80, $0x38;
	[tilespmem:$0x1E980] =	vst v63  }
0x57: {  	s22 =	simm.s32 $0x1E680;
	s23 =	rddreg [dreg:$0x19]  }
0x58: {  	[tilespmem:s22], [sflag:$0x1] =	stream.linear.gather [hbm4b:s20+s4], $0x80, $0x38;
	[tilespmem:$0x1E980] =	vst v63  }
0x59: {  	s24 =	simm.s32 $0x1E780;
	s25 =	rddreg [dreg:$0x1a]  }
0x5a: {  	[tilespmem:s24], [sflag:$0x1] =	stream.linear.gather [hbm4b:s23+s4], $0x80, $0x38;
	[tilespmem:$0x1E980] =	vst v63  }
0x5b: {  	s26 =	simm.s32 $0x1E880;
	s20 =	rddreg [dreg:$0x5]  }
0x5c: {  	[tilespmem:s26], [sflag:$0x1] =	stream.linear.gather [hbm4b:s25+s4], $0x80, $0x38;
	[tilespmem:$0x1E980] =	vst v63  }
0x5d: {  	s22 =	simm.s32 $0x1D600;
	s23 =	rddreg [dreg:$0x1b]  }
0x5e: {  	[tilespmem:s22], [sflag:$0x2] =	stream.linear.gather [hbm4b:s20+s4], $0x80, $0x38;
	[tilespmem:$0x1E980] =	vst v63  }
0x5f: {  	s24 =	simm.s32 $0x1D700;
	s25 =	rddreg [dreg:$0x1c]  }
0x60: {  	[tilespmem:s24], [sflag:$0x2] =	stream.linear.gather [hbm4b:s23+s4], $0x80, $0x38;
	[tilespmem:$0x1E980] =	vst v63  }
0x61: {  	s26 =	simm.s32 $0x1D800;
	s20 =	rddreg [dreg:$0x1d]  }
0x62: {  	[tilespmem:s26], [sflag:$0x2] =	stream.linear.gather [hbm4b:s25+s4], $0x80, $0x38;
	[tilespmem:$0x1E980] =	vst v63  }
0x63: {  	s22 =	simm.s32 $0x1D900;
	s23 =	rddreg [dreg:$0x1e]  }
0x64: {  	[tilespmem:s22], [sflag:$0x2] =	stream.linear.gather [hbm4b:s20+s4], $0x80, $0x38;
	[tilespmem:$0x1E980] =	vst v63  }
0x65: {  	s24 =	simm.s32 $0x1DA00;
	s25 =	rddreg [dreg:$0x1f]  }
0x66: {  	[tilespmem:s24], [sflag:$0x2] =	stream.linear.gather [hbm4b:s23+s4], $0x80, $0x38;
	[tilespmem:$0x1E980] =	vst v63  }
0x67: {  	s26 =	simm.s32 $0x1DB00;
	s20 =	sld [smem:$0x7F1]  }
0x68: {  	[tilespmem:s26], [sflag:$0x2] =	stream.linear.gather [hbm4b:s25+s4], $0x80, $0x38;
	[tilespmem:$0x1E980] =	vst v63  }
0x69: {  	s22 =	simm.s32 $0x1DC00;
	s23 =	sld [smem:$0x7F2]  }
0x6a: {  	[tilespmem:s22], [sflag:$0x2] =	stream.linear.gather [hbm4b:s20+s4], $0x80, $0x38;
	[tilespmem:$0x1E980] =	vst v63  }
0x6b: {  	s24 =	simm.s32 $0x1DD00;
	s25 =	sld [smem:$0x7F3]  }
0x6c: {  	[tilespmem:s24], [sflag:$0x2] =	stream.linear.gather [hbm4b:s23+s4], $0x80, $0x38;
	[tilespmem:$0x1E980] =	vst v63  }
0x6d: {  	s26 =	simm.s32 $0x1DE00;
	s22 =	sld [smem:$0x7F4]  }
0x6e: {  	[tilespmem:s26], [sflag:$0x2] =	stream.linear.gather [hbm4b:s25+s4], $0x80, $0x38;
	[tilespmem:$0x1E980] =	vst v63  }
0x6f: {  	s23 =	rddreg [dreg:$0x6]  }
0x70: {  	[tilespmem:s28], [sflag:$0x2] =	stream.linear.gather [hbm4b:s22+s4], $0x80, $0x38;
	[tilespmem:$0x1E980] =	vst v63  }
0x71: {  	s24 =	sld [smem:$0x7F5]  }
0x72: {  	[tilespmem:s29], [sflag:$0x2] =	stream.linear.gather [hbm4b:s23+s4], $0x80, $0x38;
	[tilespmem:$0x1E980] =	vst v63  }
0x73: {  	s25 =	sld [smem:$0x7F6]  }
0x74: {  	[tilespmem:s30], [sflag:$0x2] =	stream.linear.gather [hbm4b:s24+s4], $0x80, $0x38;
	[tilespmem:$0x1E980] =	vst v63  }
0x75: {  	s26 =	sld [smem:$0x7F7]  }
0x76: {  	[tilespmem:s31], [sflag:$0x2] =	stream.linear.gather [hbm4b:s25+s4], $0x80, $0x38;
	[tilespmem:$0x1E980] =	vst v63  }
0x77: {  	s20 =	sld [smem:$0x7F8]  }
0x78: {  	[tilespmem:s0], [sflag:$0x2] =	stream.linear.gather [hbm4b:s26+s4], $0x80, $0x38;
	[tilespmem:$0x1E980] =	vst v63  }
0x79: {  	s22 =	sld [smem:$0x7F9]  }
0x7a: {  	[tilespmem:s1], [sflag:$0x2] =	stream.linear.gather [hbm4b:s20+s4], $0x80, $0x38;
	[tilespmem:$0x1E980] =	vst v63  }
0x7b: {  	s23 =	sld [smem:$0x7FA]  }
0x7c: {  	[tilespmem:s8], [sflag:$0x2] =	stream.linear.gather [hbm4b:s22+s4], $0x80, $0x38;
	[tilespmem:$0x1E980] =	vst v63  }
0x7d: {  	s24 =	sld [smem:$0x7FB]  }
0x7e: {  	[tilespmem:s9], [sflag:$0x2] =	stream.linear.gather [hbm4b:s23+s4], $0x80, $0x38;
	[tilespmem:$0x1E980] =	vst v63  }
0x7f: {  	s25 =	sld [smem:$0x7FC]  }
0x80: {  	[tilespmem:s5], [sflag:$0x2] =	stream.linear.gather [hbm4b:s24+s4], $0x80, $0x38;
	[tilespmem:$0x1E980] =	vst v63  }
0x81: {  	s26 =	sld [smem:$0x7FD]  }
0x82: {  	[tilespmem:s6], [sflag:$0x2] =	stream.linear.gather [hbm4b:s25+s4], $0x80, $0x38;
	[tilespmem:$0x1E980] =	vst v63  }
0x83: {  	s19 =	simm.s32 $0x9CA0  }
0x84: {  	[tilespmem:s7], [sflag:$0x2] =	stream.linear.gather [hbm4b:s26+s4], $0x80, $0x38;
	[tilespmem:$0x1E980] =	vst v63  }
0x85: {  	[tilespmem:s19+$0xFFFFFFE0] =	vst v0  }
0x86: {  	[tilespmem:s19+$0x10] =	vst v0  }
0x87: {  	s20 =	simm.s32 $0x0;
	[tilespmem:s19+$0x0] =	vst v0  }
.LBB2_2:
0x88: {  	s20 =	sadd.s32 $0x4, s20  }
0x89: {  	[tilespmem:s19+$0xFFFFFFF0] =	vst v0;
	s19 =	sadd.s32 $0x40, s19;
	p0 =	slt.u32 s20, $0x9C0  }
.Ltmp0:
0x8a: {  	[tilespmem:s19+$0xFFFFFFE0] =	vst v0;
	(pc) =	sbr.rel @p0 .LBB2_2-.Ltmp0, $3  }
0x8b: {  	_ =	sdelay $0x1  }
0x8c: {  	[tilespmem:s19+$0x10] =	vst v0  }
0x8d: {  	[tilespmem:s19+$0x0] =	vst v0  }
0x8e: {  	[tilespmem:s19+$0xFFFFFFF0] =	vst v0  }
0x8f: {  	_ =	swait.ge [sflag:s21], $0x9C40  }
0x90: {  	[sflag:s21] =	ssyncset.done $0x0  }
0x91: {  	[sflag:s21] =	ssyncadd.s32 $0xFFFF63C0  }
0x92: {  	_ =	swait.ge [sflag:s21], $0x9C40  }
0x93: {  	[sflag:s21] =	ssyncset.done $0x0  }
0x94: {  	s19 =	simm.s32 $0x0;
	s20 =	simm.s32 $0x0;
	[sflag:s21] =	ssyncadd.s32 $0xFFFF63C0  }
.LBB2_4:
0x95: {  	_ =	swait.ge [sflag:s11], $0x500  }
0x96: {  	[sflag:s11] =	ssyncset.done $0x0  }
0x97: {  	[sflag:s11] =	ssyncadd.s32 $0xFFFFFB00  }
0x98: {  	_ =	swait.ge [sflag:s11], $0x500  }
0x99: {  	s21 =	sand.u32 $0x40, s19;
	s22 =	sand.u32 $0xF00, s19;
	[sflag:s11] =	ssyncset.done $0x0  }
0x9a: {  	s21 =	sor.u32 s21, s22;
	[sflag:s11] =	ssyncadd.s32 $0xFFFFFB00  }
0x9b: {  	v1 =	vld [tilespmem:s21+$0x1D5B0]  }
0x9c: {  	v2 =	vld [tilespmem:s21+$0x1D580]  }
0x9d: {  	v4 =	vld [tilespmem:s21+$0x1D5A0];
	_ =	sdelay $0x2  }
0x9e: {  	v3 =	vld [tilespmem:s21+$0x1D590];
	v5 =	vshrl.u32 v1, $0xE  }
0x9f: {  	v13 =	vld [tilespmem:s21+$0x1DF80];
	v12 =	vshrl.u32 v2, $0xE  }
0xa0: {  	v14 =	vld [tilespmem:s21+$0x1DF90];
	v16 =	vshrl.u32 v4, $0xE  }
0xa1: {  	v7 =	vld [tilespmem:s21+$0x1DFB0]  }
0xa2: {  	v17 =	vld [tilespmem:s21+$0x1DFA0]  }
0xa3: {  	v15 =	vshrl.u32 v3, $0xE;
	v6 =	vld.idx.msk [tilespmem:v5+s4+$0x0], $0xffff  }
0xa4: {  	s25 =	simm.s32 $0x80;
	s26 =	simm.s32 $0x40;
	v8 =	vld.idx.msk [tilespmem:v12+s4+$0x0], $0xffff  }
0xa5: {  	s22 =	sand.u32 $0x40, s26;
	s21 =	sand.u32 $0xF00, s25;
	v9 =	vand.u32 $0x3FFF, v1;
	v18 =	vand.u32 $0x3FFF, v2;
	v2 =	vld.idx.msk [tilespmem:v16+s4+$0x0], $0xffff  }
0xa6: {  	s21 =	sor.u32 s22, s21  }
0xa7: {  	v20 =	vld [tilespmem:s21+$0x1D580];
	v1 =	vand.u32 $0x3FFF, v4  }
0xa8: {  	v19 =	vand.u32 $0x3FFF, v3;
	v10 =	vld.idx.msk [tilespmem:v15+s4+$0x0], $0xffff;
	v3 =	vmul.f32 v6, v7  }
0xa9: {  	v21 =	vld [tilespmem:s21+$0x1D590];
	v4 =	vmul.f32 v8, v13  }
0xaa: {  	v2 =	vmul.f32 v2, v17;
	[tilespmem:v9+s12+$0x0] =	vst.idx.add.f32.msk $0xffff, v3  }
0xab: {  	[tilespmem:v18+s12+$0x0] =	vst.idx.add.f32.msk $0xffff, v4  }
0xac: {  	[tilespmem:v1+s12+$0x0] =	vst.idx.add.f32.msk $0xffff, v2  }
0xad: {  	v3 =	vmul.f32 v10, v14;
	v10 =	vld [tilespmem:s21+$0x1D5B0]  }
0xae: {  	v6 =	vld.idx.msk [tilespmem:v5+s13+$0x0], $0xffff  }
0xaf: {  	v2 =	vld.idx.msk [tilespmem:v12+s13+$0x0], $0xffff  }
0xb0: {  	v22 =	vld [tilespmem:s21+$0x1D5A0]  }
0xb1: {  	v4 =	vld.idx.msk [tilespmem:v16+s13+$0x0], $0xffff  }
0xb2: {  	v11 =	vld [tilespmem:s21+$0x1DFB0]  }
0xb3: {  	[tilespmem:v19+s12+$0x0] =	vst.idx.add.f32.msk $0xffff, v3;
	v6 =	vmul.f32 v6, v7  }
0xb4: {  	v3 =	vld.idx.msk [tilespmem:v15+s13+$0x0], $0xffff;
	v23 =	vshrl.u32 v10, $0xE;
	v2 =	vmul.f32 v2, v13  }
0xb5: {  	[tilespmem:v9+s14+$0x0] =	vst.idx.add.f32.msk $0xffff, v6  }
0xb6: {  	[tilespmem:v18+s14+$0x0] =	vst.idx.add.f32.msk $0xffff, v2;
	v2 =	vmul.f32 v4, v17  }
0xb7: {  	v6 =	vld.idx.msk [tilespmem:v5+s15+$0x0], $0xffff  }
0xb8: {  	[tilespmem:v1+s14+$0x0] =	vst.idx.add.f32.msk $0xffff, v2  }
0xb9: {  	v3 =	vmul.f32 v3, v14;
	v24 =	vld.idx.msk [tilespmem:v23+s4+$0x0], $0xffff  }
0xba: {  	v8 =	vld.idx.msk [tilespmem:v16+s15+$0x0], $0xffff  }
0xbb: {  	v10 =	vand.u32 $0x3FFF, v10;
	[tilespmem:v19+s14+$0x0] =	vst.idx.add.f32.msk $0xffff, v3  }
0xbc: {  	v3 =	vld.idx.msk [tilespmem:v12+s15+$0x0], $0xffff;
	v2 =	vmul.f32 v6, v7  }
0xbd: {  	v4 =	vld.idx.msk [tilespmem:v15+s15+$0x0], $0xffff  }
0xbe: {  	v6 =	vshrl.u32 v21, $0xE;
	v54 =	vmul.f32 v24, v11;
	[tilespmem:v9+s16+$0x0] =	vst.idx.add.f32.msk $0xffff, v2  }
0xbf: {  	v8 =	vmul.f32 v8, v17;
	v2 =	vld.idx.msk [tilespmem:v5+s17+$0x0], $0xffff  }
0xc0: {  	[tilespmem:v10+s12+$0x0] =	vst.idx.add.f32.msk $0xffff, v54  }
0xc1: {  	[tilespmem:v1+s16+$0x0] =	vst.idx.add.f32.msk $0xffff, v8  }
0xc2: {  	v58 =	vld.idx.msk [tilespmem:v23+s13+$0x0], $0xffff  }
0xc3: {  	v26 =	vld.idx.msk [tilespmem:v6+s4+$0x0], $0xffff  }
0xc4: {  	v63 =	vld.idx.msk [tilespmem:v16+s17+$0x0], $0xffff  }
0xc5: {  	v5 =	vmul.f32 v2, v7;
	v2 =	vld [tilespmem:s21+$0x1DF80]  }
0xc6: {  	v7 =	vmul.f32 v3, v13;
	v3 =	vld [tilespmem:s21+$0x1DF90]  }
0xc7: {  	[tilespmem:v9+s10+$0x0] =	vst.idx.add.f32.msk $0xffff, v5  }
0xc8: {  	v9 =	vmul.f32 v4, v14;
	v5 =	vshrl.u32 v20, $0xE;
	v4 =	vld [tilespmem:s21+$0x1DFA0]  }
0xc9: {  	v24 =	vmul.f32 v58, v11;
	[tilespmem:v18+s16+$0x0] =	vst.idx.add.f32.msk $0xffff, v7  }
0xca: {  	v7 =	vshrl.u32 v22, $0xE;
	v55 =	vld.idx.msk [tilespmem:v12+s17+$0x0], $0xffff  }
0xcb: {  	[tilespmem:v10+s14+$0x0] =	vst.idx.add.f32.msk $0xffff, v24  }
0xcc: {  	v8 =	vand.u32 $0x3FFF, v21;
	[tilespmem:v19+s16+$0x0] =	vst.idx.add.f32.msk $0xffff, v9  }
0xcd: {  	v25 =	vld.idx.msk [tilespmem:v5+s4+$0x0], $0xffff  }
0xce: {  	v16 =	vld.idx.msk [tilespmem:v23+s15+$0x0], $0xffff  }
0xcf: {  	v9 =	vand.u32 $0x3FFF, v20;
	v57 =	vmul.f32 v26, v3;
	v27 =	vld.idx.msk [tilespmem:v7+s4+$0x0], $0xffff  }
0xd0: {  	v15 =	vld.idx.msk [tilespmem:v15+s17+$0x0], $0xffff  }
0xd1: {  	v12 =	vand.u32 $0x3FFF, v22;
	[tilespmem:v8+s12+$0x0] =	vst.idx.add.f32.msk $0xffff, v57;
	v13 =	vmul.f32 v55, v13  }
0xd2: {  	v61 =	vld.idx.msk [tilespmem:v6+s13+$0x0], $0xffff;
	v56 =	vmul.f32 v25, v2  }
0xd3: {  	[tilespmem:v18+s10+$0x0] =	vst.idx.add.f32.msk $0xffff, v13  }
0xd4: {  	v59 =	vmul.f32 v27, v4;
	[tilespmem:v9+s12+$0x0] =	vst.idx.add.f32.msk $0xffff, v56  }
0xd5: {  	v60 =	vld.idx.msk [tilespmem:v5+s13+$0x0], $0xffff  }
0xd6: {  	v14 =	vmul.f32 v15, v14;
	[tilespmem:v12+s12+$0x0] =	vst.idx.add.f32.msk $0xffff, v59  }
0xd7: {  	v13 =	vmul.f32 v61, v3;
	v62 =	vld.idx.msk [tilespmem:v7+s13+$0x0], $0xffff  }
0xd8: {  	[tilespmem:v19+s10+$0x0] =	vst.idx.add.f32.msk $0xffff, v14  }
0xd9: {  	[tilespmem:v8+s14+$0x0] =	vst.idx.add.f32.msk $0xffff, v13;
	v13 =	vmul.f32 v16, v11  }
0xda: {  	v16 =	vld.idx.msk [tilespmem:v6+s15+$0x0], $0xffff;
	v15 =	vmul.f32 v60, v2  }
0xdb: {  	[tilespmem:v10+s16+$0x0] =	vst.idx.add.f32.msk $0xffff, v13  }
0xdc: {  	v14 =	vmul.f32 v62, v4;
	[tilespmem:v9+s14+$0x0] =	vst.idx.add.f32.msk $0xffff, v15  }
0xdd: {  	v15 =	vld.idx.msk [tilespmem:v5+s15+$0x0], $0xffff  }
0xde: {  	[tilespmem:v12+s14+$0x0] =	vst.idx.add.f32.msk $0xffff, v14  }
0xdf: {  	s23 =	simm.s32 $0x80;
	s22 =	simm.s32 $0x100;
	s21 =	simm.s32 $0x4;
	v13 =	vmul.f32 v63, v17;
	v14 =	vld.idx.msk [tilespmem:v23+s17+$0x0], $0xffff  }
.LBB2_5:
0xe0: {  	s24 =	sand.u32 $0x40, s23;
	s25 =	sand.u32 $0xF00, s22;
	s21 =	sadd.s32 $0x4, s21;
	v17 =	vld.idx.msk [tilespmem:v7+s15+$0x0], $0xffff  }
0xe1: {  	s24 =	sor.u32 s24, s25;
	p0 =	slt.u32 s21, $0x4C;
	[tilespmem:v1+s10+$0x0] =	vst.idx.add.f32.msk $0xffff, v13;
	v1 =	vmov v12  }
0xe2: {  	v15 =	vmul.f32 v15, v2;
	v13 =	vld [tilespmem:s24+$0x1D5B0]  }
0xe3: {  	v16 =	vmul.f32 v16, v3;
	v12 =	vld [tilespmem:s24+$0x1D580]  }
0xe4: {  	v18 =	vld [tilespmem:s24+$0x1D590]  }
0xe5: {  	v11 =	vmul.f32 v14, v11;
	v19 =	vld [tilespmem:s24+$0x1D5A0]  }
0xe6: {  	v17 =	vmul.f32 v17, v4;
	v14 =	vld [tilespmem:s24+$0x1DF80]  }
0xe7: {  	v20 =	vshrl.u32 v13, $0xE;
	[tilespmem:v10+s10+$0x0] =	vst.idx.add.f32.msk $0xffff, v11  }
0xe8: {  	v21 =	vshrl.u32 v12, $0xE;
	v22 =	vand.u32 $0x3FFF, v12;
	v23 =	vld [tilespmem:s24+$0x1DF90]  }
0xe9: {  	v24 =	vshrl.u32 v18, $0xE;
	v18 =	vand.u32 $0x3FFF, v18;
	v25 =	vld [tilespmem:s24+$0x1DFA0]  }
0xea: {  	v26 =	vshrl.u32 v19, $0xE;
	v12 =	vand.u32 $0x3FFF, v19;
	[tilespmem:v9+s16+$0x0] =	vst.idx.add.f32.msk $0xffff, v15  }
0xeb: {  	[tilespmem:v8+s16+$0x0] =	vst.idx.add.f32.msk $0xffff, v16  }
0xec: {  	v15 =	vld.idx.msk [tilespmem:v20+s4+$0x0], $0xffff  }
0xed: {  	v11 =	vld [tilespmem:s24+$0x1DFB0]  }
0xee: {  	v16 =	vld.idx.msk [tilespmem:v21+s4+$0x0], $0xffff  }
0xef: {  	v10 =	vand.u32 $0x3FFF, v13;
	v19 =	vld.idx.msk [tilespmem:v24+s4+$0x0], $0xffff  }
0xf0: {  	v13 =	vld.idx.msk [tilespmem:v26+s4+$0x0], $0xffff  }
0xf1: {  	[tilespmem:v1+s16+$0x0] =	vst.idx.add.f32.msk $0xffff, v17  }
0xf2: {  	v15 =	vmul.f32 v15, v11;
	v17 =	vld.idx.msk [tilespmem:v5+s17+$0x0], $0xffff;
	v5 =	vmov v21  }
0xf3: {  	v21 =	vld.idx.msk [tilespmem:v6+s17+$0x0], $0xffff;
	v6 =	vmov v24  }
0xf4: {  	v16 =	vmul.f32 v16, v14;
	[tilespmem:v10+s12+$0x0] =	vst.idx.add.f32.msk $0xffff, v15  }
0xf5: {  	v15 =	vmul.f32 v19, v23;
	v19 =	vld.idx.msk [tilespmem:v20+s13+$0x0], $0xffff  }
0xf6: {  	v13 =	vmul.f32 v13, v25;
	[tilespmem:v22+s12+$0x0] =	vst.idx.add.f32.msk $0xffff, v16  }
0xf7: {  	[tilespmem:v18+s12+$0x0] =	vst.idx.add.f32.msk $0xffff, v15  }
0xf8: {  	[tilespmem:v12+s12+$0x0] =	vst.idx.add.f32.msk $0xffff, v13;
	v13 =	vmul.f32 v17, v2;
	v2 =	vmov v14  }
0xf9: {  	v15 =	vmul.f32 v21, v3;
	v3 =	vmov v23;
	v14 =	vld.idx.msk [tilespmem:v5+s13+$0x0], $0xffff  }
0xfa: {  	v16 =	vld.idx.msk [tilespmem:v24+s13+$0x0], $0xffff  }
0xfb: {  	v19 =	vmul.f32 v19, v11;
	v17 =	vld.idx.msk [tilespmem:v26+s13+$0x0], $0xffff  }
0xfc: {  	v21 =	vld.idx.msk [tilespmem:v7+s17+$0x0], $0xffff;
	v7 =	vmov v26  }
0xfd: {  	[tilespmem:v10+s14+$0x0] =	vst.idx.add.f32.msk $0xffff, v19  }
0xfe: {  	v19 =	vld.idx.msk [tilespmem:v20+s15+$0x0], $0xffff  }
0xff: {  	v14 =	vmul.f32 v14, v2;
	[tilespmem:v9+s10+$0x0] =	vst.idx.add.f32.msk $0xffff, v13;
	v9 =	vmov v22  }
0x100: {  	v13 =	vmul.f32 v16, v3;
	[tilespmem:v8+s10+$0x0] =	vst.idx.add.f32.msk $0xffff, v15;
	v8 =	vmov v18  }
0x101: {  	[tilespmem:v22+s14+$0x0] =	vst.idx.add.f32.msk $0xffff, v14;
	v14 =	vmul.f32 v17, v25  }
0x102: {  	[tilespmem:v18+s14+$0x0] =	vst.idx.add.f32.msk $0xffff, v13;
	v13 =	vmul.f32 v21, v4;
	v4 =	vmov v25  }
.Ltmp1:
0x103: {  	[tilespmem:v12+s14+$0x0] =	vst.idx.add.f32.msk $0xffff, v14;
	(pc) =	sbr.rel @p0 .LBB2_5-.Ltmp1, $4  }
0x104: {  	v14 =	vmul.f32 v19, v11;
	v15 =	vld.idx.msk [tilespmem:v5+s15+$0x0], $0xffff  }
0x105: {  	v16 =	vld.idx.msk [tilespmem:v6+s15+$0x0], $0xffff  }
0x106: {  	[tilespmem:v10+s16+$0x0] =	vst.idx.add.f32.msk $0xffff, v14  }
0x107: {  	s22 =	sadd.s32 $0x80, s22;
	s23 =	sadd.s32 $0x40, s23;
	v14 =	vld.idx.msk [tilespmem:v20+s17+$0x0], $0xffff  }
0x108: {  	_ =	sdelay $0x3  }
0x109: {  	v17 =	vld.idx.msk [tilespmem:v7+s15+$0x0], $0xffff  }
0x10a: {  	v15 =	vmul.f32 v15, v2  }
0x10b: {  	v16 =	vmul.f32 v16, v3  }
0x10c: {  	[tilespmem:v9+s16+$0x0] =	vst.idx.add.f32.msk $0xffff, v15  }
0x10d: {  	[tilespmem:v8+s16+$0x0] =	vst.idx.add.f32.msk $0xffff, v16  }
0x10e: {  	v5 =	vld.idx.msk [tilespmem:v5+s17+$0x0], $0xffff;
	v17 =	vmul.f32 v17, v4  }
0x10f: {  	v6 =	vld.idx.msk [tilespmem:v6+s17+$0x0], $0xffff  }
0x110: {  	[tilespmem:v12+s16+$0x0] =	vst.idx.add.f32.msk $0xffff, v17  }
0x111: {  	v7 =	vld.idx.msk [tilespmem:v7+s17+$0x0], $0xffff;
	_ =	sdelay $0x1  }
0x112: {  	p0 =	seq.s32 s20, $0x7C;
	v11 =	vmul.f32 v14, v11  }
0x113: {  	[tilespmem:v1+s10+$0x0] =	vst.idx.add.f32.msk $0xffff, v13;
	s21 =	smul.u32 @!p0 $0xA00, s20;
	v1 =	vmul.f32 v5, v2  }
0x114: {  	[tilespmem:v10+s10+$0x0] =	vst.idx.add.f32.msk $0xffff, v11;
	v2 =	vmul.f32 v6, v3  }
0x115: {  	s21 =	sshrl.u32 @!p0 s21, $0x3;
	[tilespmem:v9+s10+$0x0] =	vst.idx.add.f32.msk $0xffff, v1;
	v1 =	vmul.f32 v7, v4  }
0x116: {  	s21 =	sadd.s32 @!p0 $0x140, s21;
	[tilespmem:v8+s10+$0x0] =	vst.idx.add.f32.msk $0xffff, v2  }
0x117: {  	s23 =	simm.s32 @!p0 $0x0;
	s24 =	simm.s32 @!p0 $0x1D580;
	s22 =	sadd.s32 @!p0 s2, s21;
	[tilespmem:v12+s10+$0x0] =	vst.idx.add.f32.msk $0xffff, v1  }
0x118: {  	[tilespmem:s24], [sflag:$0x1] =	stream.linear.gather @!p0 [hbm4b:s22+s23], $0x80, $0x38;
	[tilespmem:$0x1E980] =	vst v63  }
0x119: {  	s25 =	simm.s32 @!p0 $0x1D680;
	s24 =	sadd.s32 @!p0 $0x10, s22  }
0x11a: {  	[tilespmem:s25], [sflag:$0x1] =	stream.linear.gather @!p0 [hbm4b:s24+s23], $0x80, $0x38;
	[tilespmem:$0x1E980] =	vst v63  }
0x11b: {  	s24 =	sadd.s32 @!p0 $0x20, s22;
	s25 =	simm.s32 @!p0 $0x1D780  }
0x11c: {  	[tilespmem:s25], [sflag:$0x1] =	stream.linear.gather @!p0 [hbm4b:s24+s23], $0x80, $0x38;
	[tilespmem:$0x1E980] =	vst v63  }
0x11d: {  	s24 =	sadd.s32 @!p0 $0x30, s22;
	s25 =	simm.s32 @!p0 $0x1D880  }
0x11e: {  	[tilespmem:s25], [sflag:$0x1] =	stream.linear.gather @!p0 [hbm4b:s24+s23], $0x80, $0x38;
	[tilespmem:$0x1E980] =	vst v63  }
0x11f: {  	s24 =	sadd.s32 @!p0 $0x40, s22;
	s25 =	simm.s32 @!p0 $0x1D980  }
0x120: {  	[tilespmem:s25], [sflag:$0x1] =	stream.linear.gather @!p0 [hbm4b:s24+s23], $0x80, $0x38;
	[tilespmem:$0x1E980] =	vst v63  }
0x121: {  	s24 =	sadd.s32 @!p0 $0x50, s22;
	s25 =	simm.s32 @!p0 $0x1DA80  }
0x122: {  	[tilespmem:s25], [sflag:$0x1] =	stream.linear.gather @!p0 [hbm4b:s24+s23], $0x80, $0x38;
	[tilespmem:$0x1E980] =	vst v63  }
0x123: {  	s24 =	sadd.s32 @!p0 $0x60, s22;
	s25 =	simm.s32 @!p0 $0x1DB80  }
0x124: {  	[tilespmem:s25], [sflag:$0x1] =	stream.linear.gather @!p0 [hbm4b:s24+s23], $0x80, $0x38;
	[tilespmem:$0x1E980] =	vst v63  }
0x125: {  	s24 =	sadd.s32 @!p0 $0x70, s22;
	s25 =	simm.s32 @!p0 $0x1DC80  }
0x126: {  	[tilespmem:s25], [sflag:$0x1] =	stream.linear.gather @!p0 [hbm4b:s24+s23], $0x80, $0x38;
	[tilespmem:$0x1E980] =	vst v63  }
0x127: {  	s24 =	sadd.s32 @!p0 $0x80, s22;
	s25 =	simm.s32 @!p0 $0x1DD80  }
0x128: {  	[tilespmem:s25], [sflag:$0x1] =	stream.linear.gather @!p0 [hbm4b:s24+s23], $0x80, $0x38;
	[tilespmem:$0x1E980] =	vst v63  }
0x129: {  	s22 =	sadd.s32 @!p0 $0x90, s22;
	s24 =	simm.s32 @!p0 $0x1DE80  }
0x12a: {  	[tilespmem:s24], [sflag:$0x1] =	stream.linear.gather @!p0 [hbm4b:s22+s23], $0x80, $0x38;
	[tilespmem:$0x1E980] =	vst v63  }
0x12b: {  	s21 =	sadd.s32 @!p0 s3, s21;
	s22 =	simm.s32 @!p0 $0x1DF80  }
0x12c: {  	[tilespmem:s22], [sflag:$0x1] =	stream.linear.gather @!p0 [hbm4b:s21+s23], $0x80, $0x38;
	[tilespmem:$0x1E980] =	vst v63  }
0x12d: {  	s24 =	simm.s32 @!p0 $0x1E080;
	s22 =	sadd.s32 @!p0 $0x10, s21  }
0x12e: {  	[tilespmem:s24], [sflag:$0x1] =	stream.linear.gather @!p0 [hbm4b:s22+s23], $0x80, $0x38;
	[tilespmem:$0x1E980] =	vst v63  }
0x12f: {  	s22 =	sadd.s32 @!p0 $0x20, s21;
	s24 =	simm.s32 @!p0 $0x1E180  }
0x130: {  	[tilespmem:s24], [sflag:$0x1] =	stream.linear.gather @!p0 [hbm4b:s22+s23], $0x80, $0x38;
	[tilespmem:$0x1E980] =	vst v63  }
0x131: {  	s22 =	sadd.s32 @!p0 $0x30, s21;
	s24 =	simm.s32 @!p0 $0x1E280  }
0x132: {  	[tilespmem:s24], [sflag:$0x1] =	stream.linear.gather @!p0 [hbm4b:s22+s23], $0x80, $0x38;
	[tilespmem:$0x1E980] =	vst v63  }
0x133: {  	s22 =	sadd.s32 @!p0 $0x40, s21;
	s24 =	simm.s32 @!p0 $0x1E380  }
0x134: {  	[tilespmem:s24], [sflag:$0x1] =	stream.linear.gather @!p0 [hbm4b:s22+s23], $0x80, $0x38;
	[tilespmem:$0x1E980] =	vst v63  }
0x135: {  	s22 =	sadd.s32 @!p0 $0x50, s21;
	s24 =	simm.s32 @!p0 $0x1E480  }
0x136: {  	[tilespmem:s24], [sflag:$0x1] =	stream.linear.gather @!p0 [hbm4b:s22+s23], $0x80, $0x38;
	[tilespmem:$0x1E980] =	vst v63  }
0x137: {  	s22 =	sadd.s32 @!p0 $0x60, s21;
	s24 =	simm.s32 @!p0 $0x1E580  }
0x138: {  	[tilespmem:s24], [sflag:$0x1] =	stream.linear.gather @!p0 [hbm4b:s22+s23], $0x80, $0x38;
	[tilespmem:$0x1E980] =	vst v63  }
0x139: {  	s22 =	sadd.s32 @!p0 $0x70, s21;
	s24 =	simm.s32 @!p0 $0x1E680  }
0x13a: {  	[tilespmem:s24], [sflag:$0x1] =	stream.linear.gather @!p0 [hbm4b:s22+s23], $0x80, $0x38;
	[tilespmem:$0x1E980] =	vst v63  }
0x13b: {  	s22 =	sadd.s32 @!p0 $0x80, s21;
	s24 =	simm.s32 @!p0 $0x1E780  }
0x13c: {  	[tilespmem:s24], [sflag:$0x1] =	stream.linear.gather @!p0 [hbm4b:s22+s23], $0x80, $0x38;
	[tilespmem:$0x1E980] =	vst v63  }
0x13d: {  	s21 =	sadd.s32 @!p0 $0x90, s21;
	s22 =	simm.s32 @!p0 $0x1E880  }
0x13e: {  	[tilespmem:s22], [sflag:$0x1] =	stream.linear.gather @!p0 [hbm4b:s21+s23], $0x80, $0x38;
	[tilespmem:$0x1E980] =	vst v63  }
0x13f: {  	_ =	swait.ge [sflag:s18], $0x500  }
0x140: {  	p1 =	por $0x0, $0x0;
	s21 =	simm.s32 $0x1;
	[sflag:s18] =	ssyncset.done $0x0  }
0x141: {  	s21 =	simm.s32 @!p1 $0x0;
	[sflag:s18] =	ssyncadd.s32 $0xFFFFFB00  }
0x142: {  	s21 =	sshll.u32 s21, $0x6;
	_ =	swait.ge [sflag:s18], $0x500  }
0x143: {  	s21 =	sadd.s32 $0x0, s21;
	[sflag:s18] =	ssyncset.done $0x0  }
0x144: {  	s22 =	sor.u32 $0xB0, s21;
	[sflag:s18] =	ssyncadd.s32 $0xFFFFFB00  }
0x145: {  	s25 =	sor.u32 $0x80, s21;
	v1 =	vld [tilespmem:s22+$0x1D580]  }
0x146: {  	s26 =	sor.u32 $0x90, s21;
	s21 =	sor.u32 $0xA0, s21;
	v2 =	vld [tilespmem:s25+$0x1D580]  }
0x147: {  	v4 =	vld [tilespmem:s21+$0x1D580];
	_ =	sdelay $0x2  }
0x148: {  	v3 =	vld [tilespmem:s26+$0x1D580];
	v5 =	vshrl.u32 v1, $0xE  }
0x149: {  	v13 =	vshrl.u32 v2, $0xE  }
0x14a: {  	v14 =	vld [tilespmem:s25+$0x1DF80];
	v17 =	vshrl.u32 v4, $0xE  }
0x14b: {  	v7 =	vld [tilespmem:s22+$0x1DF80]  }
0x14c: {  	p1 =	por !p1, !p1;
	v18 =	vld [tilespmem:s21+$0x1DF80];
	s21 =	simm.s32 $0x1  }
0x14d: {  	s21 =	simm.s32 @!p1 $0x0;
	v16 =	vshrl.u32 v3, $0xE;
	v6 =	vld.idx.msk [tilespmem:v5+s4+$0x0], $0xffff  }
0x14e: {  	s21 =	sshll.u32 s21, $0x6;
	v8 =	vld.idx.msk [tilespmem:v13+s4+$0x0], $0xffff  }
0x14f: {  	s21 =	sadd.s32 $0x80, s21;
	v9 =	vand.u32 $0x3FFF, v1;
	v19 =	vand.u32 $0x3FFF, v2;
	v2 =	vld.idx.msk [tilespmem:v17+s4+$0x0], $0xffff  }
0x150: {  	v15 =	vld [tilespmem:s26+$0x1DF80];
	s25 =	sor.u32 $0x80, s21  }
0x151: {  	v1 =	vand.u32 $0x3FFF, v4;
	v21 =	vld [tilespmem:s25+$0x1D580]  }
0x152: {  	s26 =	sor.u32 $0x90, s21;
	v20 =	vand.u32 $0x3FFF, v3;
	v10 =	vld.idx.msk [tilespmem:v16+s4+$0x0], $0xffff;
	v3 =	vmul.f32 v6, v7  }
0x153: {  	v22 =	vld [tilespmem:s26+$0x1D580];
	v4 =	vmul.f32 v8, v14  }
0x154: {  	v2 =	vmul.f32 v2, v18;
	[tilespmem:v9+s12+$0x0] =	vst.idx.add.f32.msk $0xffff, v3  }
0x155: {  	[tilespmem:v19+s12+$0x0] =	vst.idx.add.f32.msk $0xffff, v4  }
0x156: {  	s22 =	sor.u32 $0xB0, s21;
	[tilespmem:v1+s12+$0x0] =	vst.idx.add.f32.msk $0xffff, v2  }
0x157: {  	v3 =	vmul.f32 v10, v15;
	v10 =	vld [tilespmem:s22+$0x1D580]  }
0x158: {  	v6 =	vld.idx.msk [tilespmem:v5+s13+$0x0], $0xffff  }
0x159: {  	v2 =	vld.idx.msk [tilespmem:v13+s13+$0x0], $0xffff  }
0x15a: {  	[tilespmem:v20+s12+$0x0] =	vst.idx.add.f32.msk $0xffff, v3  }
0x15b: {  	s21 =	sor.u32 $0xA0, s21;
	v3 =	vld.idx.msk [tilespmem:v16+s13+$0x0], $0xffff  }
0x15c: {  	v23 =	vld [tilespmem:s21+$0x1D580]  }
0x15d: {  	v4 =	vld.idx.msk [tilespmem:v17+s13+$0x0], $0xffff;
	v6 =	vmul.f32 v6, v7  }
0x15e: {  	v12 =	vld [tilespmem:s22+$0x1DF80];
	v11 =	vshrl.u32 v10, $0xE  }
0x15f: {  	v2 =	vmul.f32 v2, v14;
	[tilespmem:v9+s14+$0x0] =	vst.idx.add.f32.msk $0xffff, v6  }
0x160: {  	v3 =	vmul.f32 v3, v15;
	v6 =	vld.idx.msk [tilespmem:v5+s15+$0x0], $0xffff  }
0x161: {  	[tilespmem:v19+s14+$0x0] =	vst.idx.add.f32.msk $0xffff, v2  }
0x162: {  	v2 =	vmul.f32 v4, v18;
	[tilespmem:v20+s14+$0x0] =	vst.idx.add.f32.msk $0xffff, v3  }
0x163: {  	v24 =	vld.idx.msk [tilespmem:v11+s4+$0x0], $0xffff  }
0x164: {  	[tilespmem:v1+s14+$0x0] =	vst.idx.add.f32.msk $0xffff, v2  }
0x165: {  	v10 =	vand.u32 $0x3FFF, v10;
	v3 =	vld.idx.msk [tilespmem:v13+s15+$0x0], $0xffff;
	v2 =	vmul.f32 v6, v7  }
0x166: {  	v4 =	vld.idx.msk [tilespmem:v16+s15+$0x0], $0xffff  }
0x167: {  	v6 =	vshrl.u32 v22, $0xE;
	[tilespmem:v9+s16+$0x0] =	vst.idx.add.f32.msk $0xffff, v2  }
0x168: {  	v55 =	vmul.f32 v24, v12;
	v2 =	vld.idx.msk [tilespmem:v5+s17+$0x0], $0xffff  }
0x169: {  	v8 =	vld.idx.msk [tilespmem:v17+s15+$0x0], $0xffff  }
0x16a: {  	[tilespmem:v10+s12+$0x0] =	vst.idx.add.f32.msk $0xffff, v55  }
0x16b: {  	v59 =	vld.idx.msk [tilespmem:v11+s13+$0x0], $0xffff  }
0x16c: {  	v26 =	vld.idx.msk [tilespmem:v6+s4+$0x0], $0xffff  }
0x16d: {  	v5 =	vmul.f32 v2, v7;
	v2 =	vld [tilespmem:s25+$0x1DF80]  }
0x16e: {  	v7 =	vmul.f32 v3, v14;
	v3 =	vld [tilespmem:s26+$0x1DF80]  }
0x16f: {  	[tilespmem:v9+s10+$0x0] =	vst.idx.add.f32.msk $0xffff, v5  }
0x170: {  	v9 =	vmul.f32 v4, v15;
	v4 =	vld [tilespmem:s21+$0x1DF80]  }
0x171: {  	v5 =	vshrl.u32 v21, $0xE;
	[tilespmem:v19+s16+$0x0] =	vst.idx.add.f32.msk $0xffff, v7  }
0x172: {  	v7 =	vshrl.u32 v23, $0xE;
	v56 =	vld.idx.msk [tilespmem:v13+s17+$0x0], $0xffff  }
0x173: {  	[tilespmem:v20+s16+$0x0] =	vst.idx.add.f32.msk $0xffff, v9;
	v9 =	vmul.f32 v8, v18  }
0x174: {  	v16 =	vld.idx.msk [tilespmem:v16+s17+$0x0], $0xffff  }
0x175: {  	[tilespmem:v1+s16+$0x0] =	vst.idx.add.f32.msk $0xffff, v9  }
0x176: {  	v24 =	vmul.f32 v59, v12;
	v9 =	vand.u32 $0x3FFF, v22;
	v25 =	vld.idx.msk [tilespmem:v5+s4+$0x0], $0xffff  }
0x177: {  	v27 =	vld.idx.msk [tilespmem:v7+s4+$0x0], $0xffff  }
0x178: {  	[tilespmem:v10+s14+$0x0] =	vst.idx.add.f32.msk $0xffff, v24;
	v8 =	vand.u32 $0x3FFF, v21  }
0x179: {  	v13 =	vand.u32 $0x3FFF, v23;
	v58 =	vmul.f32 v26, v3;
	v17 =	vld.idx.msk [tilespmem:v17+s17+$0x0], $0xffff  }
0x17a: {  	v15 =	vmul.f32 v16, v15;
	v16 =	vld.idx.msk [tilespmem:v11+s15+$0x0], $0xffff  }
0x17b: {  	[tilespmem:v9+s12+$0x0] =	vst.idx.add.f32.msk $0xffff, v58;
	v57 =	vmul.f32 v25, v2  }
0x17c: {  	v60 =	vmul.f32 v27, v4;
	v62 =	vld.idx.msk [tilespmem:v6+s13+$0x0], $0xffff  }
0x17d: {  	[tilespmem:v8+s12+$0x0] =	vst.idx.add.f32.msk $0xffff, v57  }
0x17e: {  	[tilespmem:v13+s12+$0x0] =	vst.idx.add.f32.msk $0xffff, v60  }
0x17f: {  	v61 =	vld.idx.msk [tilespmem:v5+s13+$0x0], $0xffff  }
0x180: {  	v14 =	vmul.f32 v56, v14;
	v63 =	vld.idx.msk [tilespmem:v7+s13+$0x0], $0xffff;
	_ =	sdelay $0x1  }
0x181: {  	[tilespmem:v19+s10+$0x0] =	vst.idx.add.f32.msk $0xffff, v14;
	v14 =	vmul.f32 v62, v3  }
0x182: {  	[tilespmem:v20+s10+$0x0] =	vst.idx.add.f32.msk $0xffff, v15  }
0x183: {  	[tilespmem:v9+s14+$0x0] =	vst.idx.add.f32.msk $0xffff, v14;
	v14 =	vmul.f32 v17, v18;
	v21 =	vmul.f32 v61, v2  }
0x184: {  	v17 =	vmul.f32 v16, v12;
	v15 =	vmul.f32 v63, v4;
	v16 =	vld.idx.msk [tilespmem:v6+s15+$0x0], $0xffff  }
0x185: {  	[tilespmem:v8+s14+$0x0] =	vst.idx.add.f32.msk $0xffff, v21  }
0x186: {  	[tilespmem:v13+s14+$0x0] =	vst.idx.add.f32.msk $0xffff, v15  }
0x187: {  	p1 =	por !p1, !p1;
	s22 =	simm.s32 $0x80;
	s21 =	simm.s32 $0x4;
	v15 =	vld.idx.msk [tilespmem:v5+s15+$0x0], $0xffff  }
.LBB2_7:
0x188: {  	s23 =	simm.s32 $0x1  }
0x189: {  	s21 =	sadd.s32 $0x4, s21;
	[tilespmem:v10+s16+$0x0] =	vst.idx.add.f32.msk $0xffff, v17;
	s23 =	simm.s32 @!p1 $0x0  }
0x18a: {  	s22 =	sadd.s32 $0x80, s22;
	p2 =	slt.u32 s21, $0x4C;
	s23 =	sshll.u32 s23, $0x6;
	v11 =	vld.idx.msk [tilespmem:v11+s17+$0x0], $0xffff  }
0x18b: {  	s23 =	sadd.s32 s23, s22;
	v17 =	vld.idx.msk [tilespmem:v7+s15+$0x0], $0xffff  }
0x18c: {  	s24 =	sor.u32 $0x80, s23;
	s25 =	sor.u32 $0x90, s23;
	s26 =	sor.u32 $0xB0, s23;
	[tilespmem:v1+s10+$0x0] =	vst.idx.add.f32.msk $0xffff, v14;
	v1 =	vmov v13  }
0x18d: {  	v15 =	vmul.f32 v15, v2;
	s23 =	sor.u32 $0xA0, s23;
	v14 =	vld [tilespmem:s26+$0x1D580]  }
0x18e: {  	v16 =	vmul.f32 v16, v3;
	v13 =	vld [tilespmem:s24+$0x1D580]  }
0x18f: {  	v18 =	vld [tilespmem:s25+$0x1D580]  }
0x190: {  	v12 =	vmul.f32 v11, v12;
	v19 =	vld [tilespmem:s23+$0x1D580]  }
0x191: {  	v17 =	vmul.f32 v17, v4;
	v20 =	vld [tilespmem:s24+$0x1DF80]  }
0x192: {  	v11 =	vshrl.u32 v14, $0xE;
	[tilespmem:v10+s10+$0x0] =	vst.idx.add.f32.msk $0xffff, v12  }
0x193: {  	v21 =	vshrl.u32 v13, $0xE;
	v22 =	vand.u32 $0x3FFF, v13;
	v23 =	vld [tilespmem:s25+$0x1DF80]  }
0x194: {  	v24 =	vshrl.u32 v18, $0xE;
	v18 =	vand.u32 $0x3FFF, v18;
	v25 =	vld [tilespmem:s23+$0x1DF80]  }
0x195: {  	v26 =	vshrl.u32 v19, $0xE;
	v13 =	vand.u32 $0x3FFF, v19;
	[tilespmem:v8+s16+$0x0] =	vst.idx.add.f32.msk $0xffff, v15  }
0x196: {  	[tilespmem:v9+s16+$0x0] =	vst.idx.add.f32.msk $0xffff, v16  }
0x197: {  	v15 =	vld.idx.msk [tilespmem:v11+s4+$0x0], $0xffff  }
0x198: {  	v12 =	vld [tilespmem:s26+$0x1DF80]  }
0x199: {  	v16 =	vld.idx.msk [tilespmem:v21+s4+$0x0], $0xffff  }
0x19a: {  	v10 =	vand.u32 $0x3FFF, v14;
	v19 =	vld.idx.msk [tilespmem:v24+s4+$0x0], $0xffff  }
0x19b: {  	v14 =	vld.idx.msk [tilespmem:v26+s4+$0x0], $0xffff  }
0x19c: {  	[tilespmem:v1+s16+$0x0] =	vst.idx.add.f32.msk $0xffff, v17  }
0x19d: {  	v15 =	vmul.f32 v15, v12;
	v17 =	vld.idx.msk [tilespmem:v5+s17+$0x0], $0xffff;
	v5 =	vmov v21  }
0x19e: {  	v21 =	vld.idx.msk [tilespmem:v6+s17+$0x0], $0xffff;
	v6 =	vmov v24  }
0x19f: {  	v16 =	vmul.f32 v16, v20;
	[tilespmem:v10+s12+$0x0] =	vst.idx.add.f32.msk $0xffff, v15  }
0x1a0: {  	v15 =	vmul.f32 v19, v23;
	v19 =	vld.idx.msk [tilespmem:v11+s13+$0x0], $0xffff  }
0x1a1: {  	v14 =	vmul.f32 v14, v25;
	[tilespmem:v22+s12+$0x0] =	vst.idx.add.f32.msk $0xffff, v16  }
0x1a2: {  	[tilespmem:v18+s12+$0x0] =	vst.idx.add.f32.msk $0xffff, v15  }
0x1a3: {  	[tilespmem:v13+s12+$0x0] =	vst.idx.add.f32.msk $0xffff, v14;
	v14 =	vmul.f32 v17, v2;
	v2 =	vmov v20  }
0x1a4: {  	v16 =	vmul.f32 v21, v3;
	v3 =	vmov v23;
	v15 =	vld.idx.msk [tilespmem:v5+s13+$0x0], $0xffff  }
0x1a5: {  	v17 =	vld.idx.msk [tilespmem:v24+s13+$0x0], $0xffff  }
0x1a6: {  	v19 =	vmul.f32 v19, v12;
	v20 =	vld.idx.msk [tilespmem:v26+s13+$0x0], $0xffff  }
0x1a7: {  	v21 =	vld.idx.msk [tilespmem:v7+s17+$0x0], $0xffff;
	v7 =	vmov v26  }
0x1a8: {  	[tilespmem:v10+s14+$0x0] =	vst.idx.add.f32.msk $0xffff, v19  }
0x1a9: {  	v19 =	vld.idx.msk [tilespmem:v11+s15+$0x0], $0xffff  }
0x1aa: {  	v15 =	vmul.f32 v15, v2;
	[tilespmem:v8+s10+$0x0] =	vst.idx.add.f32.msk $0xffff, v14;
	v8 =	vmov v22  }
0x1ab: {  	v14 =	vmul.f32 v17, v3;
	[tilespmem:v9+s10+$0x0] =	vst.idx.add.f32.msk $0xffff, v16;
	v9 =	vmov v18  }
.Ltmp2:
0x1ac: {  	[tilespmem:v22+s14+$0x0] =	vst.idx.add.f32.msk $0xffff, v15;
	v15 =	vmul.f32 v20, v25;
	(pc) =	sbr.rel @p2 .LBB2_7-.Ltmp2, $4  }
0x1ad: {  	[tilespmem:v18+s14+$0x0] =	vst.idx.add.f32.msk $0xffff, v14;
	v14 =	vmul.f32 v21, v4;
	v4 =	vmov v25  }
0x1ae: {  	[tilespmem:v13+s14+$0x0] =	vst.idx.add.f32.msk $0xffff, v15  }
0x1af: {  	v17 =	vmul.f32 v19, v12;
	v15 =	vld.idx.msk [tilespmem:v5+s15+$0x0], $0xffff  }
0x1b0: {  	p1 =	por !p1, !p1;
	v16 =	vld.idx.msk [tilespmem:v6+s15+$0x0], $0xffff  }
0x1b1: {  	_ =	sdelay $0x3  }
0x1b2: {  	v18 =	vld.idx.msk [tilespmem:v7+s15+$0x0], $0xffff;
	_ =	sdelay $0x1  }
0x1b3: {  	[tilespmem:v10+s16+$0x0] =	vst.idx.add.f32.msk $0xffff, v17;
	v15 =	vmul.f32 v15, v2  }
0x1b4: {  	v11 =	vld.idx.msk [tilespmem:v11+s17+$0x0], $0xffff;
	v16 =	vmul.f32 v16, v3  }
0x1b5: {  	[tilespmem:v8+s16+$0x0] =	vst.idx.add.f32.msk $0xffff, v15  }
0x1b6: {  	v62 =	vmul.f32 v18, v4;
	[tilespmem:v9+s16+$0x0] =	vst.idx.add.f32.msk $0xffff, v16  }
0x1b7: {  	v5 =	vld.idx.msk [tilespmem:v5+s17+$0x0], $0xffff  }
0x1b8: {  	[tilespmem:v13+s16+$0x0] =	vst.idx.add.f32.msk $0xffff, v62  }
0x1b9: {  	v6 =	vld.idx.msk [tilespmem:v6+s17+$0x0], $0xffff  }
0x1ba: {  	v63 =	vld.idx.msk [tilespmem:v7+s17+$0x0], $0xffff;
	_ =	sdelay $0x1  }
0x1bb: {  	v11 =	vmul.f32 v11, v12  }
.Ltmp3:
0x1bc: {  	[tilespmem:v1+s10+$0x0] =	vst.idx.add.f32.msk $0xffff, v14;
	v1 =	vmul.f32 v5, v2;
	(pc) =	sbr.rel @p0 .LBB2_10-.Ltmp3, $4  }
0x1bd: {  	[tilespmem:v10+s10+$0x0] =	vst.idx.add.f32.msk $0xffff, v11;
	v2 =	vmul.f32 v6, v3  }
0x1be: {  	[tilespmem:v8+s10+$0x0] =	vst.idx.add.f32.msk $0xffff, v1;
	v1 =	vmul.f32 v63, v4  }
0x1bf: {  	[tilespmem:v9+s10+$0x0] =	vst.idx.add.f32.msk $0xffff, v2  }
0x1c0: {  	[tilespmem:v13+s10+$0x0] =	vst.idx.add.f32.msk $0xffff, v1  }
0x1c1: {  	s21 =	smul.u32 $0xA00, s20;
	_ =	sdelay $0x1  }
0x1c2: {  	s21 =	sshrl.u32 s21, $0x3  }
0x1c3: {  	s21 =	sadd.s32 $0x1E0, s21  }
0x1c4: {  	s23 =	simm.s32 $0x1D600;
	s22 =	sadd.s32 s2, s21  }
0x1c5: {  	[tilespmem:s23], [sflag:$0x2] =	stream.linear.gather [hbm4b:s22+s4], $0x80, $0x38;
	[tilespmem:$0x1E980] =	vst v63  }
0x1c6: {  	s24 =	simm.s32 $0x1D700;
	s26 =	sadd.s32 $0x10, s22  }
0x1c7: {  	[tilespmem:s24], [sflag:$0x2] =	stream.linear.gather [hbm4b:s26+s4], $0x80, $0x38;
	[tilespmem:$0x1E980] =	vst v63  }
0x1c8: {  	s25 =	sadd.s32 $0x20, s22;
	s26 =	simm.s32 $0x1D800  }
0x1c9: {  	[tilespmem:s26], [sflag:$0x2] =	stream.linear.gather [hbm4b:s25+s4], $0x80, $0x38;
	[tilespmem:$0x1E980] =	vst v63  }
0x1ca: {  	s25 =	sadd.s32 $0x30, s22;
	s26 =	simm.s32 $0x1D900  }
0x1cb: {  	[tilespmem:s26], [sflag:$0x2] =	stream.linear.gather [hbm4b:s25+s4], $0x80, $0x38;
	[tilespmem:$0x1E980] =	vst v63  }
0x1cc: {  	s25 =	sadd.s32 $0x40, s22;
	s26 =	simm.s32 $0x1DA00  }
0x1cd: {  	[tilespmem:s26], [sflag:$0x2] =	stream.linear.gather [hbm4b:s25+s4], $0x80, $0x38;
	[tilespmem:$0x1E980] =	vst v63  }
0x1ce: {  	s25 =	sadd.s32 $0x50, s22;
	s26 =	simm.s32 $0x1DB00  }
0x1cf: {  	[tilespmem:s26], [sflag:$0x2] =	stream.linear.gather [hbm4b:s25+s4], $0x80, $0x38;
	[tilespmem:$0x1E980] =	vst v63  }
0x1d0: {  	s25 =	sadd.s32 $0x60, s22;
	s26 =	simm.s32 $0x1DC00  }
0x1d1: {  	[tilespmem:s26], [sflag:$0x2] =	stream.linear.gather [hbm4b:s25+s4], $0x80, $0x38;
	[tilespmem:$0x1E980] =	vst v63  }
0x1d2: {  	s25 =	sadd.s32 $0x70, s22;
	s26 =	simm.s32 $0x1DD00  }
0x1d3: {  	[tilespmem:s26], [sflag:$0x2] =	stream.linear.gather [hbm4b:s25+s4], $0x80, $0x38;
	[tilespmem:$0x1E980] =	vst v63  }
0x1d4: {  	s25 =	sadd.s32 $0x80, s22;
	s26 =	simm.s32 $0x1DE00  }
0x1d5: {  	[tilespmem:s26], [sflag:$0x2] =	stream.linear.gather [hbm4b:s25+s4], $0x80, $0x38;
	[tilespmem:$0x1E980] =	vst v63  }
0x1d6: {  	s22 =	sadd.s32 $0x90, s22  }
0x1d7: {  	[tilespmem:s28], [sflag:$0x2] =	stream.linear.gather [hbm4b:s22+s4], $0x80, $0x38;
	[tilespmem:$0x1E980] =	vst v63  }
0x1d8: {  	s21 =	sadd.s32 s3, s21  }
0x1d9: {  	[tilespmem:s29], [sflag:$0x2] =	stream.linear.gather [hbm4b:s21+s4], $0x80, $0x38;
	[tilespmem:$0x1E980] =	vst v63  }
0x1da: {  	s23 =	sadd.s32 $0x10, s21  }
0x1db: {  	[tilespmem:s30], [sflag:$0x2] =	stream.linear.gather [hbm4b:s23+s4], $0x80, $0x38;
	[tilespmem:$0x1E980] =	vst v63  }
0x1dc: {  	s24 =	sadd.s32 $0x20, s21  }
0x1dd: {  	[tilespmem:s31], [sflag:$0x2] =	stream.linear.gather [hbm4b:s24+s4], $0x80, $0x38;
	[tilespmem:$0x1E980] =	vst v63  }
0x1de: {  	s25 =	sadd.s32 $0x30, s21  }
0x1df: {  	[tilespmem:s0], [sflag:$0x2] =	stream.linear.gather [hbm4b:s25+s4], $0x80, $0x38;
	[tilespmem:$0x1E980] =	vst v63  }
0x1e0: {  	s26 =	sadd.s32 $0x40, s21  }
0x1e1: {  	[tilespmem:s1], [sflag:$0x2] =	stream.linear.gather [hbm4b:s26+s4], $0x80, $0x38;
	[tilespmem:$0x1E980] =	vst v63  }
0x1e2: {  	s23 =	sadd.s32 $0x50, s21  }
0x1e3: {  	[tilespmem:s8], [sflag:$0x2] =	stream.linear.gather [hbm4b:s23+s4], $0x80, $0x38;
	[tilespmem:$0x1E980] =	vst v63  }
0x1e4: {  	s24 =	sadd.s32 $0x60, s21  }
0x1e5: {  	[tilespmem:s9], [sflag:$0x2] =	stream.linear.gather [hbm4b:s24+s4], $0x80, $0x38;
	[tilespmem:$0x1E980] =	vst v63  }
0x1e6: {  	s25 =	sadd.s32 $0x70, s21  }
0x1e7: {  	[tilespmem:s5], [sflag:$0x2] =	stream.linear.gather [hbm4b:s25+s4], $0x80, $0x38;
	[tilespmem:$0x1E980] =	vst v63  }
.Ltmp4:
0x1e8: {  	_ = 	snop;
	(pc) =	sbr.rel .LBB2_4-.Ltmp4, $4  }
0x1e9: {  	s26 =	sadd.s32 $0x80, s21  }
0x1ea: {  	[tilespmem:s6], [sflag:$0x2] =	stream.linear.gather [hbm4b:s26+s4], $0x80, $0x38;
	[tilespmem:$0x1E980] =	vst v63  }
0x1eb: {  	s20 =	sadd.s32 $0x1, s20;
	s21 =	sadd.s32 $0x90, s21  }
0x1ec: {  	[tilespmem:s7], [sflag:$0x2] =	stream.linear.gather [hbm4b:s21+s4], $0x80, $0x38;
	[tilespmem:$0x1E980] =	vst v63  }
.LBB2_10:
0x1ed: {  	s19 =	simm.s32 $0x1D580  }
0x1ee: {  	[tilespmem:s19], [sflag:$0x1] =	stream.linear.gather [hbm4b:s2+s4], $0x80, $0x38;
	[tilespmem:$0x1E980] =	vst v63  }
0x1ef: {  	s24 =	rddreg [dreg:$0x9];
	s20 =	simm.s32 $0x1D680  }
0x1f0: {  	[tilespmem:s20], [sflag:$0x1] =	stream.linear.gather [hbm4b:s24+s4], $0x80, $0x38;
	[tilespmem:$0x1E980] =	vst v63  }
0x1f1: {  	s25 =	rddreg [dreg:$0xa];
	s26 =	simm.s32 $0x1D780  }
0x1f2: {  	[tilespmem:s26], [sflag:$0x1] =	stream.linear.gather [hbm4b:s25+s4], $0x80, $0x38;
	[tilespmem:$0x1E980] =	vst v63  }
0x1f3: {  	s21 =	rddreg [dreg:$0xb];
	s22 =	simm.s32 $0x1D880  }
0x1f4: {  	[tilespmem:s22], [sflag:$0x1] =	stream.linear.gather [hbm4b:s21+s4], $0x80, $0x38;
	[tilespmem:$0x1E980] =	vst v63  }
0x1f5: {  	s23 =	rddreg [dreg:$0xc];
	s24 =	simm.s32 $0x1D980  }
0x1f6: {  	[tilespmem:s24], [sflag:$0x1] =	stream.linear.gather [hbm4b:s23+s4], $0x80, $0x38;
	[tilespmem:$0x1E980] =	vst v63  }
0x1f7: {  	s25 =	rddreg [dreg:$0xd];
	s26 =	simm.s32 $0x1DA80  }
0x1f8: {  	[tilespmem:s26], [sflag:$0x1] =	stream.linear.gather [hbm4b:s25+s4], $0x80, $0x38;
	[tilespmem:$0x1E980] =	vst v63  }
0x1f9: {  	s21 =	rddreg [dreg:$0xe];
	s22 =	simm.s32 $0x1DB80  }
0x1fa: {  	[tilespmem:s22], [sflag:$0x1] =	stream.linear.gather [hbm4b:s21+s4], $0x80, $0x38;
	[tilespmem:$0x1E980] =	vst v63  }
0x1fb: {  	s23 =	rddreg [dreg:$0xf];
	s24 =	simm.s32 $0x1DC80  }
0x1fc: {  	[tilespmem:s24], [sflag:$0x1] =	stream.linear.gather [hbm4b:s23+s4], $0x80, $0x38;
	[tilespmem:$0x1E980] =	vst v63  }
0x1fd: {  	s25 =	rddreg [dreg:$0x10];
	s26 =	simm.s32 $0x1DD80  }
0x1fe: {  	[tilespmem:s26], [sflag:$0x1] =	stream.linear.gather [hbm4b:s25+s4], $0x80, $0x38;
	[tilespmem:$0x1E980] =	vst v63  }
0x1ff: {  	s20 =	rddreg [dreg:$0x11];
	s21 =	simm.s32 $0x1DE80  }
0x200: {  	[tilespmem:s21], [sflag:$0x1] =	stream.linear.gather [hbm4b:s20+s4], $0x80, $0x38;
	[tilespmem:$0x1E980] =	vst v63  }
0x201: {  	s22 =	simm.s32 $0x1DF80;
	s23 =	rddreg [dreg:$0x12]  }
0x202: {  	[tilespmem:s22], [sflag:$0x1] =	stream.linear.gather [hbm4b:s3+s4], $0x80, $0x38;
	[tilespmem:$0x1E980] =	vst v63  }
0x203: {  	s24 =	simm.s32 $0x1E080;
	s25 =	rddreg [dreg:$0x13]  }
0x204: {  	[tilespmem:s24], [sflag:$0x1] =	stream.linear.gather [hbm4b:s23+s4], $0x80, $0x38;
	[tilespmem:$0x1E980] =	vst v63  }
0x205: {  	s26 =	simm.s32 $0x1E180;
	s21 =	rddreg [dreg:$0x14]  }
0x206: {  	[tilespmem:s26], [sflag:$0x1] =	stream.linear.gather [hbm4b:s25+s4], $0x80, $0x38;
	[tilespmem:$0x1E980] =	vst v63  }
0x207: {  	s22 =	simm.s32 $0x1E280;
	s23 =	rddreg [dreg:$0x15]  }
0x208: {  	[tilespmem:s22], [sflag:$0x1] =	stream.linear.gather [hbm4b:s21+s4], $0x80, $0x38;
	[tilespmem:$0x1E980] =	vst v63  }
0x209: {  	s24 =	simm.s32 $0x1E380;
	s25 =	rddreg [dreg:$0x16]  }
0x20a: {  	[tilespmem:s24], [sflag:$0x1] =	stream.linear.gather [hbm4b:s23+s4], $0x80, $0x38;
	[tilespmem:$0x1E980] =	vst v63  }
0x20b: {  	s26 =	simm.s32 $0x1E480;
	s21 =	rddreg [dreg:$0x17]  }
0x20c: {  	[tilespmem:s26], [sflag:$0x1] =	stream.linear.gather [hbm4b:s25+s4], $0x80, $0x38;
	[tilespmem:$0x1E980] =	vst v63  }
0x20d: {  	s22 =	simm.s32 $0x1E580;
	s23 =	rddreg [dreg:$0x18]  }
0x20e: {  	[tilespmem:s22], [sflag:$0x1] =	stream.linear.gather [hbm4b:s21+s4], $0x80, $0x38;
	[tilespmem:$0x1E980] =	vst v63  }
0x20f: {  	s24 =	simm.s32 $0x1E680;
	s25 =	rddreg [dreg:$0x19]  }
0x210: {  	[tilespmem:s24], [sflag:$0x1] =	stream.linear.gather [hbm4b:s23+s4], $0x80, $0x38;
	[tilespmem:$0x1E980] =	vst v63  }
0x211: {  	s26 =	simm.s32 $0x1E780;
	s21 =	rddreg [dreg:$0x1a]  }
0x212: {  	[tilespmem:s26], [sflag:$0x1] =	stream.linear.gather [hbm4b:s25+s4], $0x80, $0x38;
	[tilespmem:$0x1E980] =	vst v63  }
0x213: {  	s22 =	simm.s32 $0x1E880;
	s23 =	rddreg [dreg:$0x5]  }
0x214: {  	[tilespmem:s22], [sflag:$0x1] =	stream.linear.gather [hbm4b:s21+s4], $0x80, $0x38;
	[tilespmem:$0x1E980] =	vst v63  }
0x215: {  	s24 =	simm.s32 $0x1D600;
	s25 =	rddreg [dreg:$0x1b]  }
0x216: {  	[tilespmem:s24], [sflag:$0x2] =	stream.linear.gather [hbm4b:s23+s4], $0x80, $0x38;
	[tilespmem:$0x1E980] =	vst v63  }
0x217: {  	s26 =	simm.s32 $0x1D700;
	s21 =	rddreg [dreg:$0x1c]  }
0x218: {  	[tilespmem:s26], [sflag:$0x2] =	stream.linear.gather [hbm4b:s25+s4], $0x80, $0x38;
	[tilespmem:$0x1E980] =	vst v63  }
0x219: {  	s22 =	simm.s32 $0x1D800;
	s23 =	rddreg [dreg:$0x1d]  }
0x21a: {  	[tilespmem:s22], [sflag:$0x2] =	stream.linear.gather [hbm4b:s21+s4], $0x80, $0x38;
	[tilespmem:$0x1E980] =	vst v63  }
0x21b: {  	s24 =	simm.s32 $0x1D900;
	s25 =	rddreg [dreg:$0x1e]  }
0x21c: {  	[tilespmem:s24], [sflag:$0x2] =	stream.linear.gather [hbm4b:s23+s4], $0x80, $0x38;
	[tilespmem:$0x1E980] =	vst v63  }
0x21d: {  	s26 =	simm.s32 $0x1DA00;
	s21 =	rddreg [dreg:$0x1f]  }
0x21e: {  	[tilespmem:s26], [sflag:$0x2] =	stream.linear.gather [hbm4b:s25+s4], $0x80, $0x38;
	[tilespmem:$0x1E980] =	vst v63  }
0x21f: {  	s22 =	simm.s32 $0x1DB00;
	s23 =	sld [smem:$0x7F1]  }
0x220: {  	[tilespmem:s22], [sflag:$0x2] =	stream.linear.gather [hbm4b:s21+s4], $0x80, $0x38;
	[tilespmem:$0x1E980] =	vst v63  }
0x221: {  	s24 =	simm.s32 $0x1DC00;
	s25 =	sld [smem:$0x7F2]  }
0x222: {  	[tilespmem:s24], [sflag:$0x2] =	stream.linear.gather [hbm4b:s23+s4], $0x80, $0x38;
	[tilespmem:$0x1E980] =	vst v63  }
0x223: {  	s26 =	simm.s32 $0x1DD00;
	s21 =	sld [smem:$0x7F3]  }
0x224: {  	[tilespmem:s26], [sflag:$0x2] =	stream.linear.gather [hbm4b:s25+s4], $0x80, $0x38;
	[tilespmem:$0x1E980] =	vst v63  }
0x225: {  	s22 =	simm.s32 $0x1DE00;
	s23 =	sld [smem:$0x7F4]  }
0x226: {  	[tilespmem:s22], [sflag:$0x2] =	stream.linear.gather [hbm4b:s21+s4], $0x80, $0x38;
	[tilespmem:$0x1E980] =	vst v63  }
0x227: {  	s24 =	rddreg [dreg:$0x6]  }
0x228: {  	[tilespmem:s28], [sflag:$0x2] =	stream.linear.gather [hbm4b:s23+s4], $0x80, $0x38;
	[tilespmem:$0x1E980] =	vst v63  }
0x229: {  	s25 =	sld [smem:$0x7F5]  }
0x22a: {  	[tilespmem:s29], [sflag:$0x2] =	stream.linear.gather [hbm4b:s24+s4], $0x80, $0x38;
	[tilespmem:$0x1E980] =	vst v63  }
0x22b: {  	s26 =	sld [smem:$0x7F6]  }
0x22c: {  	[tilespmem:s30], [sflag:$0x2] =	stream.linear.gather [hbm4b:s25+s4], $0x80, $0x38;
	[tilespmem:$0x1E980] =	vst v63  }
0x22d: {  	s20 =	sld [smem:$0x7F7]  }
0x22e: {  	[tilespmem:s31], [sflag:$0x2] =	stream.linear.gather [hbm4b:s26+s4], $0x80, $0x38;
	[tilespmem:$0x1E980] =	vst v63  }
0x22f: {  	s21 =	sld [smem:$0x7F8]  }
0x230: {  	[tilespmem:s0], [sflag:$0x2] =	stream.linear.gather [hbm4b:s20+s4], $0x80, $0x38;
	[tilespmem:$0x1E980] =	vst v63  }
0x231: {  	s22 =	sld [smem:$0x7F9]  }
0x232: {  	[tilespmem:s1], [sflag:$0x2] =	stream.linear.gather [hbm4b:s21+s4], $0x80, $0x38;
	[tilespmem:$0x1E980] =	vst v63  }
0x233: {  	s23 =	sld [smem:$0x7FA]  }
0x234: {  	[tilespmem:s8], [sflag:$0x2] =	stream.linear.gather [hbm4b:s22+s4], $0x80, $0x38;
	[tilespmem:$0x1E980] =	vst v63  }
0x235: {  	s24 =	sld [smem:$0x7FB]  }
0x236: {  	[tilespmem:s9], [sflag:$0x2] =	stream.linear.gather [hbm4b:s23+s4], $0x80, $0x38;
	[tilespmem:$0x1E980] =	vst v63  }
0x237: {  	s25 =	sld [smem:$0x7FC]  }
0x238: {  	[tilespmem:s5], [sflag:$0x2] =	stream.linear.gather [hbm4b:s24+s4], $0x80, $0x38;
	[tilespmem:$0x1E980] =	vst v63  }
0x239: {  	s26 =	sld [smem:$0x7FD]  }
0x23a: {  	[tilespmem:s6], [sflag:$0x2] =	stream.linear.gather [hbm4b:s25+s4], $0x80, $0x38;
	[tilespmem:$0x1E980] =	vst v63  }
0x23b: {  	s20 =	simm.s32 $0x13920  }
0x23c: {  	[tilespmem:s7], [sflag:$0x2] =	stream.linear.gather [hbm4b:s26+s4], $0x80, $0x38;
	[tilespmem:$0x1E980] =	vst v63  }
0x23d: {  	s21 =	simm.s32 $0x9CA0;
	v6 =	vld [tilespmem:s20+$0x10]  }
0x23e: {  	v7 =	vld [tilespmem:s21+$0x10]  }
0x23f: {  	v3 =	vld [tilespmem:s21+$0xFFFFFFE0]  }
0x240: {  	v1 =	vld [tilespmem:s20+$0xFFFFFFF0]  }
0x241: {  	v5 =	vld [tilespmem:s21+$0xFFFFFFF0]  }
0x242: {  	v2 =	vld [tilespmem:s20+$0x0]  }
0x243: {  	v4 =	vld [tilespmem:s21+$0x0];
	v7 =	vadd.f32 v7, v6  }
0x244: {  	s22 =	simm.s32 $0x0;
	s23 =	simm.s32 $0x13960;
	v6 =	vld [tilespmem:s20+$0xFFFFFFE0]  }
.LBB2_11:
0x245: {  	v8 =	vld [tilespmem:s23+$0x10];
	[tilespmem:s20+$0x10] =	vst v7;
	s21 =	sadd.s32 $0x40, s21;
	s19 =	simm.s32 $0x20  }
0x246: {  	s22 =	sadd.s32 $0x4, s22;
	v7 =	vld [tilespmem:s21+$0x10];
	v5 =	vadd.f32 v5, v1  }
0x247: {  	p0 =	slt.u32 s22, $0x9C0;
	v9 =	vld [tilespmem:s21+$0xFFFFFFE0]  }
.Ltmp5:
0x248: {  	v1 =	vld [tilespmem:s23+$0xFFFFFFF0];
	[tilespmem:s20+$0xFFFFFFF0] =	vst v5;
	v4 =	vadd.f32 v4, v2;
	(pc) =	sbr.rel @p0 .LBB2_11-.Ltmp5, $4  }
0x249: {  	v5 =	vld [tilespmem:s21+$0xFFFFFFF0];
	v10 =	vadd.f32 v3, v6  }
0x24a: {  	v2 =	vld [tilespmem:s23+$0x0];
	[tilespmem:s20+$0x0] =	vst v4  }
0x24b: {  	v4 =	vld [tilespmem:s21+$0x0];
	v7 =	vadd.f32 v7, v8;
	[tilespmem:s20+$0xFFFFFFE0] =	vst v10;
	s20 =	smov.u32 s23  }
0x24c: {  	s23 =	sadd.s32 $0x40, s23;
	v6 =	vld [tilespmem:s20+$0xFFFFFFE0];
	v3 =	vmov v9  }
0x24d: {  	_ =	sdelay $0x1  }
0x24e: {  	v1 =	vadd.f32 v5, v1  }
0x24f: {  	[tilespmem:s20+$0x10] =	vst v7;
	v2 =	vadd.f32 v4, v2  }
0x250: {  	[tilespmem:s20+$0xFFFFFFF0] =	vst v1;
	v1 =	vadd.f32 v3, v6  }
0x251: {  	[tilespmem:s20+$0x0] =	vst v2  }
0x252: {  	[tilespmem:s20+$0xFFFFFFE0] =	vst v1  }
0x253: {  	[tilespmem:s19+$0xFFFFFFE0] =	vst v0  }
0x254: {  	[tilespmem:s19+$0x10] =	vst v0  }
0x255: {  	s20 =	simm.s32 $0x0;
	[tilespmem:s19+$0x0] =	vst v0  }
.LBB2_13:
0x256: {  	s20 =	sadd.s32 $0x4, s20  }
0x257: {  	[tilespmem:s19+$0xFFFFFFF0] =	vst v0;
	s19 =	sadd.s32 $0x40, s19;
	p0 =	slt.u32 s20, $0x9C0  }
.Ltmp6:
0x258: {  	[tilespmem:s19+$0xFFFFFFE0] =	vst v0;
	(pc) =	sbr.rel @p0 .LBB2_13-.Ltmp6, $3  }
0x259: {  	_ =	sdelay $0x1  }
0x25a: {  	[tilespmem:s19+$0x10] =	vst v0  }
0x25b: {  	[tilespmem:s19+$0x0] =	vst v0  }
0x25c: {  	[tilespmem:s19+$0xFFFFFFF0] =	vst v0;
	s19 =	simm.s32 $0x0;
	s20 =	simm.s32 $0x0  }
.LBB2_15:
0x25d: {  	_ =	swait.ge [sflag:s11], $0x500  }
0x25e: {  	[sflag:s11] =	ssyncset.done $0x0  }
0x25f: {  	[sflag:s11] =	ssyncadd.s32 $0xFFFFFB00  }
0x260: {  	_ =	swait.ge [sflag:s11], $0x500  }
0x261: {  	s21 =	sand.u32 $0x40, s19;
	s22 =	sand.u32 $0xF00, s19;
	[sflag:s11] =	ssyncset.done $0x0  }
0x262: {  	s21 =	sor.u32 s21, s22;
	[sflag:s11] =	ssyncadd.s32 $0xFFFFFB00  }
0x263: {  	v1 =	vld [tilespmem:s21+$0x1D5B0]  }
0x264: {  	v2 =	vld [tilespmem:s21+$0x1D580]  }
0x265: {  	v4 =	vld [tilespmem:s21+$0x1D5A0];
	_ =	sdelay $0x2  }
0x266: {  	v3 =	vld [tilespmem:s21+$0x1D590];
	v5 =	vshrl.u32 v1, $0xE  }
0x267: {  	v13 =	vld [tilespmem:s21+$0x1DF80];
	v12 =	vshrl.u32 v2, $0xE  }
0x268: {  	v14 =	vld [tilespmem:s21+$0x1DF90];
	v16 =	vshrl.u32 v4, $0xE  }
0x269: {  	v7 =	vld [tilespmem:s21+$0x1DFB0]  }
0x26a: {  	v17 =	vld [tilespmem:s21+$0x1DFA0]  }
0x26b: {  	v15 =	vshrl.u32 v3, $0xE;
	v6 =	vld.idx.msk [tilespmem:v5+s12+$0x0], $0xffff  }
0x26c: {  	s25 =	simm.s32 $0x80;
	s26 =	simm.s32 $0x40;
	v8 =	vld.idx.msk [tilespmem:v12+s12+$0x0], $0xffff  }
0x26d: {  	s22 =	sand.u32 $0x40, s26;
	s21 =	sand.u32 $0xF00, s25;
	v9 =	vand.u32 $0x3FFF, v1;
	v18 =	vand.u32 $0x3FFF, v2;
	v2 =	vld.idx.msk [tilespmem:v16+s12+$0x0], $0xffff  }
0x26e: {  	s21 =	sor.u32 s22, s21  }
0x26f: {  	v20 =	vld [tilespmem:s21+$0x1D580];
	v1 =	vand.u32 $0x3FFF, v4  }
0x270: {  	v19 =	vand.u32 $0x3FFF, v3;
	v10 =	vld.idx.msk [tilespmem:v15+s12+$0x0], $0xffff;
	v3 =	vmul.f32 v6, v7  }
0x271: {  	v21 =	vld [tilespmem:s21+$0x1D590];
	v4 =	vmul.f32 v8, v13  }
0x272: {  	v2 =	vmul.f32 v2, v17;
	[tilespmem:v9+s4+$0x0] =	vst.idx.add.f32.msk $0xffff, v3  }
0x273: {  	[tilespmem:v18+s4+$0x0] =	vst.idx.add.f32.msk $0xffff, v4  }
0x274: {  	[tilespmem:v1+s4+$0x0] =	vst.idx.add.f32.msk $0xffff, v2  }
0x275: {  	v3 =	vmul.f32 v10, v14;
	v10 =	vld [tilespmem:s21+$0x1D5B0]  }
0x276: {  	v6 =	vld.idx.msk [tilespmem:v5+s14+$0x0], $0xffff  }
0x277: {  	v2 =	vld.idx.msk [tilespmem:v12+s14+$0x0], $0xffff  }
0x278: {  	v22 =	vld [tilespmem:s21+$0x1D5A0]  }
0x279: {  	v4 =	vld.idx.msk [tilespmem:v16+s14+$0x0], $0xffff  }
0x27a: {  	v11 =	vld [tilespmem:s21+$0x1DFB0]  }
0x27b: {  	[tilespmem:v19+s4+$0x0] =	vst.idx.add.f32.msk $0xffff, v3;
	v6 =	vmul.f32 v6, v7  }
0x27c: {  	v3 =	vld.idx.msk [tilespmem:v15+s14+$0x0], $0xffff;
	v23 =	vshrl.u32 v10, $0xE;
	v2 =	vmul.f32 v2, v13  }
0x27d: {  	[tilespmem:v9+s13+$0x0] =	vst.idx.add.f32.msk $0xffff, v6  }
0x27e: {  	[tilespmem:v18+s13+$0x0] =	vst.idx.add.f32.msk $0xffff, v2;
	v2 =	vmul.f32 v4, v17  }
0x27f: {  	v6 =	vld.idx.msk [tilespmem:v5+s16+$0x0], $0xffff  }
0x280: {  	[tilespmem:v1+s13+$0x0] =	vst.idx.add.f32.msk $0xffff, v2  }
0x281: {  	v3 =	vmul.f32 v3, v14;
	v24 =	vld.idx.msk [tilespmem:v23+s12+$0x0], $0xffff  }
0x282: {  	v8 =	vld.idx.msk [tilespmem:v16+s16+$0x0], $0xffff  }
0x283: {  	v10 =	vand.u32 $0x3FFF, v10;
	[tilespmem:v19+s13+$0x0] =	vst.idx.add.f32.msk $0xffff, v3  }
0x284: {  	v3 =	vld.idx.msk [tilespmem:v12+s16+$0x0], $0xffff;
	v2 =	vmul.f32 v6, v7  }
0x285: {  	v4 =	vld.idx.msk [tilespmem:v15+s16+$0x0], $0xffff  }
0x286: {  	v6 =	vshrl.u32 v21, $0xE;
	v54 =	vmul.f32 v24, v11;
	[tilespmem:v9+s15+$0x0] =	vst.idx.add.f32.msk $0xffff, v2  }
0x287: {  	v8 =	vmul.f32 v8, v17;
	v2 =	vld.idx.msk [tilespmem:v5+s10+$0x0], $0xffff  }
0x288: {  	[tilespmem:v10+s4+$0x0] =	vst.idx.add.f32.msk $0xffff, v54  }
0x289: {  	[tilespmem:v1+s15+$0x0] =	vst.idx.add.f32.msk $0xffff, v8  }
0x28a: {  	v58 =	vld.idx.msk [tilespmem:v23+s14+$0x0], $0xffff  }
0x28b: {  	v26 =	vld.idx.msk [tilespmem:v6+s12+$0x0], $0xffff  }
0x28c: {  	v63 =	vld.idx.msk [tilespmem:v16+s10+$0x0], $0xffff  }
0x28d: {  	v5 =	vmul.f32 v2, v7;
	v2 =	vld [tilespmem:s21+$0x1DF80]  }
0x28e: {  	v7 =	vmul.f32 v3, v13;
	v3 =	vld [tilespmem:s21+$0x1DF90]  }
0x28f: {  	[tilespmem:v9+s17+$0x0] =	vst.idx.add.f32.msk $0xffff, v5  }
0x290: {  	v9 =	vmul.f32 v4, v14;
	v5 =	vshrl.u32 v20, $0xE;
	v4 =	vld [tilespmem:s21+$0x1DFA0]  }
0x291: {  	v24 =	vmul.f32 v58, v11;
	[tilespmem:v18+s15+$0x0] =	vst.idx.add.f32.msk $0xffff, v7  }
0x292: {  	v7 =	vshrl.u32 v22, $0xE;
	v55 =	vld.idx.msk [tilespmem:v12+s10+$0x0], $0xffff  }
0x293: {  	[tilespmem:v10+s13+$0x0] =	vst.idx.add.f32.msk $0xffff, v24  }
0x294: {  	v8 =	vand.u32 $0x3FFF, v21;
	[tilespmem:v19+s15+$0x0] =	vst.idx.add.f32.msk $0xffff, v9  }
0x295: {  	v25 =	vld.idx.msk [tilespmem:v5+s12+$0x0], $0xffff  }
0x296: {  	v16 =	vld.idx.msk [tilespmem:v23+s16+$0x0], $0xffff  }
0x297: {  	v9 =	vand.u32 $0x3FFF, v20;
	v57 =	vmul.f32 v26, v3;
	v27 =	vld.idx.msk [tilespmem:v7+s12+$0x0], $0xffff  }
0x298: {  	v15 =	vld.idx.msk [tilespmem:v15+s10+$0x0], $0xffff  }
0x299: {  	v12 =	vand.u32 $0x3FFF, v22;
	[tilespmem:v8+s4+$0x0] =	vst.idx.add.f32.msk $0xffff, v57;
	v13 =	vmul.f32 v55, v13  }
0x29a: {  	v61 =	vld.idx.msk [tilespmem:v6+s14+$0x0], $0xffff;
	v56 =	vmul.f32 v25, v2  }
0x29b: {  	[tilespmem:v18+s17+$0x0] =	vst.idx.add.f32.msk $0xffff, v13  }
0x29c: {  	v59 =	vmul.f32 v27, v4;
	[tilespmem:v9+s4+$0x0] =	vst.idx.add.f32.msk $0xffff, v56  }
0x29d: {  	v60 =	vld.idx.msk [tilespmem:v5+s14+$0x0], $0xffff  }
0x29e: {  	v14 =	vmul.f32 v15, v14;
	[tilespmem:v12+s4+$0x0] =	vst.idx.add.f32.msk $0xffff, v59  }
0x29f: {  	v13 =	vmul.f32 v61, v3;
	v62 =	vld.idx.msk [tilespmem:v7+s14+$0x0], $0xffff  }
0x2a0: {  	[tilespmem:v19+s17+$0x0] =	vst.idx.add.f32.msk $0xffff, v14  }
0x2a1: {  	[tilespmem:v8+s13+$0x0] =	vst.idx.add.f32.msk $0xffff, v13;
	v13 =	vmul.f32 v16, v11  }
0x2a2: {  	v16 =	vld.idx.msk [tilespmem:v6+s16+$0x0], $0xffff;
	v15 =	vmul.f32 v60, v2  }
0x2a3: {  	[tilespmem:v10+s15+$0x0] =	vst.idx.add.f32.msk $0xffff, v13  }
0x2a4: {  	v14 =	vmul.f32 v62, v4;
	[tilespmem:v9+s13+$0x0] =	vst.idx.add.f32.msk $0xffff, v15  }
0x2a5: {  	v15 =	vld.idx.msk [tilespmem:v5+s16+$0x0], $0xffff  }
0x2a6: {  	[tilespmem:v12+s13+$0x0] =	vst.idx.add.f32.msk $0xffff, v14  }
0x2a7: {  	s23 =	simm.s32 $0x80;
	s22 =	simm.s32 $0x100;
	s21 =	simm.s32 $0x4;
	v13 =	vmul.f32 v63, v17;
	v14 =	vld.idx.msk [tilespmem:v23+s10+$0x0], $0xffff  }
.LBB2_16:
0x2a8: {  	s24 =	sand.u32 $0x40, s23;
	s25 =	sand.u32 $0xF00, s22;
	s21 =	sadd.s32 $0x4, s21;
	v17 =	vld.idx.msk [tilespmem:v7+s16+$0x0], $0xffff  }
0x2a9: {  	s24 =	sor.u32 s24, s25;
	p0 =	slt.u32 s21, $0x4C;
	[tilespmem:v1+s17+$0x0] =	vst.idx.add.f32.msk $0xffff, v13;
	v1 =	vmov v12  }
0x2aa: {  	v15 =	vmul.f32 v15, v2;
	v13 =	vld [tilespmem:s24+$0x1D5B0]  }
0x2ab: {  	v16 =	vmul.f32 v16, v3;
	v12 =	vld [tilespmem:s24+$0x1D580]  }
0x2ac: {  	v18 =	vld [tilespmem:s24+$0x1D590]  }
0x2ad: {  	v11 =	vmul.f32 v14, v11;
	v19 =	vld [tilespmem:s24+$0x1D5A0]  }
0x2ae: {  	v17 =	vmul.f32 v17, v4;
	v14 =	vld [tilespmem:s24+$0x1DF80]  }
0x2af: {  	v20 =	vshrl.u32 v13, $0xE;
	[tilespmem:v10+s17+$0x0] =	vst.idx.add.f32.msk $0xffff, v11  }
0x2b0: {  	v21 =	vshrl.u32 v12, $0xE;
	v22 =	vand.u32 $0x3FFF, v12;
	v23 =	vld [tilespmem:s24+$0x1DF90]  }
0x2b1: {  	v24 =	vshrl.u32 v18, $0xE;
	v18 =	vand.u32 $0x3FFF, v18;
	v25 =	vld [tilespmem:s24+$0x1DFA0]  }
0x2b2: {  	v26 =	vshrl.u32 v19, $0xE;
	v12 =	vand.u32 $0x3FFF, v19;
	[tilespmem:v9+s15+$0x0] =	vst.idx.add.f32.msk $0xffff, v15  }
0x2b3: {  	[tilespmem:v8+s15+$0x0] =	vst.idx.add.f32.msk $0xffff, v16  }
0x2b4: {  	v15 =	vld.idx.msk [tilespmem:v20+s12+$0x0], $0xffff  }
0x2b5: {  	v11 =	vld [tilespmem:s24+$0x1DFB0]  }
0x2b6: {  	v16 =	vld.idx.msk [tilespmem:v21+s12+$0x0], $0xffff  }
0x2b7: {  	v10 =	vand.u32 $0x3FFF, v13;
	v19 =	vld.idx.msk [tilespmem:v24+s12+$0x0], $0xffff  }
0x2b8: {  	v13 =	vld.idx.msk [tilespmem:v26+s12+$0x0], $0xffff  }
0x2b9: {  	[tilespmem:v1+s15+$0x0] =	vst.idx.add.f32.msk $0xffff, v17  }
0x2ba: {  	v15 =	vmul.f32 v15, v11;
	v17 =	vld.idx.msk [tilespmem:v5+s10+$0x0], $0xffff;
	v5 =	vmov v21  }
0x2bb: {  	v21 =	vld.idx.msk [tilespmem:v6+s10+$0x0], $0xffff;
	v6 =	vmov v24  }
0x2bc: {  	v16 =	vmul.f32 v16, v14;
	[tilespmem:v10+s4+$0x0] =	vst.idx.add.f32.msk $0xffff, v15  }
0x2bd: {  	v15 =	vmul.f32 v19, v23;
	v19 =	vld.idx.msk [tilespmem:v20+s14+$0x0], $0xffff  }
0x2be: {  	v13 =	vmul.f32 v13, v25;
	[tilespmem:v22+s4+$0x0] =	vst.idx.add.f32.msk $0xffff, v16  }
0x2bf: {  	[tilespmem:v18+s4+$0x0] =	vst.idx.add.f32.msk $0xffff, v15  }
0x2c0: {  	[tilespmem:v12+s4+$0x0] =	vst.idx.add.f32.msk $0xffff, v13;
	v13 =	vmul.f32 v17, v2;
	v2 =	vmov v14  }
0x2c1: {  	v15 =	vmul.f32 v21, v3;
	v3 =	vmov v23;
	v14 =	vld.idx.msk [tilespmem:v5+s14+$0x0], $0xffff  }
0x2c2: {  	v16 =	vld.idx.msk [tilespmem:v24+s14+$0x0], $0xffff  }
0x2c3: {  	v19 =	vmul.f32 v19, v11;
	v17 =	vld.idx.msk [tilespmem:v26+s14+$0x0], $0xffff  }
0x2c4: {  	v21 =	vld.idx.msk [tilespmem:v7+s10+$0x0], $0xffff;
	v7 =	vmov v26  }
0x2c5: {  	[tilespmem:v10+s13+$0x0] =	vst.idx.add.f32.msk $0xffff, v19  }
0x2c6: {  	v19 =	vld.idx.msk [tilespmem:v20+s16+$0x0], $0xffff  }
0x2c7: {  	v14 =	vmul.f32 v14, v2;
	[tilespmem:v9+s17+$0x0] =	vst.idx.add.f32.msk $0xffff, v13;
	v9 =	vmov v22  }
0x2c8: {  	v13 =	vmul.f32 v16, v3;
	[tilespmem:v8+s17+$0x0] =	vst.idx.add.f32.msk $0xffff, v15;
	v8 =	vmov v18  }
0x2c9: {  	[tilespmem:v22+s13+$0x0] =	vst.idx.add.f32.msk $0xffff, v14;
	v14 =	vmul.f32 v17, v25  }
0x2ca: {  	[tilespmem:v18+s13+$0x0] =	vst.idx.add.f32.msk $0xffff, v13;
	v13 =	vmul.f32 v21, v4;
	v4 =	vmov v25  }
.Ltmp7:
0x2cb: {  	[tilespmem:v12+s13+$0x0] =	vst.idx.add.f32.msk $0xffff, v14;
	(pc) =	sbr.rel @p0 .LBB2_16-.Ltmp7, $4  }
0x2cc: {  	v14 =	vmul.f32 v19, v11;
	v15 =	vld.idx.msk [tilespmem:v5+s16+$0x0], $0xffff  }
0x2cd: {  	v16 =	vld.idx.msk [tilespmem:v6+s16+$0x0], $0xffff  }
0x2ce: {  	[tilespmem:v10+s15+$0x0] =	vst.idx.add.f32.msk $0xffff, v14  }
0x2cf: {  	s22 =	sadd.s32 $0x80, s22;
	s23 =	sadd.s32 $0x40, s23;
	v14 =	vld.idx.msk [tilespmem:v20+s10+$0x0], $0xffff  }
0x2d0: {  	_ =	sdelay $0x3  }
0x2d1: {  	v17 =	vld.idx.msk [tilespmem:v7+s16+$0x0], $0xffff  }
0x2d2: {  	v15 =	vmul.f32 v15, v2  }
0x2d3: {  	v16 =	vmul.f32 v16, v3  }
0x2d4: {  	[tilespmem:v9+s15+$0x0] =	vst.idx.add.f32.msk $0xffff, v15  }
0x2d5: {  	[tilespmem:v8+s15+$0x0] =	vst.idx.add.f32.msk $0xffff, v16  }
0x2d6: {  	v5 =	vld.idx.msk [tilespmem:v5+s10+$0x0], $0xffff;
	v17 =	vmul.f32 v17, v4  }
0x2d7: {  	v6 =	vld.idx.msk [tilespmem:v6+s10+$0x0], $0xffff  }
0x2d8: {  	[tilespmem:v12+s15+$0x0] =	vst.idx.add.f32.msk $0xffff, v17  }
0x2d9: {  	v7 =	vld.idx.msk [tilespmem:v7+s10+$0x0], $0xffff;
	_ =	sdelay $0x1  }
0x2da: {  	p0 =	seq.s32 s20, $0x7C;
	v11 =	vmul.f32 v14, v11  }
0x2db: {  	[tilespmem:v1+s17+$0x0] =	vst.idx.add.f32.msk $0xffff, v13;
	s21 =	smul.u32 @!p0 $0xA00, s20;
	v1 =	vmul.f32 v5, v2  }
0x2dc: {  	[tilespmem:v10+s17+$0x0] =	vst.idx.add.f32.msk $0xffff, v11;
	v2 =	vmul.f32 v6, v3  }
0x2dd: {  	s21 =	sshrl.u32 @!p0 s21, $0x3;
	[tilespmem:v9+s17+$0x0] =	vst.idx.add.f32.msk $0xffff, v1;
	v1 =	vmul.f32 v7, v4  }
0x2de: {  	s21 =	sadd.s32 @!p0 $0x140, s21;
	[tilespmem:v8+s17+$0x0] =	vst.idx.add.f32.msk $0xffff, v2  }
0x2df: {  	s23 =	simm.s32 @!p0 $0x0;
	s24 =	simm.s32 @!p0 $0x1D580;
	s22 =	sadd.s32 @!p0 s2, s21;
	[tilespmem:v12+s17+$0x0] =	vst.idx.add.f32.msk $0xffff, v1  }
0x2e0: {  	[tilespmem:s24], [sflag:$0x1] =	stream.linear.gather @!p0 [hbm4b:s22+s23], $0x80, $0x38;
	[tilespmem:$0x1E980] =	vst v63  }
0x2e1: {  	s25 =	simm.s32 @!p0 $0x1D680;
	s24 =	sadd.s32 @!p0 $0x10, s22  }
0x2e2: {  	[tilespmem:s25], [sflag:$0x1] =	stream.linear.gather @!p0 [hbm4b:s24+s23], $0x80, $0x38;
	[tilespmem:$0x1E980] =	vst v63  }
0x2e3: {  	s24 =	sadd.s32 @!p0 $0x20, s22;
	s25 =	simm.s32 @!p0 $0x1D780  }
0x2e4: {  	[tilespmem:s25], [sflag:$0x1] =	stream.linear.gather @!p0 [hbm4b:s24+s23], $0x80, $0x38;
	[tilespmem:$0x1E980] =	vst v63  }
0x2e5: {  	s24 =	sadd.s32 @!p0 $0x30, s22;
	s25 =	simm.s32 @!p0 $0x1D880  }
0x2e6: {  	[tilespmem:s25], [sflag:$0x1] =	stream.linear.gather @!p0 [hbm4b:s24+s23], $0x80, $0x38;
	[tilespmem:$0x1E980] =	vst v63  }
0x2e7: {  	s24 =	sadd.s32 @!p0 $0x40, s22;
	s25 =	simm.s32 @!p0 $0x1D980  }
0x2e8: {  	[tilespmem:s25], [sflag:$0x1] =	stream.linear.gather @!p0 [hbm4b:s24+s23], $0x80, $0x38;
	[tilespmem:$0x1E980] =	vst v63  }
0x2e9: {  	s24 =	sadd.s32 @!p0 $0x50, s22;
	s25 =	simm.s32 @!p0 $0x1DA80  }
0x2ea: {  	[tilespmem:s25], [sflag:$0x1] =	stream.linear.gather @!p0 [hbm4b:s24+s23], $0x80, $0x38;
	[tilespmem:$0x1E980] =	vst v63  }
0x2eb: {  	s24 =	sadd.s32 @!p0 $0x60, s22;
	s25 =	simm.s32 @!p0 $0x1DB80  }
0x2ec: {  	[tilespmem:s25], [sflag:$0x1] =	stream.linear.gather @!p0 [hbm4b:s24+s23], $0x80, $0x38;
	[tilespmem:$0x1E980] =	vst v63  }
0x2ed: {  	s24 =	sadd.s32 @!p0 $0x70, s22;
	s25 =	simm.s32 @!p0 $0x1DC80  }
0x2ee: {  	[tilespmem:s25], [sflag:$0x1] =	stream.linear.gather @!p0 [hbm4b:s24+s23], $0x80, $0x38;
	[tilespmem:$0x1E980] =	vst v63  }
0x2ef: {  	s24 =	sadd.s32 @!p0 $0x80, s22;
	s25 =	simm.s32 @!p0 $0x1DD80  }
0x2f0: {  	[tilespmem:s25], [sflag:$0x1] =	stream.linear.gather @!p0 [hbm4b:s24+s23], $0x80, $0x38;
	[tilespmem:$0x1E980] =	vst v63  }
0x2f1: {  	s22 =	sadd.s32 @!p0 $0x90, s22;
	s24 =	simm.s32 @!p0 $0x1DE80  }
0x2f2: {  	[tilespmem:s24], [sflag:$0x1] =	stream.linear.gather @!p0 [hbm4b:s22+s23], $0x80, $0x38;
	[tilespmem:$0x1E980] =	vst v63  }
0x2f3: {  	s21 =	sadd.s32 @!p0 s3, s21;
	s22 =	simm.s32 @!p0 $0x1DF80  }
0x2f4: {  	[tilespmem:s22], [sflag:$0x1] =	stream.linear.gather @!p0 [hbm4b:s21+s23], $0x80, $0x38;
	[tilespmem:$0x1E980] =	vst v63  }
0x2f5: {  	s24 =	simm.s32 @!p0 $0x1E080;
	s22 =	sadd.s32 @!p0 $0x10, s21  }
0x2f6: {  	[tilespmem:s24], [sflag:$0x1] =	stream.linear.gather @!p0 [hbm4b:s22+s23], $0x80, $0x38;
	[tilespmem:$0x1E980] =	vst v63  }
0x2f7: {  	s22 =	sadd.s32 @!p0 $0x20, s21;
	s24 =	simm.s32 @!p0 $0x1E180  }
0x2f8: {  	[tilespmem:s24], [sflag:$0x1] =	stream.linear.gather @!p0 [hbm4b:s22+s23], $0x80, $0x38;
	[tilespmem:$0x1E980] =	vst v63  }
0x2f9: {  	s22 =	sadd.s32 @!p0 $0x30, s21;
	s24 =	simm.s32 @!p0 $0x1E280  }
0x2fa: {  	[tilespmem:s24], [sflag:$0x1] =	stream.linear.gather @!p0 [hbm4b:s22+s23], $0x80, $0x38;
	[tilespmem:$0x1E980] =	vst v63  }
0x2fb: {  	s22 =	sadd.s32 @!p0 $0x40, s21;
	s24 =	simm.s32 @!p0 $0x1E380  }
0x2fc: {  	[tilespmem:s24], [sflag:$0x1] =	stream.linear.gather @!p0 [hbm4b:s22+s23], $0x80, $0x38;
	[tilespmem:$0x1E980] =	vst v63  }
0x2fd: {  	s22 =	sadd.s32 @!p0 $0x50, s21;
	s24 =	simm.s32 @!p0 $0x1E480  }
0x2fe: {  	[tilespmem:s24], [sflag:$0x1] =	stream.linear.gather @!p0 [hbm4b:s22+s23], $0x80, $0x38;
	[tilespmem:$0x1E980] =	vst v63  }
0x2ff: {  	s22 =	sadd.s32 @!p0 $0x60, s21;
	s24 =	simm.s32 @!p0 $0x1E580  }
0x300: {  	[tilespmem:s24], [sflag:$0x1] =	stream.linear.gather @!p0 [hbm4b:s22+s23], $0x80, $0x38;
	[tilespmem:$0x1E980] =	vst v63  }
0x301: {  	s22 =	sadd.s32 @!p0 $0x70, s21;
	s24 =	simm.s32 @!p0 $0x1E680  }
0x302: {  	[tilespmem:s24], [sflag:$0x1] =	stream.linear.gather @!p0 [hbm4b:s22+s23], $0x80, $0x38;
	[tilespmem:$0x1E980] =	vst v63  }
0x303: {  	s22 =	sadd.s32 @!p0 $0x80, s21;
	s24 =	simm.s32 @!p0 $0x1E780  }
0x304: {  	[tilespmem:s24], [sflag:$0x1] =	stream.linear.gather @!p0 [hbm4b:s22+s23], $0x80, $0x38;
	[tilespmem:$0x1E980] =	vst v63  }
0x305: {  	s21 =	sadd.s32 @!p0 $0x90, s21;
	s22 =	simm.s32 @!p0 $0x1E880  }
0x306: {  	[tilespmem:s22], [sflag:$0x1] =	stream.linear.gather @!p0 [hbm4b:s21+s23], $0x80, $0x38;
	[tilespmem:$0x1E980] =	vst v63  }
0x307: {  	_ =	swait.ge [sflag:s18], $0x500  }
0x308: {  	p1 =	por $0x0, $0x0;
	s21 =	simm.s32 $0x1;
	[sflag:s18] =	ssyncset.done $0x0  }
0x309: {  	s21 =	simm.s32 @!p1 $0x0;
	[sflag:s18] =	ssyncadd.s32 $0xFFFFFB00  }
0x30a: {  	s21 =	sshll.u32 s21, $0x6;
	_ =	swait.ge [sflag:s18], $0x500  }
0x30b: {  	s21 =	sadd.s32 $0x0, s21;
	[sflag:s18] =	ssyncset.done $0x0  }
0x30c: {  	s22 =	sor.u32 $0xB0, s21;
	[sflag:s18] =	ssyncadd.s32 $0xFFFFFB00  }
0x30d: {  	s25 =	sor.u32 $0x80, s21;
	v1 =	vld [tilespmem:s22+$0x1D580]  }
0x30e: {  	s26 =	sor.u32 $0x90, s21;
	s21 =	sor.u32 $0xA0, s21;
	v2 =	vld [tilespmem:s25+$0x1D580]  }
0x30f: {  	v4 =	vld [tilespmem:s21+$0x1D580];
	_ =	sdelay $0x2  }
0x310: {  	v3 =	vld [tilespmem:s26+$0x1D580];
	v5 =	vshrl.u32 v1, $0xE  }
0x311: {  	v13 =	vshrl.u32 v2, $0xE  }
0x312: {  	v14 =	vld [tilespmem:s25+$0x1DF80];
	v17 =	vshrl.u32 v4, $0xE  }
0x313: {  	v7 =	vld [tilespmem:s22+$0x1DF80]  }
0x314: {  	p1 =	por !p1, !p1;
	v18 =	vld [tilespmem:s21+$0x1DF80];
	s21 =	simm.s32 $0x1  }
0x315: {  	s21 =	simm.s32 @!p1 $0x0;
	v16 =	vshrl.u32 v3, $0xE;
	v6 =	vld.idx.msk [tilespmem:v5+s12+$0x0], $0xffff  }
0x316: {  	s21 =	sshll.u32 s21, $0x6;
	v8 =	vld.idx.msk [tilespmem:v13+s12+$0x0], $0xffff  }
0x317: {  	s21 =	sadd.s32 $0x80, s21;
	v9 =	vand.u32 $0x3FFF, v1;
	v19 =	vand.u32 $0x3FFF, v2;
	v2 =	vld.idx.msk [tilespmem:v17+s12+$0x0], $0xffff  }
0x318: {  	v15 =	vld [tilespmem:s26+$0x1DF80];
	s25 =	sor.u32 $0x80, s21  }
0x319: {  	v1 =	vand.u32 $0x3FFF, v4;
	v21 =	vld [tilespmem:s25+$0x1D580]  }
0x31a: {  	s26 =	sor.u32 $0x90, s21;
	v20 =	vand.u32 $0x3FFF, v3;
	v10 =	vld.idx.msk [tilespmem:v16+s12+$0x0], $0xffff;
	v3 =	vmul.f32 v6, v7  }
0x31b: {  	v22 =	vld [tilespmem:s26+$0x1D580];
	v4 =	vmul.f32 v8, v14  }
0x31c: {  	v2 =	vmul.f32 v2, v18;
	[tilespmem:v9+s4+$0x0] =	vst.idx.add.f32.msk $0xffff, v3  }
0x31d: {  	[tilespmem:v19+s4+$0x0] =	vst.idx.add.f32.msk $0xffff, v4  }
0x31e: {  	s22 =	sor.u32 $0xB0, s21;
	[tilespmem:v1+s4+$0x0] =	vst.idx.add.f32.msk $0xffff, v2  }
0x31f: {  	v3 =	vmul.f32 v10, v15;
	v10 =	vld [tilespmem:s22+$0x1D580]  }
0x320: {  	v6 =	vld.idx.msk [tilespmem:v5+s14+$0x0], $0xffff  }
0x321: {  	v2 =	vld.idx.msk [tilespmem:v13+s14+$0x0], $0xffff  }
0x322: {  	[tilespmem:v20+s4+$0x0] =	vst.idx.add.f32.msk $0xffff, v3  }
0x323: {  	s21 =	sor.u32 $0xA0, s21;
	v3 =	vld.idx.msk [tilespmem:v16+s14+$0x0], $0xffff  }
0x324: {  	v23 =	vld [tilespmem:s21+$0x1D580]  }
0x325: {  	v4 =	vld.idx.msk [tilespmem:v17+s14+$0x0], $0xffff;
	v6 =	vmul.f32 v6, v7  }
0x326: {  	v12 =	vld [tilespmem:s22+$0x1DF80];
	v11 =	vshrl.u32 v10, $0xE  }
0x327: {  	v2 =	vmul.f32 v2, v14;
	[tilespmem:v9+s13+$0x0] =	vst.idx.add.f32.msk $0xffff, v6  }
0x328: {  	v3 =	vmul.f32 v3, v15;
	v6 =	vld.idx.msk [tilespmem:v5+s16+$0x0], $0xffff  }
0x329: {  	[tilespmem:v19+s13+$0x0] =	vst.idx.add.f32.msk $0xffff, v2  }
0x32a: {  	v2 =	vmul.f32 v4, v18;
	[tilespmem:v20+s13+$0x0] =	vst.idx.add.f32.msk $0xffff, v3  }
0x32b: {  	v24 =	vld.idx.msk [tilespmem:v11+s12+$0x0], $0xffff  }
0x32c: {  	[tilespmem:v1+s13+$0x0] =	vst.idx.add.f32.msk $0xffff, v2  }
0x32d: {  	v10 =	vand.u32 $0x3FFF, v10;
	v3 =	vld.idx.msk [tilespmem:v13+s16+$0x0], $0xffff;
	v2 =	vmul.f32 v6, v7  }
0x32e: {  	v4 =	vld.idx.msk [tilespmem:v16+s16+$0x0], $0xffff  }
0x32f: {  	v6 =	vshrl.u32 v22, $0xE;
	[tilespmem:v9+s15+$0x0] =	vst.idx.add.f32.msk $0xffff, v2  }
0x330: {  	v55 =	vmul.f32 v24, v12;
	v2 =	vld.idx.msk [tilespmem:v5+s10+$0x0], $0xffff  }
0x331: {  	v8 =	vld.idx.msk [tilespmem:v17+s16+$0x0], $0xffff  }
0x332: {  	[tilespmem:v10+s4+$0x0] =	vst.idx.add.f32.msk $0xffff, v55  }
0x333: {  	v59 =	vld.idx.msk [tilespmem:v11+s14+$0x0], $0xffff  }
0x334: {  	v26 =	vld.idx.msk [tilespmem:v6+s12+$0x0], $0xffff  }
0x335: {  	v5 =	vmul.f32 v2, v7;
	v2 =	vld [tilespmem:s25+$0x1DF80]  }
0x336: {  	v7 =	vmul.f32 v3, v14;
	v3 =	vld [tilespmem:s26+$0x1DF80]  }
0x337: {  	[tilespmem:v9+s17+$0x0] =	vst.idx.add.f32.msk $0xffff, v5  }
0x338: {  	v9 =	vmul.f32 v4, v15;
	v4 =	vld [tilespmem:s21+$0x1DF80]  }
0x339: {  	v5 =	vshrl.u32 v21, $0xE;
	[tilespmem:v19+s15+$0x0] =	vst.idx.add.f32.msk $0xffff, v7  }
0x33a: {  	v7 =	vshrl.u32 v23, $0xE;
	v56 =	vld.idx.msk [tilespmem:v13+s10+$0x0], $0xffff  }
0x33b: {  	[tilespmem:v20+s15+$0x0] =	vst.idx.add.f32.msk $0xffff, v9;
	v9 =	vmul.f32 v8, v18  }
0x33c: {  	v16 =	vld.idx.msk [tilespmem:v16+s10+$0x0], $0xffff  }
0x33d: {  	[tilespmem:v1+s15+$0x0] =	vst.idx.add.f32.msk $0xffff, v9  }
0x33e: {  	v24 =	vmul.f32 v59, v12;
	v9 =	vand.u32 $0x3FFF, v22;
	v25 =	vld.idx.msk [tilespmem:v5+s12+$0x0], $0xffff  }
0x33f: {  	v27 =	vld.idx.msk [tilespmem:v7+s12+$0x0], $0xffff  }
0x340: {  	[tilespmem:v10+s13+$0x0] =	vst.idx.add.f32.msk $0xffff, v24;
	v8 =	vand.u32 $0x3FFF, v21  }
0x341: {  	v13 =	vand.u32 $0x3FFF, v23;
	v58 =	vmul.f32 v26, v3;
	v17 =	vld.idx.msk [tilespmem:v17+s10+$0x0], $0xffff  }
0x342: {  	v15 =	vmul.f32 v16, v15;
	v16 =	vld.idx.msk [tilespmem:v11+s16+$0x0], $0xffff  }
0x343: {  	[tilespmem:v9+s4+$0x0] =	vst.idx.add.f32.msk $0xffff, v58;
	v57 =	vmul.f32 v25, v2  }
0x344: {  	v60 =	vmul.f32 v27, v4;
	v62 =	vld.idx.msk [tilespmem:v6+s14+$0x0], $0xffff  }
0x345: {  	[tilespmem:v8+s4+$0x0] =	vst.idx.add.f32.msk $0xffff, v57  }
0x346: {  	[tilespmem:v13+s4+$0x0] =	vst.idx.add.f32.msk $0xffff, v60  }
0x347: {  	v61 =	vld.idx.msk [tilespmem:v5+s14+$0x0], $0xffff  }
0x348: {  	v14 =	vmul.f32 v56, v14;
	v63 =	vld.idx.msk [tilespmem:v7+s14+$0x0], $0xffff;
	_ =	sdelay $0x1  }
0x349: {  	[tilespmem:v19+s17+$0x0] =	vst.idx.add.f32.msk $0xffff, v14;
	v14 =	vmul.f32 v62, v3  }
0x34a: {  	[tilespmem:v20+s17+$0x0] =	vst.idx.add.f32.msk $0xffff, v15  }
0x34b: {  	[tilespmem:v9+s13+$0x0] =	vst.idx.add.f32.msk $0xffff, v14;
	v14 =	vmul.f32 v17, v18;
	v21 =	vmul.f32 v61, v2  }
0x34c: {  	v17 =	vmul.f32 v16, v12;
	v15 =	vmul.f32 v63, v4;
	v16 =	vld.idx.msk [tilespmem:v6+s16+$0x0], $0xffff  }
0x34d: {  	[tilespmem:v8+s13+$0x0] =	vst.idx.add.f32.msk $0xffff, v21  }
0x34e: {  	[tilespmem:v13+s13+$0x0] =	vst.idx.add.f32.msk $0xffff, v15  }
0x34f: {  	p1 =	por !p1, !p1;
	s22 =	simm.s32 $0x80;
	s21 =	simm.s32 $0x4;
	v15 =	vld.idx.msk [tilespmem:v5+s16+$0x0], $0xffff  }
.LBB2_18:
0x350: {  	s23 =	simm.s32 $0x1  }
0x351: {  	s21 =	sadd.s32 $0x4, s21;
	[tilespmem:v10+s15+$0x0] =	vst.idx.add.f32.msk $0xffff, v17;
	s23 =	simm.s32 @!p1 $0x0  }
0x352: {  	s22 =	sadd.s32 $0x80, s22;
	p2 =	slt.u32 s21, $0x4C;
	s23 =	sshll.u32 s23, $0x6;
	v11 =	vld.idx.msk [tilespmem:v11+s10+$0x0], $0xffff  }
0x353: {  	s23 =	sadd.s32 s23, s22;
	v17 =	vld.idx.msk [tilespmem:v7+s16+$0x0], $0xffff  }
0x354: {  	s24 =	sor.u32 $0x80, s23;
	s25 =	sor.u32 $0x90, s23;
	s26 =	sor.u32 $0xB0, s23;
	[tilespmem:v1+s17+$0x0] =	vst.idx.add.f32.msk $0xffff, v14;
	v1 =	vmov v13  }
0x355: {  	v15 =	vmul.f32 v15, v2;
	s23 =	sor.u32 $0xA0, s23;
	v14 =	vld [tilespmem:s26+$0x1D580]  }
0x356: {  	v16 =	vmul.f32 v16, v3;
	v13 =	vld [tilespmem:s24+$0x1D580]  }
0x357: {  	v18 =	vld [tilespmem:s25+$0x1D580]  }
0x358: {  	v12 =	vmul.f32 v11, v12;
	v19 =	vld [tilespmem:s23+$0x1D580]  }
0x359: {  	v17 =	vmul.f32 v17, v4;
	v20 =	vld [tilespmem:s24+$0x1DF80]  }
0x35a: {  	v11 =	vshrl.u32 v14, $0xE;
	[tilespmem:v10+s17+$0x0] =	vst.idx.add.f32.msk $0xffff, v12  }
0x35b: {  	v21 =	vshrl.u32 v13, $0xE;
	v22 =	vand.u32 $0x3FFF, v13;
	v23 =	vld [tilespmem:s25+$0x1DF80]  }
0x35c: {  	v24 =	vshrl.u32 v18, $0xE;
	v18 =	vand.u32 $0x3FFF, v18;
	v25 =	vld [tilespmem:s23+$0x1DF80]  }
0x35d: {  	v26 =	vshrl.u32 v19, $0xE;
	v13 =	vand.u32 $0x3FFF, v19;
	[tilespmem:v8+s15+$0x0] =	vst.idx.add.f32.msk $0xffff, v15  }
0x35e: {  	[tilespmem:v9+s15+$0x0] =	vst.idx.add.f32.msk $0xffff, v16  }
0x35f: {  	v15 =	vld.idx.msk [tilespmem:v11+s12+$0x0], $0xffff  }
0x360: {  	v12 =	vld [tilespmem:s26+$0x1DF80]  }
0x361: {  	v16 =	vld.idx.msk [tilespmem:v21+s12+$0x0], $0xffff  }
0x362: {  	v10 =	vand.u32 $0x3FFF, v14;
	v19 =	vld.idx.msk [tilespmem:v24+s12+$0x0], $0xffff  }
0x363: {  	v14 =	vld.idx.msk [tilespmem:v26+s12+$0x0], $0xffff  }
0x364: {  	[tilespmem:v1+s15+$0x0] =	vst.idx.add.f32.msk $0xffff, v17  }
0x365: {  	v15 =	vmul.f32 v15, v12;
	v17 =	vld.idx.msk [tilespmem:v5+s10+$0x0], $0xffff;
	v5 =	vmov v21  }
0x366: {  	v21 =	vld.idx.msk [tilespmem:v6+s10+$0x0], $0xffff;
	v6 =	vmov v24  }
0x367: {  	v16 =	vmul.f32 v16, v20;
	[tilespmem:v10+s4+$0x0] =	vst.idx.add.f32.msk $0xffff, v15  }
0x368: {  	v15 =	vmul.f32 v19, v23;
	v19 =	vld.idx.msk [tilespmem:v11+s14+$0x0], $0xffff  }
0x369: {  	v14 =	vmul.f32 v14, v25;
	[tilespmem:v22+s4+$0x0] =	vst.idx.add.f32.msk $0xffff, v16  }
0x36a: {  	[tilespmem:v18+s4+$0x0] =	vst.idx.add.f32.msk $0xffff, v15  }
0x36b: {  	[tilespmem:v13+s4+$0x0] =	vst.idx.add.f32.msk $0xffff, v14;
	v14 =	vmul.f32 v17, v2;
	v2 =	vmov v20  }
0x36c: {  	v16 =	vmul.f32 v21, v3;
	v3 =	vmov v23;
	v15 =	vld.idx.msk [tilespmem:v5+s14+$0x0], $0xffff  }
0x36d: {  	v17 =	vld.idx.msk [tilespmem:v24+s14+$0x0], $0xffff  }
0x36e: {  	v19 =	vmul.f32 v19, v12;
	v20 =	vld.idx.msk [tilespmem:v26+s14+$0x0], $0xffff  }
0x36f: {  	v21 =	vld.idx.msk [tilespmem:v7+s10+$0x0], $0xffff;
	v7 =	vmov v26  }
0x370: {  	[tilespmem:v10+s13+$0x0] =	vst.idx.add.f32.msk $0xffff, v19  }
0x371: {  	v19 =	vld.idx.msk [tilespmem:v11+s16+$0x0], $0xffff  }
0x372: {  	v15 =	vmul.f32 v15, v2;
	[tilespmem:v8+s17+$0x0] =	vst.idx.add.f32.msk $0xffff, v14;
	v8 =	vmov v22  }
0x373: {  	v14 =	vmul.f32 v17, v3;
	[tilespmem:v9+s17+$0x0] =	vst.idx.add.f32.msk $0xffff, v16;
	v9 =	vmov v18  }
.Ltmp8:
0x374: {  	[tilespmem:v22+s13+$0x0] =	vst.idx.add.f32.msk $0xffff, v15;
	v15 =	vmul.f32 v20, v25;
	(pc) =	sbr.rel @p2 .LBB2_18-.Ltmp8, $4  }
0x375: {  	[tilespmem:v18+s13+$0x0] =	vst.idx.add.f32.msk $0xffff, v14;
	v14 =	vmul.f32 v21, v4;
	v4 =	vmov v25  }
0x376: {  	[tilespmem:v13+s13+$0x0] =	vst.idx.add.f32.msk $0xffff, v15  }
0x377: {  	v17 =	vmul.f32 v19, v12;
	v15 =	vld.idx.msk [tilespmem:v5+s16+$0x0], $0xffff  }
0x378: {  	p1 =	por !p1, !p1;
	v16 =	vld.idx.msk [tilespmem:v6+s16+$0x0], $0xffff  }
0x379: {  	_ =	sdelay $0x3  }
0x37a: {  	v18 =	vld.idx.msk [tilespmem:v7+s16+$0x0], $0xffff;
	_ =	sdelay $0x1  }
0x37b: {  	[tilespmem:v10+s15+$0x0] =	vst.idx.add.f32.msk $0xffff, v17;
	v15 =	vmul.f32 v15, v2  }
0x37c: {  	v11 =	vld.idx.msk [tilespmem:v11+s10+$0x0], $0xffff;
	v16 =	vmul.f32 v16, v3  }
0x37d: {  	[tilespmem:v8+s15+$0x0] =	vst.idx.add.f32.msk $0xffff, v15  }
0x37e: {  	v62 =	vmul.f32 v18, v4;
	[tilespmem:v9+s15+$0x0] =	vst.idx.add.f32.msk $0xffff, v16  }
0x37f: {  	v5 =	vld.idx.msk [tilespmem:v5+s10+$0x0], $0xffff  }
0x380: {  	[tilespmem:v13+s15+$0x0] =	vst.idx.add.f32.msk $0xffff, v62  }
0x381: {  	v6 =	vld.idx.msk [tilespmem:v6+s10+$0x0], $0xffff  }
0x382: {  	v63 =	vld.idx.msk [tilespmem:v7+s10+$0x0], $0xffff;
	_ =	sdelay $0x1  }
0x383: {  	v11 =	vmul.f32 v11, v12  }
.Ltmp9:
0x384: {  	[tilespmem:v1+s17+$0x0] =	vst.idx.add.f32.msk $0xffff, v14;
	v1 =	vmul.f32 v5, v2;
	(pc) =	sbr.rel @p0 .LBB2_21-.Ltmp9, $4  }
0x385: {  	[tilespmem:v10+s17+$0x0] =	vst.idx.add.f32.msk $0xffff, v11;
	v2 =	vmul.f32 v6, v3  }
0x386: {  	[tilespmem:v8+s17+$0x0] =	vst.idx.add.f32.msk $0xffff, v1;
	v1 =	vmul.f32 v63, v4  }
0x387: {  	[tilespmem:v9+s17+$0x0] =	vst.idx.add.f32.msk $0xffff, v2  }
0x388: {  	[tilespmem:v13+s17+$0x0] =	vst.idx.add.f32.msk $0xffff, v1  }
0x389: {  	s21 =	smul.u32 $0xA00, s20;
	_ =	sdelay $0x1  }
0x38a: {  	s21 =	sshrl.u32 s21, $0x3  }
0x38b: {  	s21 =	sadd.s32 $0x1E0, s21  }
0x38c: {  	s23 =	simm.s32 $0x1D600;
	s22 =	sadd.s32 s2, s21  }
0x38d: {  	[tilespmem:s23], [sflag:$0x2] =	stream.linear.gather [hbm4b:s22+s4], $0x80, $0x38;
	[tilespmem:$0x1E980] =	vst v63  }
0x38e: {  	s24 =	simm.s32 $0x1D700;
	s26 =	sadd.s32 $0x10, s22  }
0x38f: {  	[tilespmem:s24], [sflag:$0x2] =	stream.linear.gather [hbm4b:s26+s4], $0x80, $0x38;
	[tilespmem:$0x1E980] =	vst v63  }
0x390: {  	s25 =	sadd.s32 $0x20, s22;
	s26 =	simm.s32 $0x1D800  }
0x391: {  	[tilespmem:s26], [sflag:$0x2] =	stream.linear.gather [hbm4b:s25+s4], $0x80, $0x38;
	[tilespmem:$0x1E980] =	vst v63  }
0x392: {  	s25 =	sadd.s32 $0x30, s22;
	s26 =	simm.s32 $0x1D900  }
0x393: {  	[tilespmem:s26], [sflag:$0x2] =	stream.linear.gather [hbm4b:s25+s4], $0x80, $0x38;
	[tilespmem:$0x1E980] =	vst v63  }
0x394: {  	s25 =	sadd.s32 $0x40, s22;
	s26 =	simm.s32 $0x1DA00  }
0x395: {  	[tilespmem:s26], [sflag:$0x2] =	stream.linear.gather [hbm4b:s25+s4], $0x80, $0x38;
	[tilespmem:$0x1E980] =	vst v63  }
0x396: {  	s25 =	sadd.s32 $0x50, s22;
	s26 =	simm.s32 $0x1DB00  }
0x397: {  	[tilespmem:s26], [sflag:$0x2] =	stream.linear.gather [hbm4b:s25+s4], $0x80, $0x38;
	[tilespmem:$0x1E980] =	vst v63  }
0x398: {  	s25 =	sadd.s32 $0x60, s22;
	s26 =	simm.s32 $0x1DC00  }
0x399: {  	[tilespmem:s26], [sflag:$0x2] =	stream.linear.gather [hbm4b:s25+s4], $0x80, $0x38;
	[tilespmem:$0x1E980] =	vst v63  }
0x39a: {  	s25 =	sadd.s32 $0x70, s22;
	s26 =	simm.s32 $0x1DD00  }
0x39b: {  	[tilespmem:s26], [sflag:$0x2] =	stream.linear.gather [hbm4b:s25+s4], $0x80, $0x38;
	[tilespmem:$0x1E980] =	vst v63  }
0x39c: {  	s25 =	sadd.s32 $0x80, s22;
	s26 =	simm.s32 $0x1DE00  }
0x39d: {  	[tilespmem:s26], [sflag:$0x2] =	stream.linear.gather [hbm4b:s25+s4], $0x80, $0x38;
	[tilespmem:$0x1E980] =	vst v63  }
0x39e: {  	s22 =	sadd.s32 $0x90, s22  }
0x39f: {  	[tilespmem:s28], [sflag:$0x2] =	stream.linear.gather [hbm4b:s22+s4], $0x80, $0x38;
	[tilespmem:$0x1E980] =	vst v63  }
0x3a0: {  	s21 =	sadd.s32 s3, s21  }
0x3a1: {  	[tilespmem:s29], [sflag:$0x2] =	stream.linear.gather [hbm4b:s21+s4], $0x80, $0x38;
	[tilespmem:$0x1E980] =	vst v63  }
0x3a2: {  	s23 =	sadd.s32 $0x10, s21  }
0x3a3: {  	[tilespmem:s30], [sflag:$0x2] =	stream.linear.gather [hbm4b:s23+s4], $0x80, $0x38;
	[tilespmem:$0x1E980] =	vst v63  }
0x3a4: {  	s24 =	sadd.s32 $0x20, s21  }
0x3a5: {  	[tilespmem:s31], [sflag:$0x2] =	stream.linear.gather [hbm4b:s24+s4], $0x80, $0x38;
	[tilespmem:$0x1E980] =	vst v63  }
0x3a6: {  	s25 =	sadd.s32 $0x30, s21  }
0x3a7: {  	[tilespmem:s0], [sflag:$0x2] =	stream.linear.gather [hbm4b:s25+s4], $0x80, $0x38;
	[tilespmem:$0x1E980] =	vst v63  }
0x3a8: {  	s26 =	sadd.s32 $0x40, s21  }
0x3a9: {  	[tilespmem:s1], [sflag:$0x2] =	stream.linear.gather [hbm4b:s26+s4], $0x80, $0x38;
	[tilespmem:$0x1E980] =	vst v63  }
0x3aa: {  	s23 =	sadd.s32 $0x50, s21  }
0x3ab: {  	[tilespmem:s8], [sflag:$0x2] =	stream.linear.gather [hbm4b:s23+s4], $0x80, $0x38;
	[tilespmem:$0x1E980] =	vst v63  }
0x3ac: {  	s24 =	sadd.s32 $0x60, s21  }
0x3ad: {  	[tilespmem:s9], [sflag:$0x2] =	stream.linear.gather [hbm4b:s24+s4], $0x80, $0x38;
	[tilespmem:$0x1E980] =	vst v63  }
0x3ae: {  	s25 =	sadd.s32 $0x70, s21  }
0x3af: {  	[tilespmem:s5], [sflag:$0x2] =	stream.linear.gather [hbm4b:s25+s4], $0x80, $0x38;
	[tilespmem:$0x1E980] =	vst v63  }
.Ltmp10:
0x3b0: {  	_ = 	snop;
	(pc) =	sbr.rel .LBB2_15-.Ltmp10, $4  }
0x3b1: {  	s26 =	sadd.s32 $0x80, s21  }
0x3b2: {  	[tilespmem:s6], [sflag:$0x2] =	stream.linear.gather [hbm4b:s26+s4], $0x80, $0x38;
	[tilespmem:$0x1E980] =	vst v63  }
0x3b3: {  	s20 =	sadd.s32 $0x1, s20;
	s21 =	sadd.s32 $0x90, s21  }
0x3b4: {  	[tilespmem:s7], [sflag:$0x2] =	stream.linear.gather [hbm4b:s21+s4], $0x80, $0x38;
	[tilespmem:$0x1E980] =	vst v63  }
.LBB2_21:
0x3b5: {  	s19 =	simm.s32 $0x1D580  }
0x3b6: {  	[tilespmem:s19], [sflag:$0x1] =	stream.linear.gather [hbm4b:s2+s4], $0x80, $0x38;
	[tilespmem:$0x1E980] =	vst v63  }
0x3b7: {  	s24 =	rddreg [dreg:$0x9];
	s20 =	simm.s32 $0x1D680  }
0x3b8: {  	[tilespmem:s20], [sflag:$0x1] =	stream.linear.gather [hbm4b:s24+s4], $0x80, $0x38;
	[tilespmem:$0x1E980] =	vst v63  }
0x3b9: {  	s25 =	rddreg [dreg:$0xa];
	s26 =	simm.s32 $0x1D780  }
0x3ba: {  	[tilespmem:s26], [sflag:$0x1] =	stream.linear.gather [hbm4b:s25+s4], $0x80, $0x38;
	[tilespmem:$0x1E980] =	vst v63  }
0x3bb: {  	s21 =	rddreg [dreg:$0xb];
	s22 =	simm.s32 $0x1D880  }
0x3bc: {  	[tilespmem:s22], [sflag:$0x1] =	stream.linear.gather [hbm4b:s21+s4], $0x80, $0x38;
	[tilespmem:$0x1E980] =	vst v63  }
0x3bd: {  	s23 =	rddreg [dreg:$0xc];
	s24 =	simm.s32 $0x1D980  }
0x3be: {  	[tilespmem:s24], [sflag:$0x1] =	stream.linear.gather [hbm4b:s23+s4], $0x80, $0x38;
	[tilespmem:$0x1E980] =	vst v63  }
0x3bf: {  	s25 =	rddreg [dreg:$0xd];
	s26 =	simm.s32 $0x1DA80  }
0x3c0: {  	[tilespmem:s26], [sflag:$0x1] =	stream.linear.gather [hbm4b:s25+s4], $0x80, $0x38;
	[tilespmem:$0x1E980] =	vst v63  }
0x3c1: {  	s21 =	rddreg [dreg:$0xe];
	s22 =	simm.s32 $0x1DB80  }
0x3c2: {  	[tilespmem:s22], [sflag:$0x1] =	stream.linear.gather [hbm4b:s21+s4], $0x80, $0x38;
	[tilespmem:$0x1E980] =	vst v63  }
0x3c3: {  	s23 =	rddreg [dreg:$0xf];
	s24 =	simm.s32 $0x1DC80  }
0x3c4: {  	[tilespmem:s24], [sflag:$0x1] =	stream.linear.gather [hbm4b:s23+s4], $0x80, $0x38;
	[tilespmem:$0x1E980] =	vst v63  }
0x3c5: {  	s25 =	rddreg [dreg:$0x10];
	s26 =	simm.s32 $0x1DD80  }
0x3c6: {  	[tilespmem:s26], [sflag:$0x1] =	stream.linear.gather [hbm4b:s25+s4], $0x80, $0x38;
	[tilespmem:$0x1E980] =	vst v63  }
0x3c7: {  	s20 =	rddreg [dreg:$0x11];
	s21 =	simm.s32 $0x1DE80  }
0x3c8: {  	[tilespmem:s21], [sflag:$0x1] =	stream.linear.gather [hbm4b:s20+s4], $0x80, $0x38;
	[tilespmem:$0x1E980] =	vst v63  }
0x3c9: {  	s22 =	simm.s32 $0x1DF80;
	s23 =	rddreg [dreg:$0x12]  }
0x3ca: {  	[tilespmem:s22], [sflag:$0x1] =	stream.linear.gather [hbm4b:s3+s4], $0x80, $0x38;
	[tilespmem:$0x1E980] =	vst v63  }
0x3cb: {  	s24 =	simm.s32 $0x1E080;
	s25 =	rddreg [dreg:$0x13]  }
0x3cc: {  	[tilespmem:s24], [sflag:$0x1] =	stream.linear.gather [hbm4b:s23+s4], $0x80, $0x38;
	[tilespmem:$0x1E980] =	vst v63  }
0x3cd: {  	s26 =	simm.s32 $0x1E180;
	s21 =	rddreg [dreg:$0x14]  }
0x3ce: {  	[tilespmem:s26], [sflag:$0x1] =	stream.linear.gather [hbm4b:s25+s4], $0x80, $0x38;
	[tilespmem:$0x1E980] =	vst v63  }
0x3cf: {  	s22 =	simm.s32 $0x1E280;
	s23 =	rddreg [dreg:$0x15]  }
0x3d0: {  	[tilespmem:s22], [sflag:$0x1] =	stream.linear.gather [hbm4b:s21+s4], $0x80, $0x38;
	[tilespmem:$0x1E980] =	vst v63  }
0x3d1: {  	s24 =	simm.s32 $0x1E380;
	s25 =	rddreg [dreg:$0x16]  }
0x3d2: {  	[tilespmem:s24], [sflag:$0x1] =	stream.linear.gather [hbm4b:s23+s4], $0x80, $0x38;
	[tilespmem:$0x1E980] =	vst v63  }
0x3d3: {  	s26 =	simm.s32 $0x1E480;
	s21 =	rddreg [dreg:$0x17]  }
0x3d4: {  	[tilespmem:s26], [sflag:$0x1] =	stream.linear.gather [hbm4b:s25+s4], $0x80, $0x38;
	[tilespmem:$0x1E980] =	vst v63  }
0x3d5: {  	s22 =	simm.s32 $0x1E580;
	s23 =	rddreg [dreg:$0x18]  }
0x3d6: {  	[tilespmem:s22], [sflag:$0x1] =	stream.linear.gather [hbm4b:s21+s4], $0x80, $0x38;
	[tilespmem:$0x1E980] =	vst v63  }
0x3d7: {  	s24 =	simm.s32 $0x1E680;
	s25 =	rddreg [dreg:$0x19]  }
0x3d8: {  	[tilespmem:s24], [sflag:$0x1] =	stream.linear.gather [hbm4b:s23+s4], $0x80, $0x38;
	[tilespmem:$0x1E980] =	vst v63  }
0x3d9: {  	s26 =	simm.s32 $0x1E780;
	s21 =	rddreg [dreg:$0x1a]  }
0x3da: {  	[tilespmem:s26], [sflag:$0x1] =	stream.linear.gather [hbm4b:s25+s4], $0x80, $0x38;
	[tilespmem:$0x1E980] =	vst v63  }
0x3db: {  	s22 =	simm.s32 $0x1E880;
	s23 =	rddreg [dreg:$0x5]  }
0x3dc: {  	[tilespmem:s22], [sflag:$0x1] =	stream.linear.gather [hbm4b:s21+s4], $0x80, $0x38;
	[tilespmem:$0x1E980] =	vst v63  }
0x3dd: {  	s24 =	simm.s32 $0x1D600;
	s25 =	rddreg [dreg:$0x1b]  }
0x3de: {  	[tilespmem:s24], [sflag:$0x2] =	stream.linear.gather [hbm4b:s23+s4], $0x80, $0x38;
	[tilespmem:$0x1E980] =	vst v63  }
0x3df: {  	s26 =	simm.s32 $0x1D700;
	s21 =	rddreg [dreg:$0x1c]  }
0x3e0: {  	[tilespmem:s26], [sflag:$0x2] =	stream.linear.gather [hbm4b:s25+s4], $0x80, $0x38;
	[tilespmem:$0x1E980] =	vst v63  }
0x3e1: {  	s22 =	simm.s32 $0x1D800;
	s23 =	rddreg [dreg:$0x1d]  }
0x3e2: {  	[tilespmem:s22], [sflag:$0x2] =	stream.linear.gather [hbm4b:s21+s4], $0x80, $0x38;
	[tilespmem:$0x1E980] =	vst v63  }
0x3e3: {  	s24 =	simm.s32 $0x1D900;
	s25 =	rddreg [dreg:$0x1e]  }
0x3e4: {  	[tilespmem:s24], [sflag:$0x2] =	stream.linear.gather [hbm4b:s23+s4], $0x80, $0x38;
	[tilespmem:$0x1E980] =	vst v63  }
0x3e5: {  	s26 =	simm.s32 $0x1DA00;
	s21 =	rddreg [dreg:$0x1f]  }
0x3e6: {  	[tilespmem:s26], [sflag:$0x2] =	stream.linear.gather [hbm4b:s25+s4], $0x80, $0x38;
	[tilespmem:$0x1E980] =	vst v63  }
0x3e7: {  	s22 =	simm.s32 $0x1DB00;
	s23 =	sld [smem:$0x7F1]  }
0x3e8: {  	[tilespmem:s22], [sflag:$0x2] =	stream.linear.gather [hbm4b:s21+s4], $0x80, $0x38;
	[tilespmem:$0x1E980] =	vst v63  }
0x3e9: {  	s24 =	simm.s32 $0x1DC00;
	s25 =	sld [smem:$0x7F2]  }
0x3ea: {  	[tilespmem:s24], [sflag:$0x2] =	stream.linear.gather [hbm4b:s23+s4], $0x80, $0x38;
	[tilespmem:$0x1E980] =	vst v63  }
0x3eb: {  	s26 =	simm.s32 $0x1DD00;
	s21 =	sld [smem:$0x7F3]  }
0x3ec: {  	[tilespmem:s26], [sflag:$0x2] =	stream.linear.gather [hbm4b:s25+s4], $0x80, $0x38;
	[tilespmem:$0x1E980] =	vst v63  }
0x3ed: {  	s22 =	simm.s32 $0x1DE00;
	s23 =	sld [smem:$0x7F4]  }
0x3ee: {  	[tilespmem:s22], [sflag:$0x2] =	stream.linear.gather [hbm4b:s21+s4], $0x80, $0x38;
	[tilespmem:$0x1E980] =	vst v63  }
0x3ef: {  	s24 =	rddreg [dreg:$0x6]  }
0x3f0: {  	[tilespmem:s28], [sflag:$0x2] =	stream.linear.gather [hbm4b:s23+s4], $0x80, $0x38;
	[tilespmem:$0x1E980] =	vst v63  }
0x3f1: {  	s25 =	sld [smem:$0x7F5]  }
0x3f2: {  	[tilespmem:s29], [sflag:$0x2] =	stream.linear.gather [hbm4b:s24+s4], $0x80, $0x38;
	[tilespmem:$0x1E980] =	vst v63  }
0x3f3: {  	s26 =	sld [smem:$0x7F6]  }
0x3f4: {  	[tilespmem:s30], [sflag:$0x2] =	stream.linear.gather [hbm4b:s25+s4], $0x80, $0x38;
	[tilespmem:$0x1E980] =	vst v63  }
0x3f5: {  	s20 =	sld [smem:$0x7F7]  }
0x3f6: {  	[tilespmem:s31], [sflag:$0x2] =	stream.linear.gather [hbm4b:s26+s4], $0x80, $0x38;
	[tilespmem:$0x1E980] =	vst v63  }
0x3f7: {  	s21 =	sld [smem:$0x7F8]  }
0x3f8: {  	[tilespmem:s0], [sflag:$0x2] =	stream.linear.gather [hbm4b:s20+s4], $0x80, $0x38;
	[tilespmem:$0x1E980] =	vst v63  }
0x3f9: {  	s22 =	sld [smem:$0x7F9]  }
0x3fa: {  	[tilespmem:s1], [sflag:$0x2] =	stream.linear.gather [hbm4b:s21+s4], $0x80, $0x38;
	[tilespmem:$0x1E980] =	vst v63  }
0x3fb: {  	s23 =	sld [smem:$0x7FA]  }
0x3fc: {  	[tilespmem:s8], [sflag:$0x2] =	stream.linear.gather [hbm4b:s22+s4], $0x80, $0x38;
	[tilespmem:$0x1E980] =	vst v63  }
0x3fd: {  	s24 =	sld [smem:$0x7FB]  }
0x3fe: {  	[tilespmem:s9], [sflag:$0x2] =	stream.linear.gather [hbm4b:s23+s4], $0x80, $0x38;
	[tilespmem:$0x1E980] =	vst v63  }
0x3ff: {  	s25 =	sld [smem:$0x7FC]  }
0x400: {  	[tilespmem:s5], [sflag:$0x2] =	stream.linear.gather [hbm4b:s24+s4], $0x80, $0x38;
	[tilespmem:$0x1E980] =	vst v63  }
0x401: {  	s26 =	sld [smem:$0x7FD]  }
0x402: {  	[tilespmem:s6], [sflag:$0x2] =	stream.linear.gather [hbm4b:s25+s4], $0x80, $0x38;
	[tilespmem:$0x1E980] =	vst v63  }
0x403: {  	s19 =	simm.s32 $0x13920  }
0x404: {  	[tilespmem:s7], [sflag:$0x2] =	stream.linear.gather [hbm4b:s26+s4], $0x80, $0x38;
	[tilespmem:$0x1E980] =	vst v63  }
0x405: {  	s20 =	simm.s32 $0x20;
	v6 =	vld [tilespmem:s19+$0x10]  }
0x406: {  	v7 =	vld [tilespmem:s20+$0x10]  }
0x407: {  	v3 =	vld [tilespmem:s20+$0xFFFFFFE0]  }
0x408: {  	v1 =	vld [tilespmem:s19+$0xFFFFFFF0]  }
0x409: {  	v5 =	vld [tilespmem:s20+$0xFFFFFFF0]  }
0x40a: {  	v2 =	vld [tilespmem:s19+$0x0]  }
0x40b: {  	v4 =	vld [tilespmem:s20+$0x0];
	v7 =	vadd.f32 v7, v6  }
0x40c: {  	s21 =	simm.s32 $0x0;
	s22 =	simm.s32 $0x13960;
	v6 =	vld [tilespmem:s19+$0xFFFFFFE0]  }
.LBB2_22:
0x40d: {  	v8 =	vld [tilespmem:s22+$0x10];
	[tilespmem:s19+$0x10] =	vst v7;
	s20 =	sadd.s32 $0x40, s20  }
0x40e: {  	s21 =	sadd.s32 $0x4, s21;
	v7 =	vld [tilespmem:s20+$0x10];
	v5 =	vadd.f32 v5, v1  }
0x40f: {  	p0 =	slt.u32 s21, $0x9C0;
	v9 =	vld [tilespmem:s20+$0xFFFFFFE0]  }
.Ltmp11:
0x410: {  	v1 =	vld [tilespmem:s22+$0xFFFFFFF0];
	[tilespmem:s19+$0xFFFFFFF0] =	vst v5;
	v4 =	vadd.f32 v4, v2;
	(pc) =	sbr.rel @p0 .LBB2_22-.Ltmp11, $4  }
0x411: {  	v5 =	vld [tilespmem:s20+$0xFFFFFFF0];
	v10 =	vadd.f32 v3, v6  }
0x412: {  	v2 =	vld [tilespmem:s22+$0x0];
	[tilespmem:s19+$0x0] =	vst v4  }
0x413: {  	v4 =	vld [tilespmem:s20+$0x0];
	v7 =	vadd.f32 v7, v8;
	[tilespmem:s19+$0xFFFFFFE0] =	vst v10;
	s19 =	smov.u32 s22  }
0x414: {  	s22 =	sadd.s32 $0x40, s22;
	v6 =	vld [tilespmem:s19+$0xFFFFFFE0];
	v3 =	vmov v9  }
0x415: {  	_ =	sdelay $0x1  }
0x416: {  	v1 =	vadd.f32 v5, v1  }
0x417: {  	[tilespmem:s19+$0x10] =	vst v7;
	v2 =	vadd.f32 v4, v2  }
0x418: {  	[tilespmem:s19+$0xFFFFFFF0] =	vst v1;
	v1 =	vadd.f32 v3, v6  }
0x419: {  	[tilespmem:s19+$0x0] =	vst v2  }
0x41a: {  	s20 =	simm.s32 $0x9CA0;
	[tilespmem:s19+$0xFFFFFFE0] =	vst v1  }
0x41b: {  	[tilespmem:s20+$0xFFFFFFE0] =	vst v0  }
0x41c: {  	[tilespmem:s20+$0x10] =	vst v0  }
0x41d: {  	s19 =	simm.s32 $0x0;
	[tilespmem:s20+$0x0] =	vst v0  }
.LBB2_24:
0x41e: {  	s19 =	sadd.s32 $0x4, s19  }
0x41f: {  	[tilespmem:s20+$0xFFFFFFF0] =	vst v0;
	s20 =	sadd.s32 $0x40, s20;
	p0 =	slt.u32 s19, $0x9C0  }
.Ltmp12:
0x420: {  	[tilespmem:s20+$0xFFFFFFE0] =	vst v0;
	(pc) =	sbr.rel @p0 .LBB2_24-.Ltmp12, $3  }
0x421: {  	_ =	sdelay $0x1  }
0x422: {  	[tilespmem:s20+$0x10] =	vst v0  }
0x423: {  	[tilespmem:s20+$0x0] =	vst v0  }
0x424: {  	[tilespmem:s20+$0xFFFFFFF0] =	vst v0;
	s19 =	simm.s32 $0x0;
	s20 =	simm.s32 $0x0  }
.LBB2_26:
0x425: {  	_ =	swait.ge [sflag:s11], $0x500  }
0x426: {  	[sflag:s11] =	ssyncset.done $0x0  }
0x427: {  	[sflag:s11] =	ssyncadd.s32 $0xFFFFFB00  }
0x428: {  	_ =	swait.ge [sflag:s11], $0x500  }
0x429: {  	s21 =	sand.u32 $0x40, s19;
	s22 =	sand.u32 $0xF00, s19;
	[sflag:s11] =	ssyncset.done $0x0  }
0x42a: {  	s21 =	sor.u32 s21, s22;
	[sflag:s11] =	ssyncadd.s32 $0xFFFFFB00  }
0x42b: {  	v1 =	vld [tilespmem:s21+$0x1D5B0]  }
0x42c: {  	v2 =	vld [tilespmem:s21+$0x1D580]  }
0x42d: {  	v4 =	vld [tilespmem:s21+$0x1D5A0];
	_ =	sdelay $0x2  }
0x42e: {  	v3 =	vld [tilespmem:s21+$0x1D590];
	v5 =	vshrl.u32 v1, $0xE  }
0x42f: {  	v13 =	vld [tilespmem:s21+$0x1DF80];
	v12 =	vshrl.u32 v2, $0xE  }
0x430: {  	v14 =	vld [tilespmem:s21+$0x1DF90];
	v16 =	vshrl.u32 v4, $0xE  }
0x431: {  	v7 =	vld [tilespmem:s21+$0x1DFB0]  }
0x432: {  	v17 =	vld [tilespmem:s21+$0x1DFA0]  }
0x433: {  	v15 =	vshrl.u32 v3, $0xE;
	v6 =	vld.idx.msk [tilespmem:v5+s4+$0x0], $0xffff  }
0x434: {  	s25 =	simm.s32 $0x80;
	s26 =	simm.s32 $0x40;
	v8 =	vld.idx.msk [tilespmem:v12+s4+$0x0], $0xffff  }
0x435: {  	s22 =	sand.u32 $0x40, s26;
	s21 =	sand.u32 $0xF00, s25;
	v9 =	vand.u32 $0x3FFF, v1;
	v18 =	vand.u32 $0x3FFF, v2;
	v2 =	vld.idx.msk [tilespmem:v16+s4+$0x0], $0xffff  }
0x436: {  	s21 =	sor.u32 s22, s21  }
0x437: {  	v20 =	vld [tilespmem:s21+$0x1D580];
	v1 =	vand.u32 $0x3FFF, v4  }
0x438: {  	v19 =	vand.u32 $0x3FFF, v3;
	v10 =	vld.idx.msk [tilespmem:v15+s4+$0x0], $0xffff;
	v3 =	vmul.f32 v6, v7  }
0x439: {  	v21 =	vld [tilespmem:s21+$0x1D590];
	v4 =	vmul.f32 v8, v13  }
0x43a: {  	v2 =	vmul.f32 v2, v17;
	[tilespmem:v9+s12+$0x0] =	vst.idx.add.f32.msk $0xffff, v3  }
0x43b: {  	[tilespmem:v18+s12+$0x0] =	vst.idx.add.f32.msk $0xffff, v4  }
0x43c: {  	[tilespmem:v1+s12+$0x0] =	vst.idx.add.f32.msk $0xffff, v2  }
0x43d: {  	v3 =	vmul.f32 v10, v14;
	v10 =	vld [tilespmem:s21+$0x1D5B0]  }
0x43e: {  	v6 =	vld.idx.msk [tilespmem:v5+s13+$0x0], $0xffff  }
0x43f: {  	v2 =	vld.idx.msk [tilespmem:v12+s13+$0x0], $0xffff  }
0x440: {  	v22 =	vld [tilespmem:s21+$0x1D5A0]  }
0x441: {  	v4 =	vld.idx.msk [tilespmem:v16+s13+$0x0], $0xffff  }
0x442: {  	v11 =	vld [tilespmem:s21+$0x1DFB0]  }
0x443: {  	[tilespmem:v19+s12+$0x0] =	vst.idx.add.f32.msk $0xffff, v3;
	v6 =	vmul.f32 v6, v7  }
0x444: {  	v3 =	vld.idx.msk [tilespmem:v15+s13+$0x0], $0xffff;
	v23 =	vshrl.u32 v10, $0xE;
	v2 =	vmul.f32 v2, v13  }
0x445: {  	[tilespmem:v9+s14+$0x0] =	vst.idx.add.f32.msk $0xffff, v6  }
0x446: {  	[tilespmem:v18+s14+$0x0] =	vst.idx.add.f32.msk $0xffff, v2;
	v2 =	vmul.f32 v4, v17  }
0x447: {  	v6 =	vld.idx.msk [tilespmem:v5+s15+$0x0], $0xffff  }
0x448: {  	[tilespmem:v1+s14+$0x0] =	vst.idx.add.f32.msk $0xffff, v2  }
0x449: {  	v3 =	vmul.f32 v3, v14;
	v24 =	vld.idx.msk [tilespmem:v23+s4+$0x0], $0xffff  }
0x44a: {  	v8 =	vld.idx.msk [tilespmem:v16+s15+$0x0], $0xffff  }
0x44b: {  	v10 =	vand.u32 $0x3FFF, v10;
	[tilespmem:v19+s14+$0x0] =	vst.idx.add.f32.msk $0xffff, v3  }
0x44c: {  	v3 =	vld.idx.msk [tilespmem:v12+s15+$0x0], $0xffff;
	v2 =	vmul.f32 v6, v7  }
0x44d: {  	v4 =	vld.idx.msk [tilespmem:v15+s15+$0x0], $0xffff  }
0x44e: {  	v6 =	vshrl.u32 v21, $0xE;
	v54 =	vmul.f32 v24, v11;
	[tilespmem:v9+s16+$0x0] =	vst.idx.add.f32.msk $0xffff, v2  }
0x44f: {  	v8 =	vmul.f32 v8, v17;
	v2 =	vld.idx.msk [tilespmem:v5+s17+$0x0], $0xffff  }
0x450: {  	[tilespmem:v10+s12+$0x0] =	vst.idx.add.f32.msk $0xffff, v54  }
0x451: {  	[tilespmem:v1+s16+$0x0] =	vst.idx.add.f32.msk $0xffff, v8  }
0x452: {  	v58 =	vld.idx.msk [tilespmem:v23+s13+$0x0], $0xffff  }
0x453: {  	v26 =	vld.idx.msk [tilespmem:v6+s4+$0x0], $0xffff  }
0x454: {  	v63 =	vld.idx.msk [tilespmem:v16+s17+$0x0], $0xffff  }
0x455: {  	v5 =	vmul.f32 v2, v7;
	v2 =	vld [tilespmem:s21+$0x1DF80]  }
0x456: {  	v7 =	vmul.f32 v3, v13;
	v3 =	vld [tilespmem:s21+$0x1DF90]  }
0x457: {  	[tilespmem:v9+s10+$0x0] =	vst.idx.add.f32.msk $0xffff, v5  }
0x458: {  	v9 =	vmul.f32 v4, v14;
	v5 =	vshrl.u32 v20, $0xE;
	v4 =	vld [tilespmem:s21+$0x1DFA0]  }
0x459: {  	v24 =	vmul.f32 v58, v11;
	[tilespmem:v18+s16+$0x0] =	vst.idx.add.f32.msk $0xffff, v7  }
0x45a: {  	v7 =	vshrl.u32 v22, $0xE;
	v55 =	vld.idx.msk [tilespmem:v12+s17+$0x0], $0xffff  }
0x45b: {  	[tilespmem:v10+s14+$0x0] =	vst.idx.add.f32.msk $0xffff, v24  }
0x45c: {  	v8 =	vand.u32 $0x3FFF, v21;
	[tilespmem:v19+s16+$0x0] =	vst.idx.add.f32.msk $0xffff, v9  }
0x45d: {  	v25 =	vld.idx.msk [tilespmem:v5+s4+$0x0], $0xffff  }
0x45e: {  	v16 =	vld.idx.msk [tilespmem:v23+s15+$0x0], $0xffff  }
0x45f: {  	v9 =	vand.u32 $0x3FFF, v20;
	v57 =	vmul.f32 v26, v3;
	v27 =	vld.idx.msk [tilespmem:v7+s4+$0x0], $0xffff  }
0x460: {  	v15 =	vld.idx.msk [tilespmem:v15+s17+$0x0], $0xffff  }
0x461: {  	v12 =	vand.u32 $0x3FFF, v22;
	[tilespmem:v8+s12+$0x0] =	vst.idx.add.f32.msk $0xffff, v57;
	v13 =	vmul.f32 v55, v13  }
0x462: {  	v61 =	vld.idx.msk [tilespmem:v6+s13+$0x0], $0xffff;
	v56 =	vmul.f32 v25, v2  }
0x463: {  	[tilespmem:v18+s10+$0x0] =	vst.idx.add.f32.msk $0xffff, v13  }
0x464: {  	v59 =	vmul.f32 v27, v4;
	[tilespmem:v9+s12+$0x0] =	vst.idx.add.f32.msk $0xffff, v56  }
0x465: {  	v60 =	vld.idx.msk [tilespmem:v5+s13+$0x0], $0xffff  }
0x466: {  	v14 =	vmul.f32 v15, v14;
	[tilespmem:v12+s12+$0x0] =	vst.idx.add.f32.msk $0xffff, v59  }
0x467: {  	v13 =	vmul.f32 v61, v3;
	v62 =	vld.idx.msk [tilespmem:v7+s13+$0x0], $0xffff  }
0x468: {  	[tilespmem:v19+s10+$0x0] =	vst.idx.add.f32.msk $0xffff, v14  }
0x469: {  	[tilespmem:v8+s14+$0x0] =	vst.idx.add.f32.msk $0xffff, v13;
	v13 =	vmul.f32 v16, v11  }
0x46a: {  	v16 =	vld.idx.msk [tilespmem:v6+s15+$0x0], $0xffff;
	v15 =	vmul.f32 v60, v2  }
0x46b: {  	[tilespmem:v10+s16+$0x0] =	vst.idx.add.f32.msk $0xffff, v13  }
0x46c: {  	v14 =	vmul.f32 v62, v4;
	[tilespmem:v9+s14+$0x0] =	vst.idx.add.f32.msk $0xffff, v15  }
0x46d: {  	v15 =	vld.idx.msk [tilespmem:v5+s15+$0x0], $0xffff  }
0x46e: {  	[tilespmem:v12+s14+$0x0] =	vst.idx.add.f32.msk $0xffff, v14  }
0x46f: {  	s23 =	simm.s32 $0x80;
	s22 =	simm.s32 $0x100;
	s21 =	simm.s32 $0x4;
	v13 =	vmul.f32 v63, v17;
	v14 =	vld.idx.msk [tilespmem:v23+s17+$0x0], $0xffff  }
.LBB2_27:
0x470: {  	s24 =	sand.u32 $0x40, s23;
	s25 =	sand.u32 $0xF00, s22;
	s21 =	sadd.s32 $0x4, s21;
	v17 =	vld.idx.msk [tilespmem:v7+s15+$0x0], $0xffff  }
0x471: {  	s24 =	sor.u32 s24, s25;
	p0 =	slt.u32 s21, $0x4C;
	[tilespmem:v1+s10+$0x0] =	vst.idx.add.f32.msk $0xffff, v13;
	v1 =	vmov v12  }
0x472: {  	v15 =	vmul.f32 v15, v2;
	v13 =	vld [tilespmem:s24+$0x1D5B0]  }
0x473: {  	v16 =	vmul.f32 v16, v3;
	v12 =	vld [tilespmem:s24+$0x1D580]  }
0x474: {  	v18 =	vld [tilespmem:s24+$0x1D590]  }
0x475: {  	v11 =	vmul.f32 v14, v11;
	v19 =	vld [tilespmem:s24+$0x1D5A0]  }
0x476: {  	v17 =	vmul.f32 v17, v4;
	v14 =	vld [tilespmem:s24+$0x1DF80]  }
0x477: {  	v20 =	vshrl.u32 v13, $0xE;
	[tilespmem:v10+s10+$0x0] =	vst.idx.add.f32.msk $0xffff, v11  }
0x478: {  	v21 =	vshrl.u32 v12, $0xE;
	v22 =	vand.u32 $0x3FFF, v12;
	v23 =	vld [tilespmem:s24+$0x1DF90]  }
0x479: {  	v24 =	vshrl.u32 v18, $0xE;
	v18 =	vand.u32 $0x3FFF, v18;
	v25 =	vld [tilespmem:s24+$0x1DFA0]  }
0x47a: {  	v26 =	vshrl.u32 v19, $0xE;
	v12 =	vand.u32 $0x3FFF, v19;
	[tilespmem:v9+s16+$0x0] =	vst.idx.add.f32.msk $0xffff, v15  }
0x47b: {  	[tilespmem:v8+s16+$0x0] =	vst.idx.add.f32.msk $0xffff, v16  }
0x47c: {  	v15 =	vld.idx.msk [tilespmem:v20+s4+$0x0], $0xffff  }
0x47d: {  	v11 =	vld [tilespmem:s24+$0x1DFB0]  }
0x47e: {  	v16 =	vld.idx.msk [tilespmem:v21+s4+$0x0], $0xffff  }
0x47f: {  	v10 =	vand.u32 $0x3FFF, v13;
	v19 =	vld.idx.msk [tilespmem:v24+s4+$0x0], $0xffff  }
0x480: {  	v13 =	vld.idx.msk [tilespmem:v26+s4+$0x0], $0xffff  }
0x481: {  	[tilespmem:v1+s16+$0x0] =	vst.idx.add.f32.msk $0xffff, v17  }
0x482: {  	v15 =	vmul.f32 v15, v11;
	v17 =	vld.idx.msk [tilespmem:v5+s17+$0x0], $0xffff;
	v5 =	vmov v21  }
0x483: {  	v21 =	vld.idx.msk [tilespmem:v6+s17+$0x0], $0xffff;
	v6 =	vmov v24  }
0x484: {  	v16 =	vmul.f32 v16, v14;
	[tilespmem:v10+s12+$0x0] =	vst.idx.add.f32.msk $0xffff, v15  }
0x485: {  	v15 =	vmul.f32 v19, v23;
	v19 =	vld.idx.msk [tilespmem:v20+s13+$0x0], $0xffff  }
0x486: {  	v13 =	vmul.f32 v13, v25;
	[tilespmem:v22+s12+$0x0] =	vst.idx.add.f32.msk $0xffff, v16  }
0x487: {  	[tilespmem:v18+s12+$0x0] =	vst.idx.add.f32.msk $0xffff, v15  }
0x488: {  	[tilespmem:v12+s12+$0x0] =	vst.idx.add.f32.msk $0xffff, v13;
	v13 =	vmul.f32 v17, v2;
	v2 =	vmov v14  }
0x489: {  	v15 =	vmul.f32 v21, v3;
	v3 =	vmov v23;
	v14 =	vld.idx.msk [tilespmem:v5+s13+$0x0], $0xffff  }
0x48a: {  	v16 =	vld.idx.msk [tilespmem:v24+s13+$0x0], $0xffff  }
0x48b: {  	v19 =	vmul.f32 v19, v11;
	v17 =	vld.idx.msk [tilespmem:v26+s13+$0x0], $0xffff  }
0x48c: {  	v21 =	vld.idx.msk [tilespmem:v7+s17+$0x0], $0xffff;
	v7 =	vmov v26  }
0x48d: {  	[tilespmem:v10+s14+$0x0] =	vst.idx.add.f32.msk $0xffff, v19  }
0x48e: {  	v19 =	vld.idx.msk [tilespmem:v20+s15+$0x0], $0xffff  }
0x48f: {  	v14 =	vmul.f32 v14, v2;
	[tilespmem:v9+s10+$0x0] =	vst.idx.add.f32.msk $0xffff, v13;
	v9 =	vmov v22  }
0x490: {  	v13 =	vmul.f32 v16, v3;
	[tilespmem:v8+s10+$0x0] =	vst.idx.add.f32.msk $0xffff, v15;
	v8 =	vmov v18  }
0x491: {  	[tilespmem:v22+s14+$0x0] =	vst.idx.add.f32.msk $0xffff, v14;
	v14 =	vmul.f32 v17, v25  }
0x492: {  	[tilespmem:v18+s14+$0x0] =	vst.idx.add.f32.msk $0xffff, v13;
	v13 =	vmul.f32 v21, v4;
	v4 =	vmov v25  }
.Ltmp13:
0x493: {  	[tilespmem:v12+s14+$0x0] =	vst.idx.add.f32.msk $0xffff, v14;
	(pc) =	sbr.rel @p0 .LBB2_27-.Ltmp13, $4  }
0x494: {  	v14 =	vmul.f32 v19, v11;
	v15 =	vld.idx.msk [tilespmem:v5+s15+$0x0], $0xffff  }
0x495: {  	v16 =	vld.idx.msk [tilespmem:v6+s15+$0x0], $0xffff  }
0x496: {  	[tilespmem:v10+s16+$0x0] =	vst.idx.add.f32.msk $0xffff, v14  }
0x497: {  	s22 =	sadd.s32 $0x80, s22;
	s23 =	sadd.s32 $0x40, s23;
	v14 =	vld.idx.msk [tilespmem:v20+s17+$0x0], $0xffff  }
0x498: {  	_ =	sdelay $0x3  }
0x499: {  	v17 =	vld.idx.msk [tilespmem:v7+s15+$0x0], $0xffff  }
0x49a: {  	v15 =	vmul.f32 v15, v2  }
0x49b: {  	v16 =	vmul.f32 v16, v3  }
0x49c: {  	[tilespmem:v9+s16+$0x0] =	vst.idx.add.f32.msk $0xffff, v15  }
0x49d: {  	[tilespmem:v8+s16+$0x0] =	vst.idx.add.f32.msk $0xffff, v16  }
0x49e: {  	v5 =	vld.idx.msk [tilespmem:v5+s17+$0x0], $0xffff;
	v17 =	vmul.f32 v17, v4  }
0x49f: {  	v6 =	vld.idx.msk [tilespmem:v6+s17+$0x0], $0xffff  }
0x4a0: {  	[tilespmem:v12+s16+$0x0] =	vst.idx.add.f32.msk $0xffff, v17  }
0x4a1: {  	v7 =	vld.idx.msk [tilespmem:v7+s17+$0x0], $0xffff;
	_ =	sdelay $0x1  }
0x4a2: {  	p0 =	seq.s32 s20, $0x7C;
	v11 =	vmul.f32 v14, v11  }
0x4a3: {  	[tilespmem:v1+s10+$0x0] =	vst.idx.add.f32.msk $0xffff, v13;
	s21 =	smul.u32 @!p0 $0xA00, s20;
	v1 =	vmul.f32 v5, v2  }
0x4a4: {  	[tilespmem:v10+s10+$0x0] =	vst.idx.add.f32.msk $0xffff, v11;
	v2 =	vmul.f32 v6, v3  }
0x4a5: {  	s21 =	sshrl.u32 @!p0 s21, $0x3;
	[tilespmem:v9+s10+$0x0] =	vst.idx.add.f32.msk $0xffff, v1;
	v1 =	vmul.f32 v7, v4  }
0x4a6: {  	s21 =	sadd.s32 @!p0 $0x140, s21;
	[tilespmem:v8+s10+$0x0] =	vst.idx.add.f32.msk $0xffff, v2  }
0x4a7: {  	s23 =	simm.s32 @!p0 $0x0;
	s24 =	simm.s32 @!p0 $0x1D580;
	s22 =	sadd.s32 @!p0 s2, s21;
	[tilespmem:v12+s10+$0x0] =	vst.idx.add.f32.msk $0xffff, v1  }
0x4a8: {  	[tilespmem:s24], [sflag:$0x1] =	stream.linear.gather @!p0 [hbm4b:s22+s23], $0x80, $0x38;
	[tilespmem:$0x1E980] =	vst v63  }
0x4a9: {  	s25 =	simm.s32 @!p0 $0x1D680;
	s24 =	sadd.s32 @!p0 $0x10, s22  }
0x4aa: {  	[tilespmem:s25], [sflag:$0x1] =	stream.linear.gather @!p0 [hbm4b:s24+s23], $0x80, $0x38;
	[tilespmem:$0x1E980] =	vst v63  }
0x4ab: {  	s24 =	sadd.s32 @!p0 $0x20, s22;
	s25 =	simm.s32 @!p0 $0x1D780  }
0x4ac: {  	[tilespmem:s25], [sflag:$0x1] =	stream.linear.gather @!p0 [hbm4b:s24+s23], $0x80, $0x38;
	[tilespmem:$0x1E980] =	vst v63  }
0x4ad: {  	s24 =	sadd.s32 @!p0 $0x30, s22;
	s25 =	simm.s32 @!p0 $0x1D880  }
0x4ae: {  	[tilespmem:s25], [sflag:$0x1] =	stream.linear.gather @!p0 [hbm4b:s24+s23], $0x80, $0x38;
	[tilespmem:$0x1E980] =	vst v63  }
0x4af: {  	s24 =	sadd.s32 @!p0 $0x40, s22;
	s25 =	simm.s32 @!p0 $0x1D980  }
0x4b0: {  	[tilespmem:s25], [sflag:$0x1] =	stream.linear.gather @!p0 [hbm4b:s24+s23], $0x80, $0x38;
	[tilespmem:$0x1E980] =	vst v63  }
0x4b1: {  	s24 =	sadd.s32 @!p0 $0x50, s22;
	s25 =	simm.s32 @!p0 $0x1DA80  }
0x4b2: {  	[tilespmem:s25], [sflag:$0x1] =	stream.linear.gather @!p0 [hbm4b:s24+s23], $0x80, $0x38;
	[tilespmem:$0x1E980] =	vst v63  }
0x4b3: {  	s24 =	sadd.s32 @!p0 $0x60, s22;
	s25 =	simm.s32 @!p0 $0x1DB80  }
0x4b4: {  	[tilespmem:s25], [sflag:$0x1] =	stream.linear.gather @!p0 [hbm4b:s24+s23], $0x80, $0x38;
	[tilespmem:$0x1E980] =	vst v63  }
0x4b5: {  	s24 =	sadd.s32 @!p0 $0x70, s22;
	s25 =	simm.s32 @!p0 $0x1DC80  }
0x4b6: {  	[tilespmem:s25], [sflag:$0x1] =	stream.linear.gather @!p0 [hbm4b:s24+s23], $0x80, $0x38;
	[tilespmem:$0x1E980] =	vst v63  }
0x4b7: {  	s24 =	sadd.s32 @!p0 $0x80, s22;
	s25 =	simm.s32 @!p0 $0x1DD80  }
0x4b8: {  	[tilespmem:s25], [sflag:$0x1] =	stream.linear.gather @!p0 [hbm4b:s24+s23], $0x80, $0x38;
	[tilespmem:$0x1E980] =	vst v63  }
0x4b9: {  	s22 =	sadd.s32 @!p0 $0x90, s22;
	s24 =	simm.s32 @!p0 $0x1DE80  }
0x4ba: {  	[tilespmem:s24], [sflag:$0x1] =	stream.linear.gather @!p0 [hbm4b:s22+s23], $0x80, $0x38;
	[tilespmem:$0x1E980] =	vst v63  }
0x4bb: {  	s21 =	sadd.s32 @!p0 s3, s21;
	s22 =	simm.s32 @!p0 $0x1DF80  }
0x4bc: {  	[tilespmem:s22], [sflag:$0x1] =	stream.linear.gather @!p0 [hbm4b:s21+s23], $0x80, $0x38;
	[tilespmem:$0x1E980] =	vst v63  }
0x4bd: {  	s24 =	simm.s32 @!p0 $0x1E080;
	s22 =	sadd.s32 @!p0 $0x10, s21  }
0x4be: {  	[tilespmem:s24], [sflag:$0x1] =	stream.linear.gather @!p0 [hbm4b:s22+s23], $0x80, $0x38;
	[tilespmem:$0x1E980] =	vst v63  }
0x4bf: {  	s22 =	sadd.s32 @!p0 $0x20, s21;
	s24 =	simm.s32 @!p0 $0x1E180  }
0x4c0: {  	[tilespmem:s24], [sflag:$0x1] =	stream.linear.gather @!p0 [hbm4b:s22+s23], $0x80, $0x38;
	[tilespmem:$0x1E980] =	vst v63  }
0x4c1: {  	s22 =	sadd.s32 @!p0 $0x30, s21;
	s24 =	simm.s32 @!p0 $0x1E280  }
0x4c2: {  	[tilespmem:s24], [sflag:$0x1] =	stream.linear.gather @!p0 [hbm4b:s22+s23], $0x80, $0x38;
	[tilespmem:$0x1E980] =	vst v63  }
0x4c3: {  	s22 =	sadd.s32 @!p0 $0x40, s21;
	s24 =	simm.s32 @!p0 $0x1E380  }
0x4c4: {  	[tilespmem:s24], [sflag:$0x1] =	stream.linear.gather @!p0 [hbm4b:s22+s23], $0x80, $0x38;
	[tilespmem:$0x1E980] =	vst v63  }
0x4c5: {  	s22 =	sadd.s32 @!p0 $0x50, s21;
	s24 =	simm.s32 @!p0 $0x1E480  }
0x4c6: {  	[tilespmem:s24], [sflag:$0x1] =	stream.linear.gather @!p0 [hbm4b:s22+s23], $0x80, $0x38;
	[tilespmem:$0x1E980] =	vst v63  }
0x4c7: {  	s22 =	sadd.s32 @!p0 $0x60, s21;
	s24 =	simm.s32 @!p0 $0x1E580  }
0x4c8: {  	[tilespmem:s24], [sflag:$0x1] =	stream.linear.gather @!p0 [hbm4b:s22+s23], $0x80, $0x38;
	[tilespmem:$0x1E980] =	vst v63  }
0x4c9: {  	s22 =	sadd.s32 @!p0 $0x70, s21;
	s24 =	simm.s32 @!p0 $0x1E680  }
0x4ca: {  	[tilespmem:s24], [sflag:$0x1] =	stream.linear.gather @!p0 [hbm4b:s22+s23], $0x80, $0x38;
	[tilespmem:$0x1E980] =	vst v63  }
0x4cb: {  	s22 =	sadd.s32 @!p0 $0x80, s21;
	s24 =	simm.s32 @!p0 $0x1E780  }
0x4cc: {  	[tilespmem:s24], [sflag:$0x1] =	stream.linear.gather @!p0 [hbm4b:s22+s23], $0x80, $0x38;
	[tilespmem:$0x1E980] =	vst v63  }
0x4cd: {  	s21 =	sadd.s32 @!p0 $0x90, s21;
	s22 =	simm.s32 @!p0 $0x1E880  }
0x4ce: {  	[tilespmem:s22], [sflag:$0x1] =	stream.linear.gather @!p0 [hbm4b:s21+s23], $0x80, $0x38;
	[tilespmem:$0x1E980] =	vst v63  }
0x4cf: {  	_ =	swait.ge [sflag:s18], $0x500  }
0x4d0: {  	p1 =	por $0x0, $0x0;
	s21 =	simm.s32 $0x1;
	[sflag:s18] =	ssyncset.done $0x0  }
0x4d1: {  	s21 =	simm.s32 @!p1 $0x0;
	[sflag:s18] =	ssyncadd.s32 $0xFFFFFB00  }
0x4d2: {  	s21 =	sshll.u32 s21, $0x6;
	_ =	swait.ge [sflag:s18], $0x500  }
0x4d3: {  	s21 =	sadd.s32 $0x0, s21;
	[sflag:s18] =	ssyncset.done $0x0  }
0x4d4: {  	s22 =	sor.u32 $0xB0, s21;
	[sflag:s18] =	ssyncadd.s32 $0xFFFFFB00  }
0x4d5: {  	s25 =	sor.u32 $0x80, s21;
	v1 =	vld [tilespmem:s22+$0x1D580]  }
0x4d6: {  	s26 =	sor.u32 $0x90, s21;
	s21 =	sor.u32 $0xA0, s21;
	v2 =	vld [tilespmem:s25+$0x1D580]  }
0x4d7: {  	v4 =	vld [tilespmem:s21+$0x1D580];
	_ =	sdelay $0x2  }
0x4d8: {  	v3 =	vld [tilespmem:s26+$0x1D580];
	v5 =	vshrl.u32 v1, $0xE  }
0x4d9: {  	v13 =	vshrl.u32 v2, $0xE  }
0x4da: {  	v14 =	vld [tilespmem:s25+$0x1DF80];
	v17 =	vshrl.u32 v4, $0xE  }
0x4db: {  	v7 =	vld [tilespmem:s22+$0x1DF80]  }
0x4dc: {  	p1 =	por !p1, !p1;
	v18 =	vld [tilespmem:s21+$0x1DF80];
	s21 =	simm.s32 $0x1  }
0x4dd: {  	s21 =	simm.s32 @!p1 $0x0;
	v16 =	vshrl.u32 v3, $0xE;
	v6 =	vld.idx.msk [tilespmem:v5+s4+$0x0], $0xffff  }
0x4de: {  	s21 =	sshll.u32 s21, $0x6;
	v8 =	vld.idx.msk [tilespmem:v13+s4+$0x0], $0xffff  }
0x4df: {  	s21 =	sadd.s32 $0x80, s21;
	v9 =	vand.u32 $0x3FFF, v1;
	v19 =	vand.u32 $0x3FFF, v2;
	v2 =	vld.idx.msk [tilespmem:v17+s4+$0x0], $0xffff  }
0x4e0: {  	v15 =	vld [tilespmem:s26+$0x1DF80];
	s25 =	sor.u32 $0x80, s21  }
0x4e1: {  	v1 =	vand.u32 $0x3FFF, v4;
	v21 =	vld [tilespmem:s25+$0x1D580]  }
0x4e2: {  	s26 =	sor.u32 $0x90, s21;
	v20 =	vand.u32 $0x3FFF, v3;
	v10 =	vld.idx.msk [tilespmem:v16+s4+$0x0], $0xffff;
	v3 =	vmul.f32 v6, v7  }
0x4e3: {  	v22 =	vld [tilespmem:s26+$0x1D580];
	v4 =	vmul.f32 v8, v14  }
0x4e4: {  	v2 =	vmul.f32 v2, v18;
	[tilespmem:v9+s12+$0x0] =	vst.idx.add.f32.msk $0xffff, v3  }
0x4e5: {  	[tilespmem:v19+s12+$0x0] =	vst.idx.add.f32.msk $0xffff, v4  }
0x4e6: {  	s22 =	sor.u32 $0xB0, s21;
	[tilespmem:v1+s12+$0x0] =	vst.idx.add.f32.msk $0xffff, v2  }
0x4e7: {  	v3 =	vmul.f32 v10, v15;
	v10 =	vld [tilespmem:s22+$0x1D580]  }
0x4e8: {  	v6 =	vld.idx.msk [tilespmem:v5+s13+$0x0], $0xffff  }
0x4e9: {  	v2 =	vld.idx.msk [tilespmem:v13+s13+$0x0], $0xffff  }
0x4ea: {  	[tilespmem:v20+s12+$0x0] =	vst.idx.add.f32.msk $0xffff, v3  }
0x4eb: {  	s21 =	sor.u32 $0xA0, s21;
	v3 =	vld.idx.msk [tilespmem:v16+s13+$0x0], $0xffff  }
0x4ec: {  	v23 =	vld [tilespmem:s21+$0x1D580]  }
0x4ed: {  	v4 =	vld.idx.msk [tilespmem:v17+s13+$0x0], $0xffff;
	v6 =	vmul.f32 v6, v7  }
0x4ee: {  	v12 =	vld [tilespmem:s22+$0x1DF80];
	v11 =	vshrl.u32 v10, $0xE  }
0x4ef: {  	v2 =	vmul.f32 v2, v14;
	[tilespmem:v9+s14+$0x0] =	vst.idx.add.f32.msk $0xffff, v6  }
0x4f0: {  	v3 =	vmul.f32 v3, v15;
	v6 =	vld.idx.msk [tilespmem:v5+s15+$0x0], $0xffff  }
0x4f1: {  	[tilespmem:v19+s14+$0x0] =	vst.idx.add.f32.msk $0xffff, v2  }
0x4f2: {  	v2 =	vmul.f32 v4, v18;
	[tilespmem:v20+s14+$0x0] =	vst.idx.add.f32.msk $0xffff, v3  }
0x4f3: {  	v24 =	vld.idx.msk [tilespmem:v11+s4+$0x0], $0xffff  }
0x4f4: {  	[tilespmem:v1+s14+$0x0] =	vst.idx.add.f32.msk $0xffff, v2  }
0x4f5: {  	v10 =	vand.u32 $0x3FFF, v10;
	v3 =	vld.idx.msk [tilespmem:v13+s15+$0x0], $0xffff;
	v2 =	vmul.f32 v6, v7  }
0x4f6: {  	v4 =	vld.idx.msk [tilespmem:v16+s15+$0x0], $0xffff  }
0x4f7: {  	v6 =	vshrl.u32 v22, $0xE;
	[tilespmem:v9+s16+$0x0] =	vst.idx.add.f32.msk $0xffff, v2  }
0x4f8: {  	v55 =	vmul.f32 v24, v12;
	v2 =	vld.idx.msk [tilespmem:v5+s17+$0x0], $0xffff  }
0x4f9: {  	v8 =	vld.idx.msk [tilespmem:v17+s15+$0x0], $0xffff  }
0x4fa: {  	[tilespmem:v10+s12+$0x0] =	vst.idx.add.f32.msk $0xffff, v55  }
0x4fb: {  	v59 =	vld.idx.msk [tilespmem:v11+s13+$0x0], $0xffff  }
0x4fc: {  	v26 =	vld.idx.msk [tilespmem:v6+s4+$0x0], $0xffff  }
0x4fd: {  	v5 =	vmul.f32 v2, v7;
	v2 =	vld [tilespmem:s25+$0x1DF80]  }
0x4fe: {  	v7 =	vmul.f32 v3, v14;
	v3 =	vld [tilespmem:s26+$0x1DF80]  }
0x4ff: {  	[tilespmem:v9+s10+$0x0] =	vst.idx.add.f32.msk $0xffff, v5  }
0x500: {  	v9 =	vmul.f32 v4, v15;
	v4 =	vld [tilespmem:s21+$0x1DF80]  }
0x501: {  	v5 =	vshrl.u32 v21, $0xE;
	[tilespmem:v19+s16+$0x0] =	vst.idx.add.f32.msk $0xffff, v7  }
0x502: {  	v7 =	vshrl.u32 v23, $0xE;
	v56 =	vld.idx.msk [tilespmem:v13+s17+$0x0], $0xffff  }
0x503: {  	[tilespmem:v20+s16+$0x0] =	vst.idx.add.f32.msk $0xffff, v9;
	v9 =	vmul.f32 v8, v18  }
0x504: {  	v16 =	vld.idx.msk [tilespmem:v16+s17+$0x0], $0xffff  }
0x505: {  	[tilespmem:v1+s16+$0x0] =	vst.idx.add.f32.msk $0xffff, v9  }
0x506: {  	v24 =	vmul.f32 v59, v12;
	v9 =	vand.u32 $0x3FFF, v22;
	v25 =	vld.idx.msk [tilespmem:v5+s4+$0x0], $0xffff  }
0x507: {  	v27 =	vld.idx.msk [tilespmem:v7+s4+$0x0], $0xffff  }
0x508: {  	[tilespmem:v10+s14+$0x0] =	vst.idx.add.f32.msk $0xffff, v24;
	v8 =	vand.u32 $0x3FFF, v21  }
0x509: {  	v13 =	vand.u32 $0x3FFF, v23;
	v58 =	vmul.f32 v26, v3;
	v17 =	vld.idx.msk [tilespmem:v17+s17+$0x0], $0xffff  }
0x50a: {  	v15 =	vmul.f32 v16, v15;
	v16 =	vld.idx.msk [tilespmem:v11+s15+$0x0], $0xffff  }
0x50b: {  	[tilespmem:v9+s12+$0x0] =	vst.idx.add.f32.msk $0xffff, v58;
	v57 =	vmul.f32 v25, v2  }
0x50c: {  	v60 =	vmul.f32 v27, v4;
	v62 =	vld.idx.msk [tilespmem:v6+s13+$0x0], $0xffff  }
0x50d: {  	[tilespmem:v8+s12+$0x0] =	vst.idx.add.f32.msk $0xffff, v57  }
0x50e: {  	[tilespmem:v13+s12+$0x0] =	vst.idx.add.f32.msk $0xffff, v60  }
0x50f: {  	v61 =	vld.idx.msk [tilespmem:v5+s13+$0x0], $0xffff  }
0x510: {  	v14 =	vmul.f32 v56, v14;
	v63 =	vld.idx.msk [tilespmem:v7+s13+$0x0], $0xffff;
	_ =	sdelay $0x1  }
0x511: {  	[tilespmem:v19+s10+$0x0] =	vst.idx.add.f32.msk $0xffff, v14;
	v14 =	vmul.f32 v62, v3  }
0x512: {  	[tilespmem:v20+s10+$0x0] =	vst.idx.add.f32.msk $0xffff, v15  }
0x513: {  	[tilespmem:v9+s14+$0x0] =	vst.idx.add.f32.msk $0xffff, v14;
	v14 =	vmul.f32 v17, v18;
	v21 =	vmul.f32 v61, v2  }
0x514: {  	v17 =	vmul.f32 v16, v12;
	v15 =	vmul.f32 v63, v4;
	v16 =	vld.idx.msk [tilespmem:v6+s15+$0x0], $0xffff  }
0x515: {  	[tilespmem:v8+s14+$0x0] =	vst.idx.add.f32.msk $0xffff, v21  }
0x516: {  	[tilespmem:v13+s14+$0x0] =	vst.idx.add.f32.msk $0xffff, v15  }
0x517: {  	p1 =	por !p1, !p1;
	s22 =	simm.s32 $0x80;
	s21 =	simm.s32 $0x4;
	v15 =	vld.idx.msk [tilespmem:v5+s15+$0x0], $0xffff  }
.LBB2_29:
0x518: {  	s23 =	simm.s32 $0x1  }
0x519: {  	s21 =	sadd.s32 $0x4, s21;
	[tilespmem:v10+s16+$0x0] =	vst.idx.add.f32.msk $0xffff, v17;
	s23 =	simm.s32 @!p1 $0x0  }
0x51a: {  	s22 =	sadd.s32 $0x80, s22;
	p2 =	slt.u32 s21, $0x4C;
	s23 =	sshll.u32 s23, $0x6;
	v11 =	vld.idx.msk [tilespmem:v11+s17+$0x0], $0xffff  }
0x51b: {  	s23 =	sadd.s32 s23, s22;
	v17 =	vld.idx.msk [tilespmem:v7+s15+$0x0], $0xffff  }
0x51c: {  	s24 =	sor.u32 $0x80, s23;
	s25 =	sor.u32 $0x90, s23;
	s26 =	sor.u32 $0xB0, s23;
	[tilespmem:v1+s10+$0x0] =	vst.idx.add.f32.msk $0xffff, v14;
	v1 =	vmov v13  }
0x51d: {  	v15 =	vmul.f32 v15, v2;
	s23 =	sor.u32 $0xA0, s23;
	v14 =	vld [tilespmem:s26+$0x1D580]  }
0x51e: {  	v16 =	vmul.f32 v16, v3;
	v13 =	vld [tilespmem:s24+$0x1D580]  }
0x51f: {  	v18 =	vld [tilespmem:s25+$0x1D580]  }
0x520: {  	v12 =	vmul.f32 v11, v12;
	v19 =	vld [tilespmem:s23+$0x1D580]  }
0x521: {  	v17 =	vmul.f32 v17, v4;
	v20 =	vld [tilespmem:s24+$0x1DF80]  }
0x522: {  	v11 =	vshrl.u32 v14, $0xE;
	[tilespmem:v10+s10+$0x0] =	vst.idx.add.f32.msk $0xffff, v12  }
0x523: {  	v21 =	vshrl.u32 v13, $0xE;
	v22 =	vand.u32 $0x3FFF, v13;
	v23 =	vld [tilespmem:s25+$0x1DF80]  }
0x524: {  	v24 =	vshrl.u32 v18, $0xE;
	v18 =	vand.u32 $0x3FFF, v18;
	v25 =	vld [tilespmem:s23+$0x1DF80]  }
0x525: {  	v26 =	vshrl.u32 v19, $0xE;
	v13 =	vand.u32 $0x3FFF, v19;
	[tilespmem:v8+s16+$0x0] =	vst.idx.add.f32.msk $0xffff, v15  }
0x526: {  	[tilespmem:v9+s16+$0x0] =	vst.idx.add.f32.msk $0xffff, v16  }
0x527: {  	v15 =	vld.idx.msk [tilespmem:v11+s4+$0x0], $0xffff  }
0x528: {  	v12 =	vld [tilespmem:s26+$0x1DF80]  }
0x529: {  	v16 =	vld.idx.msk [tilespmem:v21+s4+$0x0], $0xffff  }
0x52a: {  	v10 =	vand.u32 $0x3FFF, v14;
	v19 =	vld.idx.msk [tilespmem:v24+s4+$0x0], $0xffff  }
0x52b: {  	v14 =	vld.idx.msk [tilespmem:v26+s4+$0x0], $0xffff  }
0x52c: {  	[tilespmem:v1+s16+$0x0] =	vst.idx.add.f32.msk $0xffff, v17  }
0x52d: {  	v15 =	vmul.f32 v15, v12;
	v17 =	vld.idx.msk [tilespmem:v5+s17+$0x0], $0xffff;
	v5 =	vmov v21  }
0x52e: {  	v21 =	vld.idx.msk [tilespmem:v6+s17+$0x0], $0xffff;
	v6 =	vmov v24  }
0x52f: {  	v16 =	vmul.f32 v16, v20;
	[tilespmem:v10+s12+$0x0] =	vst.idx.add.f32.msk $0xffff, v15  }
0x530: {  	v15 =	vmul.f32 v19, v23;
	v19 =	vld.idx.msk [tilespmem:v11+s13+$0x0], $0xffff  }
0x531: {  	v14 =	vmul.f32 v14, v25;
	[tilespmem:v22+s12+$0x0] =	vst.idx.add.f32.msk $0xffff, v16  }
0x532: {  	[tilespmem:v18+s12+$0x0] =	vst.idx.add.f32.msk $0xffff, v15  }
0x533: {  	[tilespmem:v13+s12+$0x0] =	vst.idx.add.f32.msk $0xffff, v14;
	v14 =	vmul.f32 v17, v2;
	v2 =	vmov v20  }
0x534: {  	v16 =	vmul.f32 v21, v3;
	v3 =	vmov v23;
	v15 =	vld.idx.msk [tilespmem:v5+s13+$0x0], $0xffff  }
0x535: {  	v17 =	vld.idx.msk [tilespmem:v24+s13+$0x0], $0xffff  }
0x536: {  	v19 =	vmul.f32 v19, v12;
	v20 =	vld.idx.msk [tilespmem:v26+s13+$0x0], $0xffff  }
0x537: {  	v21 =	vld.idx.msk [tilespmem:v7+s17+$0x0], $0xffff;
	v7 =	vmov v26  }
0x538: {  	[tilespmem:v10+s14+$0x0] =	vst.idx.add.f32.msk $0xffff, v19  }
0x539: {  	v19 =	vld.idx.msk [tilespmem:v11+s15+$0x0], $0xffff  }
0x53a: {  	v15 =	vmul.f32 v15, v2;
	[tilespmem:v8+s10+$0x0] =	vst.idx.add.f32.msk $0xffff, v14;
	v8 =	vmov v22  }
0x53b: {  	v14 =	vmul.f32 v17, v3;
	[tilespmem:v9+s10+$0x0] =	vst.idx.add.f32.msk $0xffff, v16;
	v9 =	vmov v18  }
.Ltmp14:
0x53c: {  	[tilespmem:v22+s14+$0x0] =	vst.idx.add.f32.msk $0xffff, v15;
	v15 =	vmul.f32 v20, v25;
	(pc) =	sbr.rel @p2 .LBB2_29-.Ltmp14, $4  }
0x53d: {  	[tilespmem:v18+s14+$0x0] =	vst.idx.add.f32.msk $0xffff, v14;
	v14 =	vmul.f32 v21, v4;
	v4 =	vmov v25  }
0x53e: {  	[tilespmem:v13+s14+$0x0] =	vst.idx.add.f32.msk $0xffff, v15  }
0x53f: {  	v17 =	vmul.f32 v19, v12;
	v15 =	vld.idx.msk [tilespmem:v5+s15+$0x0], $0xffff  }
0x540: {  	p1 =	por !p1, !p1;
	v16 =	vld.idx.msk [tilespmem:v6+s15+$0x0], $0xffff  }
0x541: {  	_ =	sdelay $0x3  }
0x542: {  	v18 =	vld.idx.msk [tilespmem:v7+s15+$0x0], $0xffff;
	_ =	sdelay $0x1  }
0x543: {  	[tilespmem:v10+s16+$0x0] =	vst.idx.add.f32.msk $0xffff, v17;
	v15 =	vmul.f32 v15, v2  }
0x544: {  	v11 =	vld.idx.msk [tilespmem:v11+s17+$0x0], $0xffff;
	v16 =	vmul.f32 v16, v3  }
0x545: {  	[tilespmem:v8+s16+$0x0] =	vst.idx.add.f32.msk $0xffff, v15  }
0x546: {  	v62 =	vmul.f32 v18, v4;
	[tilespmem:v9+s16+$0x0] =	vst.idx.add.f32.msk $0xffff, v16  }
0x547: {  	v5 =	vld.idx.msk [tilespmem:v5+s17+$0x0], $0xffff  }
0x548: {  	[tilespmem:v13+s16+$0x0] =	vst.idx.add.f32.msk $0xffff, v62  }
0x549: {  	v6 =	vld.idx.msk [tilespmem:v6+s17+$0x0], $0xffff  }
0x54a: {  	v63 =	vld.idx.msk [tilespmem:v7+s17+$0x0], $0xffff;
	_ =	sdelay $0x1  }
0x54b: {  	v11 =	vmul.f32 v11, v12  }
.Ltmp15:
0x54c: {  	[tilespmem:v1+s10+$0x0] =	vst.idx.add.f32.msk $0xffff, v14;
	v1 =	vmul.f32 v5, v2;
	(pc) =	sbr.rel @p0 .LBB2_31-.Ltmp15, $4  }
0x54d: {  	[tilespmem:v10+s10+$0x0] =	vst.idx.add.f32.msk $0xffff, v11;
	v2 =	vmul.f32 v6, v3  }
0x54e: {  	[tilespmem:v8+s10+$0x0] =	vst.idx.add.f32.msk $0xffff, v1;
	v1 =	vmul.f32 v63, v4  }
0x54f: {  	[tilespmem:v9+s10+$0x0] =	vst.idx.add.f32.msk $0xffff, v2  }
0x550: {  	[tilespmem:v13+s10+$0x0] =	vst.idx.add.f32.msk $0xffff, v1  }
0x551: {  	s21 =	smul.u32 $0xA00, s20;
	_ =	sdelay $0x1  }
0x552: {  	s21 =	sshrl.u32 s21, $0x3  }
0x553: {  	s21 =	sadd.s32 $0x1E0, s21  }
0x554: {  	s23 =	simm.s32 $0x1D600;
	s22 =	sadd.s32 s2, s21  }
0x555: {  	[tilespmem:s23], [sflag:$0x2] =	stream.linear.gather [hbm4b:s22+s4], $0x80, $0x38;
	[tilespmem:$0x1E980] =	vst v63  }
0x556: {  	s24 =	simm.s32 $0x1D700;
	s26 =	sadd.s32 $0x10, s22  }
0x557: {  	[tilespmem:s24], [sflag:$0x2] =	stream.linear.gather [hbm4b:s26+s4], $0x80, $0x38;
	[tilespmem:$0x1E980] =	vst v63  }
0x558: {  	s25 =	sadd.s32 $0x20, s22;
	s26 =	simm.s32 $0x1D800  }
0x559: {  	[tilespmem:s26], [sflag:$0x2] =	stream.linear.gather [hbm4b:s25+s4], $0x80, $0x38;
	[tilespmem:$0x1E980] =	vst v63  }
0x55a: {  	s25 =	sadd.s32 $0x30, s22;
	s26 =	simm.s32 $0x1D900  }
0x55b: {  	[tilespmem:s26], [sflag:$0x2] =	stream.linear.gather [hbm4b:s25+s4], $0x80, $0x38;
	[tilespmem:$0x1E980] =	vst v63  }
0x55c: {  	s25 =	sadd.s32 $0x40, s22;
	s26 =	simm.s32 $0x1DA00  }
0x55d: {  	[tilespmem:s26], [sflag:$0x2] =	stream.linear.gather [hbm4b:s25+s4], $0x80, $0x38;
	[tilespmem:$0x1E980] =	vst v63  }
0x55e: {  	s25 =	sadd.s32 $0x50, s22;
	s26 =	simm.s32 $0x1DB00  }
0x55f: {  	[tilespmem:s26], [sflag:$0x2] =	stream.linear.gather [hbm4b:s25+s4], $0x80, $0x38;
	[tilespmem:$0x1E980] =	vst v63  }
0x560: {  	s25 =	sadd.s32 $0x60, s22;
	s26 =	simm.s32 $0x1DC00  }
0x561: {  	[tilespmem:s26], [sflag:$0x2] =	stream.linear.gather [hbm4b:s25+s4], $0x80, $0x38;
	[tilespmem:$0x1E980] =	vst v63  }
0x562: {  	s25 =	sadd.s32 $0x70, s22;
	s26 =	simm.s32 $0x1DD00  }
0x563: {  	[tilespmem:s26], [sflag:$0x2] =	stream.linear.gather [hbm4b:s25+s4], $0x80, $0x38;
	[tilespmem:$0x1E980] =	vst v63  }
0x564: {  	s25 =	sadd.s32 $0x80, s22;
	s26 =	simm.s32 $0x1DE00  }
0x565: {  	[tilespmem:s26], [sflag:$0x2] =	stream.linear.gather [hbm4b:s25+s4], $0x80, $0x38;
	[tilespmem:$0x1E980] =	vst v63  }
0x566: {  	s22 =	sadd.s32 $0x90, s22  }
0x567: {  	[tilespmem:s28], [sflag:$0x2] =	stream.linear.gather [hbm4b:s22+s4], $0x80, $0x38;
	[tilespmem:$0x1E980] =	vst v63  }
0x568: {  	s21 =	sadd.s32 s3, s21  }
0x569: {  	[tilespmem:s29], [sflag:$0x2] =	stream.linear.gather [hbm4b:s21+s4], $0x80, $0x38;
	[tilespmem:$0x1E980] =	vst v63  }
0x56a: {  	s23 =	sadd.s32 $0x10, s21  }
0x56b: {  	[tilespmem:s30], [sflag:$0x2] =	stream.linear.gather [hbm4b:s23+s4], $0x80, $0x38;
	[tilespmem:$0x1E980] =	vst v63  }
0x56c: {  	s24 =	sadd.s32 $0x20, s21  }
0x56d: {  	[tilespmem:s31], [sflag:$0x2] =	stream.linear.gather [hbm4b:s24+s4], $0x80, $0x38;
	[tilespmem:$0x1E980] =	vst v63  }
0x56e: {  	s25 =	sadd.s32 $0x30, s21  }
0x56f: {  	[tilespmem:s0], [sflag:$0x2] =	stream.linear.gather [hbm4b:s25+s4], $0x80, $0x38;
	[tilespmem:$0x1E980] =	vst v63  }
0x570: {  	s26 =	sadd.s32 $0x40, s21  }
0x571: {  	[tilespmem:s1], [sflag:$0x2] =	stream.linear.gather [hbm4b:s26+s4], $0x80, $0x38;
	[tilespmem:$0x1E980] =	vst v63  }
0x572: {  	s23 =	sadd.s32 $0x50, s21  }
0x573: {  	[tilespmem:s8], [sflag:$0x2] =	stream.linear.gather [hbm4b:s23+s4], $0x80, $0x38;
	[tilespmem:$0x1E980] =	vst v63  }
0x574: {  	s24 =	sadd.s32 $0x60, s21  }
0x575: {  	[tilespmem:s9], [sflag:$0x2] =	stream.linear.gather [hbm4b:s24+s4], $0x80, $0x38;
	[tilespmem:$0x1E980] =	vst v63  }
0x576: {  	s25 =	sadd.s32 $0x70, s21  }
0x577: {  	[tilespmem:s5], [sflag:$0x2] =	stream.linear.gather [hbm4b:s25+s4], $0x80, $0x38;
	[tilespmem:$0x1E980] =	vst v63  }
.Ltmp16:
0x578: {  	_ = 	snop;
	(pc) =	sbr.rel .LBB2_26-.Ltmp16, $4  }
0x579: {  	s26 =	sadd.s32 $0x80, s21  }
0x57a: {  	[tilespmem:s6], [sflag:$0x2] =	stream.linear.gather [hbm4b:s26+s4], $0x80, $0x38;
	[tilespmem:$0x1E980] =	vst v63  }
0x57b: {  	s20 =	sadd.s32 $0x1, s20;
	s21 =	sadd.s32 $0x90, s21  }
0x57c: {  	[tilespmem:s7], [sflag:$0x2] =	stream.linear.gather [hbm4b:s21+s4], $0x80, $0x38;
	[tilespmem:$0x1E980] =	vst v63  }
.LBB2_31:
0x57d: {  	s21 =	simm.s32 $0x13920  }
0x57e: {  	s20 =	simm.s32 $0x9CA0;
	v1 =	vld [tilespmem:s21+$0xFFFFFFE0]  }
0x57f: {  	v2 =	vld [tilespmem:s20+$0xFFFFFFE0];
	_ =	sdelay $0x4  }
0x580: {  	v1 =	vadd.f32 v2, v1;
	_ =	sdelay $0x1  }
0x581: {  	v1 =	vmul.f32 $2.500000000e-01, v1  }
0x582: {  	s19 =	simm.s32 $0x20  }
0x583: {  	[tilespmem:s19+$0xFFFFFFE0] =	vst v1  }
0x584: {  	v1 =	vld [tilespmem:s21+$0xFFFFFFF0]  }
0x585: {  	v2 =	vld [tilespmem:s20+$0xFFFFFFF0];
	_ =	sdelay $0x4  }
0x586: {  	v1 =	vadd.f32 v2, v1;
	_ =	sdelay $0x1  }
0x587: {  	v1 =	vmul.f32 $2.500000000e-01, v1;
	_ =	sdelay $0x1  }
0x588: {  	[tilespmem:s19+$0xFFFFFFF0] =	vst v1  }
0x589: {  	v1 =	vld [tilespmem:s21+$0x0]  }
0x58a: {  	v2 =	vld [tilespmem:s20+$0x0];
	_ =	sdelay $0x4  }
0x58b: {  	v1 =	vadd.f32 v2, v1;
	_ =	sdelay $0x1  }
0x58c: {  	v1 =	vmul.f32 $2.500000000e-01, v1;
	_ =	sdelay $0x1  }
0x58d: {  	[tilespmem:s19+$0x0] =	vst v1  }
0x58e: {  	v1 =	vld [tilespmem:s21+$0x10]  }
0x58f: {  	v2 =	vld [tilespmem:s20+$0x10];
	_ =	sdelay $0x4  }
0x590: {  	s23 =	simm.s32 $0x13960;
	s22 =	simm.s32 $0x20;
	s21 =	simm.s32 $0x0;
	v1 =	vadd.f32 v2, v1  }
.LBB2_32:
0x591: {  	s21 =	sadd.s32 $0x4, s21;
	s19 =	sadd.s32 $0x40, s19;
	s20 =	sadd.s32 $0x40, s20  }
0x592: {  	p0 =	slt.u32 s21, $0x9C0;
	v1 =	vmul.f32 $2.500000000e-01, v1;
	_ =	sdelay $0x1  }
0x593: {  	[tilespmem:s22+$0x10] =	vst v1;
	s22 =	smov.u32 s19  }
0x594: {  	v1 =	vld [tilespmem:s23+$0xFFFFFFE0]  }
0x595: {  	v2 =	vld [tilespmem:s20+$0xFFFFFFE0];
	_ =	sdelay $0x4  }
0x596: {  	v1 =	vadd.f32 v2, v1;
	_ =	sdelay $0x1  }
0x597: {  	v1 =	vmul.f32 $2.500000000e-01, v1;
	_ =	sdelay $0x1  }
0x598: {  	[tilespmem:s19+$0xFFFFFFE0] =	vst v1  }
0x599: {  	v1 =	vld [tilespmem:s23+$0xFFFFFFF0]  }
0x59a: {  	v2 =	vld [tilespmem:s20+$0xFFFFFFF0];
	_ =	sdelay $0x4  }
0x59b: {  	v1 =	vadd.f32 v2, v1;
	_ =	sdelay $0x1  }
0x59c: {  	v1 =	vmul.f32 $2.500000000e-01, v1;
	_ =	sdelay $0x1  }
0x59d: {  	[tilespmem:s19+$0xFFFFFFF0] =	vst v1  }
0x59e: {  	v1 =	vld [tilespmem:s23+$0x0]  }
0x59f: {  	v2 =	vld [tilespmem:s20+$0x0];
	_ =	sdelay $0x4  }
0x5a0: {  	v1 =	vadd.f32 v2, v1;
	_ =	sdelay $0x1  }
0x5a1: {  	v1 =	vmul.f32 $2.500000000e-01, v1;
	_ =	sdelay $0x1  }
0x5a2: {  	[tilespmem:s19+$0x0] =	vst v1  }
0x5a3: {  	v1 =	vld [tilespmem:s23+$0x10]  }
0x5a4: {  	v2 =	vld [tilespmem:s20+$0x10]  }
.Ltmp17:
0x5a5: {  	(pc) =	sbr.rel @p0 .LBB2_32-.Ltmp17, $2  }
0x5a6: {  	_ =	sdelay $0x2  }
0x5a7: {  	s23 =	sadd.s32 $0x40, s23;
	v1 =	vadd.f32 v2, v1  }
0x5a8: {  	_ = 	snop  }
0x5a9: {  	v1 =	vmul.f32 $2.500000000e-01, v1;
	_ =	sdelay $0x1  }
0x5aa: {  	s19 =	rddreg [dreg:$0x7];
	s21 =	simm.s32 $0x3;
	[tilespmem:s22+$0x10] =	vst v1  }
0x5ab: {  	[hbm4b:s19+s4] =	stream.linear.scatter [tilespmem:s4], [sflag:$0x3], $0x9C40, $0x38;
	[tilespmem:$0x1E980] =	vst v63  }
0x5ac: {  	_ =	swait.ge [sflag:s21], $0x9C40  }
0x5ad: {  	s20 =	sld [smem:$0x7F0];
	_ =	sdelay $0x2  }
0x5ae: {  	s26 =	rddreg [dreg:$0x8];
	s20 =	sadd.s32 $0x1, s20  }
0x5af: {  	p0 =	sne.s32 s20, s26  }
.Ltmp18:
0x5b0: {  	_ = 	snop;
	(pc) =	sbr.rel @p0 .LBB2_1-.Ltmp18, $3  }
0x5b1: {  	_ =	sdelay $0x1  }
0x5b2: {  	[sflag:s21] =	ssyncset.done $0x0  }
0x5b3: {  	[sflag:s21] =	ssyncadd.s32 $0xFFFF63C0  }
0x5b4: {  	_ =	sfence.sel $0x180000  }
0x5b5: {  	[bflag:$0x0] =	sbarrier.arrive $0xFFFF  }
0x5b6: {  	_ =	strace $0x90000047  }
0x5b7: {  	s0 =	stileid.u32;
	[bflag:$0x2] =	sbarrier.arrive $0xFFFF  }
0x5b8: {  	p0 =	sne.s32 s0, $0x0;
	s0 =	rddreg [dreg:$0x3]  }
0x5b9: {  	s0 =	sadd.s32 @!p0 $0x100000, s0  }
0x5ba: {  	[sflag:s0] =	ssyncadd.tile.s32 @!p0 $0x1;
	_ =	shalt  }
.Lfunc_end2:
_tile_overlayer_lowered:
.L_overlay_start_2:
0x5bb: {  	(tag) =	ssettag $0x2  }
0x5bc: {  	s0 =	rddreg [dreg:$0x0];
	s2 =	stileid.u32  }
0x5bd: {  	s1 =	rddreg [dreg:$0x1];
	p0 =	sne.s32 s2, $0x0  }
0x5be: {  	s3 =	rddreg [dreg:$0x2];
	[bflag:$0x3] =	sbarrier.arrive $0xFFFF;
	s2 =	simm.s32 @!p0 $0x1C04  }
0x5bf: {  	[timem:s3], [sflag:s2] =	dma.local @!p0 [hbm:s0], s1  }
0x5c0: {  	s0 =	simm.s32 @!p0 $0x4  }
0x5c1: {  	_ =	swait.ge @!p0 [sflag:s0], s1  }
0x5c2: {  	s1 =	ssub.s32 @!p0 $0x0, s1;
	[sflag:s0] =	ssyncset.done @!p0 $0x0  }
0x5c3: {  	[sflag:s0] =	ssyncadd.s32 @!p0 s1  }
0x5c4: {  	[bflag:$0x3] =	sbarrier.arrive $0xFFFF  }
0x5c5: {  	_ =	shalt  }

</sc_bundles>
